<compile_context>
chip_gen: v7x
topology: tpu7x:2x2x1
jax: 0.10.2.dev20260603
libtpu: 0.0.44.dev20260713+nightly
codegen_flags: <defaults>
</compile_context>

<pallas_src>
import functools

import jax
import jax.numpy as jnp
from jax import lax
from jax.experimental import pallas as pl
from jax.experimental.pallas import tpu as pltpu
from jax.experimental.pallas import tpu_sc as plsc

_PADDING_IDX = 1
_BATCH = 4
_SEQ = 8192
_D = 1024
_ROWS = _BATCH * _SEQ
_NC = 2
_NS = 16
_NW = _NC * _NS
_SQ = _SEQ // _NW
_C = 32
_NCK = _SQ // _C
_L = 16
_NG = (_BATCH * _SQ) // _L

_mesh = plsc.VectorSubcoreMesh(core_axis_name="c", subcore_axis_name="s")

_dn = lax.GatherDimensionNumbers(
    offset_dims=(), collapsed_slice_dims=(0,), start_index_map=(0,))


def _take16(v, idx):
    return lax.gather(v, idx.reshape(_L, 1), _dn, slice_sizes=(1,),
                      mode=lax.GatherScatterMode.PROMISE_IN_BOUNDS)


@functools.partial(
    pl.kernel,
    mesh=_mesh,
    out_type=jax.ShapeDtypeStruct((_ROWS, _D), jnp.float32),
    scratch_types=[
        pltpu.VMEM((_BATCH * _SQ,), jnp.int32),
        pltpu.VMEM((_SQ,), jnp.int32),
        pltpu.VMEM((1, _L), jnp.int32),
        pltpu.VMEM((3, _C, _D), jnp.float32),
        pltpu.VMEM((_L, _D), jnp.float32),
        pltpu.SemaphoreType.DMA,
        pltpu.SemaphoreType.DMA,
        pltpu.SemaphoreType.DMA,
        pltpu.SemaphoreType.DMA,
        pltpu.SemaphoreType.DMA,
        pltpu.SemaphoreType.DMA,
    ],
)
def _sc_embed(x_hbm, w_hbm, out_hbm, xb_v, gidx,
              pidx, bufs, padsrc, sem0, sem1, sem2, wsem0, wsem1, wsem2):
    wid = lax.axis_index("s") * _NC + lax.axis_index("c")
    s0 = wid * _SQ
    wrow = s0 + _PADDING_IDX + 1
    lanes = lax.iota(jnp.int32, _L)

    for b in range(_BATCH):
        pltpu.sync_copy(x_hbm.at[pl.ds(b * _SEQ + s0, _SQ)],
                        xb_v.at[pl.ds(b * _SQ, _SQ)])

    for g in range(_SQ // _L):
        gidx[pl.ds(g * _L, _L)] = lanes + (wrow + g * _L)

    pidx[0, :] = jnp.full((_L,), _PADDING_IDX, jnp.int32)
    pltpu.async_copy(w_hbm.at[pidx.at[0]], padsrc, sem0).wait()

    def fire_g(k, buf, sem):
        pltpu.async_copy(w_hbm.at[gidx.at[pl.ds(k * _C, _C)]], bufs.at[buf], sem)

    def wait_g(buf, sem):
        pltpu.make_async_copy(w_hbm.at[pl.ds(0, _C)], bufs.at[buf], sem).wait()

    def fire_w(k, buf, wsem):
        for b in range(_BATCH):
            pltpu.async_copy(bufs.at[buf],
                             out_hbm.at[pl.ds(b * _SEQ + s0 + k * _C, _C)], wsem)

    def drain_w(buf, wsem):
        for b in range(_BATCH):
            pltpu.make_async_copy(bufs.at[buf],
                                  out_hbm.at[pl.ds(s0, _C)], wsem).wait()

    gs = (sem0, sem1, sem2)
    ws = (wsem0, wsem1, wsem2)
    for j in range(3):
        fire_g(j, j, gs[j])
    for k in range(_NCK):
        buf = k % 3
        wait_g(buf, gs[buf])
        fire_w(k, buf, ws[buf])
        if k >= 2 and k + 1 < _NCK:
            nbuf = (k + 1) % 3
            drain_w(nbuf, ws[nbuf])
            fire_g(k + 1, nbuf, gs[nbuf])
    for k in range(_NCK - 3, _NCK):
        drain_w(k % 3, ws[k % 3])

    def scan_body(j, carry):
        xv = xb_v[pl.ds(j * _L, _L)]
        m = xv == _PADDING_IDX
        f = jnp.where(m, 1, 0)
        for sh in (1, 2, 4, 8):
            f = jnp.maximum(f, _take16(f, lax.bitwise_xor(lanes, sh)))

        @pl.when(f[0] > 0)
        def _():
            q = j * _L + lanes
            b = lax.shift_right_logical(q, 8)
            s_local = lax.bitwise_and(q, _SQ - 1)
            rowid = b * _SEQ + (s0 + s_local)
            mxv = jnp.where(m, rowid, -1)
            for sh in (1, 2, 4, 8):
                mxv = jnp.maximum(mxv, _take16(mxv, lax.bitwise_xor(lanes, sh)))
            pidx[0, :] = jnp.where(m, rowid, mxv)
            pltpu.async_copy(padsrc, out_hbm.at[pidx.at[0]], sem0).wait()

        return carry

    lax.fori_loop(0, _NG, scan_body, 0)


def kernel(x, weights):
    bsz, seq_len = x.shape
    xf = x.reshape(bsz * seq_len).astype(jnp.int32)
    out = _sc_embed(xf, weights)
    return lax.stop_gradient(out.reshape(bsz, seq_len, _D))

# --- scband reference (transcript-rebuilt; emitter-appended) ---
"""Pipeline reference for scband-sinusoidal-positional-embedding-53944789238365 (READ-ONLY COPY).

The authoritative reference and input builder live on the scoring server;
editing this copy changes nothing except your own understanding.
"""

import math
import jax
import jax.numpy as jnp
import numpy as np

EMBED_DIM = 1024
PADDING_IDX = 1
BATCH = 4
SEQ_LEN = 8192


def get_embedding(num_embeddings, embed_dim, padding_idx):
    half_dim = embed_dim // 2
    scale = math.log(10000) / (half_dim - 1)
    inv = jnp.exp(jnp.arange(half_dim, dtype=jnp.float32) * -scale)
    emb = jnp.arange(num_embeddings, dtype=jnp.float32)[:, None] * inv[None, :]
    emb = jnp.concatenate([jnp.sin(emb), jnp.cos(emb)], axis=1).reshape(num_embeddings, -1)
    if embed_dim % 2 == 1:
        emb = jnp.concatenate([emb, jnp.zeros((num_embeddings, 1), dtype=jnp.float32)], axis=1)
    emb = emb.at[padding_idx].set(0.0)
    return emb


def setup_inputs(seed: int = 0) -> dict:
    key = jax.random.key(seed)
    x = jax.random.randint(key, (BATCH, SEQ_LEN), 0, 32000)
    max_pos = PADDING_IDX + 1 + SEQ_LEN
    weights = get_embedding(max_pos, EMBED_DIM, PADDING_IDX)
    return {"x": x, "weights": weights}


def reference(x, weights):
    bsz, seq_len = x.shape
    mask = (x != PADDING_IDX)
    range_buf = jnp.arange(seq_len, dtype=jnp.int32)[None, :] + PADDING_IDX + 1
    positions = jnp.broadcast_to(range_buf, x.shape)
    m = mask.astype(jnp.int32)
    positions = positions * m + PADDING_IDX * (1 - m)
    out = jnp.take(weights, positions.reshape(-1), axis=0).reshape(bsz, seq_len, -1)
    return jax.lax.stop_gradient(out)

if __name__ == "__main__":
    import jax
    _d = setup_inputs()
    print(jax.jit(kernel)(*tuple(_d.values())))

</pallas_src>

<mosaic_0001>
#map = affine_map<(d0, d1) -> (0)>
#map1 = affine_map<(d0, d1) -> (0, 0)>
module attributes {stable_mosaic.version = 14 : i64} {
  func.func @_sc_embed(%arg0: i32, %arg1: i32, %arg2: memref<32768xi32, #tpu.memory_space<hbm>>, %arg3: memref<8194x1024xf32, #tpu.memory_space<hbm>>, %arg4: memref<32768x1024xf32, #tpu.memory_space<hbm>>, %arg5: memref<1024xi32, #tpu.memory_space<vmem>>, %arg6: memref<256xi32, #tpu.memory_space<vmem>>, %arg7: memref<1x16xi32, #tpu.memory_space<vmem>>, %arg8: memref<3x32x1024xf32, #tpu.memory_space<vmem>>, %arg9: memref<16x1024xf32, #tpu.memory_space<vmem>>, %arg10: memref<!tpu.dma_semaphore, #tpu.memory_space<semaphore_mem>>, %arg11: memref<!tpu.dma_semaphore, #tpu.memory_space<semaphore_mem>>, %arg12: memref<!tpu.dma_semaphore, #tpu.memory_space<semaphore_mem>>, %arg13: memref<!tpu.dma_semaphore, #tpu.memory_space<semaphore_mem>>, %arg14: memref<!tpu.dma_semaphore, #tpu.memory_space<semaphore_mem>>, %arg15: memref<!tpu.dma_semaphore, #tpu.memory_space<semaphore_mem>>) attributes {dimension_semantics = [#tpu.dimension_semantics<core_parallel>, #tpu.dimension_semantics<subcore_parallel>], iteration_bounds = array<i64: 2, 16>, scalar_prefetch = 0 : i64, scratch_operands = 11 : i64, tpu.core_type = #tpu.core_type<sc_vector_subcore>, window_params = [{transform_indices = #map}, {transform_indices = #map1}, {transform_indices = #map1}]} {
    %mul3A = arith.constant 2 : i32
    %mul3A_0 = arith.muli %arg1, %mul3A : i32
    %add3A = arith.addi %mul3A_0, %arg0 : i32
    %mul3A_1 = arith.constant 256 : i32
    %mul3A_2 = arith.muli %add3A, %mul3A_1 : i32
    %add3A_3 = arith.constant 1 : i32
    %add3A_4 = arith.addi %mul3A_2, %add3A_3 : i32
    %add3A_5 = arith.constant 1 : i32
    %add3A_6 = arith.addi %add3A_4, %add3A_5 : i32
    %iota3A = tpu.iota {dimensions = array<i32: 0>} : vector<16xi32>
    %add3A_7 = arith.constant 0 : i32
    %add3A_8 = arith.addi %add3A_7, %mul3A_2 : i32
    "tpu.region"() ({
      %run_scoped3A = tpu.sem_alloc : memref<!tpu.dma_semaphore, #tpu.memory_space<semaphore_mem>>
      %dma_start3A_1326 = arith.constant 0 : i32
      %dma_start3A_1327 = tpu.memref_slice %arg5[%dma_start3A_1326] : memref<1024xi32, #tpu.memory_space<vmem>> -> memref<256xi32, #tpu.memory_space<vmem>>
      %dma_start3A_1328 = tpu.memref_slice %arg2[%add3A_8] : memref<32768xi32, #tpu.memory_space<hbm>> -> memref<256xi32, #tpu.memory_space<hbm>>
      %dma_start3A_1329 = arith.constant 0 : i32
      %dma_start3A_1330 = tpu.memref_slice %arg5[%dma_start3A_1329] : memref<1024xi32, #tpu.memory_space<vmem>> -> memref<256xi32, #tpu.memory_space<vmem>>
      %dma_start3A_1331 = tpu.memref_slice %arg2[%add3A_8] : memref<32768xi32, #tpu.memory_space<hbm>> -> memref<256xi32, #tpu.memory_space<hbm>>
      tpu.enqueue_dma source(%dma_start3A_1331 : memref<256xi32, #tpu.memory_space<hbm>>) target(%dma_start3A_1330 : memref<256xi32, #tpu.memory_space<vmem>>) target_semaphore(%run_scoped3A : memref<!tpu.dma_semaphore, #tpu.memory_space<semaphore_mem>>)
      %dma_wait3A_1332 = arith.constant 0 : i32
      %dma_wait3A_1333 = tpu.memref_slice %arg5[%dma_wait3A_1332] : memref<1024xi32, #tpu.memory_space<vmem>> -> memref<256xi32, #tpu.memory_space<vmem>>
      %dma_wait3A_1334 = tpu.memref_slice %arg2[%add3A_8] : memref<32768xi32, #tpu.memory_space<hbm>> -> memref<256xi32, #tpu.memory_space<hbm>>
      %dma_wait3A_1335 = arith.constant 0 : i32
      %dma_wait3A_1336 = tpu.memref_slice %arg5[%dma_wait3A_1335] : memref<1024xi32, #tpu.memory_space<vmem>> -> memref<256xi32, #tpu.memory_space<vmem>>
      %dma_wait3A_1337 = tpu.memref_slice %arg2[%add3A_8] : memref<32768xi32, #tpu.memory_space<hbm>> -> memref<256xi32, #tpu.memory_space<hbm>>
      tpu.wait_dma2 semaphore(%run_scoped3A : memref<!tpu.dma_semaphore, #tpu.memory_space<semaphore_mem>>) src(%dma_wait3A_1337 : memref<256xi32, #tpu.memory_space<hbm>>) dst(%dma_wait3A_1336 : memref<256xi32, #tpu.memory_space<vmem>>)
      tpu.yield
    }) : () -> ()
    %add3A_9 = arith.constant 8192 : i32
    %add3A_10 = arith.addi %add3A_9, %mul3A_2 : i32
    "tpu.region"() ({
      %run_scoped3A = tpu.sem_alloc : memref<!tpu.dma_semaphore, #tpu.memory_space<semaphore_mem>>
      %dma_start3A_1326 = arith.constant 256 : i32
      %dma_start3A_1327 = tpu.memref_slice %arg5[%dma_start3A_1326] : memref<1024xi32, #tpu.memory_space<vmem>> -> memref<256xi32, #tpu.memory_space<vmem>>
      %dma_start3A_1328 = tpu.memref_slice %arg2[%add3A_10] : memref<32768xi32, #tpu.memory_space<hbm>> -> memref<256xi32, #tpu.memory_space<hbm>>
      %dma_start3A_1329 = arith.constant 256 : i32
      %dma_start3A_1330 = tpu.memref_slice %arg5[%dma_start3A_1329] : memref<1024xi32, #tpu.memory_space<vmem>> -> memref<256xi32, #tpu.memory_space<vmem>>
      %dma_start3A_1331 = tpu.memref_slice %arg2[%add3A_10] : memref<32768xi32, #tpu.memory_space<hbm>> -> memref<256xi32, #tpu.memory_space<hbm>>
      tpu.enqueue_dma source(%dma_start3A_1331 : memref<256xi32, #tpu.memory_space<hbm>>) target(%dma_start3A_1330 : memref<256xi32, #tpu.memory_space<vmem>>) target_semaphore(%run_scoped3A : memref<!tpu.dma_semaphore, #tpu.memory_space<semaphore_mem>>)
      %dma_wait3A_1332 = arith.constant 256 : i32
      %dma_wait3A_1333 = tpu.memref_slice %arg5[%dma_wait3A_1332] : memref<1024xi32, #tpu.memory_space<vmem>> -> memref<256xi32, #tpu.memory_space<vmem>>
      %dma_wait3A_1334 = tpu.memref_slice %arg2[%add3A_10] : memref<32768xi32, #tpu.memory_space<hbm>> -> memref<256xi32, #tpu.memory_space<hbm>>
      %dma_wait3A_1335 = arith.constant 256 : i32
      %dma_wait3A_1336 = tpu.memref_slice %arg5[%dma_wait3A_1335] : memref<1024xi32, #tpu.memory_space<vmem>> -> memref<256xi32, #tpu.memory_space<vmem>>
      %dma_wait3A_1337 = tpu.memref_slice %arg2[%add3A_10] : memref<32768xi32, #tpu.memory_space<hbm>> -> memref<256xi32, #tpu.memory_space<hbm>>
      tpu.wait_dma2 semaphore(%run_scoped3A : memref<!tpu.dma_semaphore, #tpu.memory_space<semaphore_mem>>) src(%dma_wait3A_1337 : memref<256xi32, #tpu.memory_space<hbm>>) dst(%dma_wait3A_1336 : memref<256xi32, #tpu.memory_space<vmem>>)
      tpu.yield
    }) : () -> ()
    %add3A_11 = arith.constant 16384 : i32
    %add3A_12 = arith.addi %add3A_11, %mul3A_2 : i32
    "tpu.region"() ({
      %run_scoped3A = tpu.sem_alloc : memref<!tpu.dma_semaphore, #tpu.memory_space<semaphore_mem>>
      %dma_start3A_1326 = arith.constant 512 : i32
      %dma_start3A_1327 = tpu.memref_slice %arg5[%dma_start3A_1326] : memref<1024xi32, #tpu.memory_space<vmem>> -> memref<256xi32, #tpu.memory_space<vmem>>
      %dma_start3A_1328 = tpu.memref_slice %arg2[%add3A_12] : memref<32768xi32, #tpu.memory_space<hbm>> -> memref<256xi32, #tpu.memory_space<hbm>>
      %dma_start3A_1329 = arith.constant 512 : i32
      %dma_start3A_1330 = tpu.memref_slice %arg5[%dma_start3A_1329] : memref<1024xi32, #tpu.memory_space<vmem>> -> memref<256xi32, #tpu.memory_space<vmem>>
      %dma_start3A_1331 = tpu.memref_slice %arg2[%add3A_12] : memref<32768xi32, #tpu.memory_space<hbm>> -> memref<256xi32, #tpu.memory_space<hbm>>
      tpu.enqueue_dma source(%dma_start3A_1331 : memref<256xi32, #tpu.memory_space<hbm>>) target(%dma_start3A_1330 : memref<256xi32, #tpu.memory_space<vmem>>) target_semaphore(%run_scoped3A : memref<!tpu.dma_semaphore, #tpu.memory_space<semaphore_mem>>)
      %dma_wait3A_1332 = arith.constant 512 : i32
      %dma_wait3A_1333 = tpu.memref_slice %arg5[%dma_wait3A_1332] : memref<1024xi32, #tpu.memory_space<vmem>> -> memref<256xi32, #tpu.memory_space<vmem>>
      %dma_wait3A_1334 = tpu.memref_slice %arg2[%add3A_12] : memref<32768xi32, #tpu.memory_space<hbm>> -> memref<256xi32, #tpu.memory_space<hbm>>
      %dma_wait3A_1335 = arith.constant 512 : i32
      %dma_wait3A_1336 = tpu.memref_slice %arg5[%dma_wait3A_1335] : memref<1024xi32, #tpu.memory_space<vmem>> -> memref<256xi32, #tpu.memory_space<vmem>>
      %dma_wait3A_1337 = tpu.memref_slice %arg2[%add3A_12] : memref<32768xi32, #tpu.memory_space<hbm>> -> memref<256xi32, #tpu.memory_space<hbm>>
      tpu.wait_dma2 semaphore(%run_scoped3A : memref<!tpu.dma_semaphore, #tpu.memory_space<semaphore_mem>>) src(%dma_wait3A_1337 : memref<256xi32, #tpu.memory_space<hbm>>) dst(%dma_wait3A_1336 : memref<256xi32, #tpu.memory_space<vmem>>)
      tpu.yield
    }) : () -> ()
    %add3A_13 = arith.constant 24576 : i32
    %add3A_14 = arith.addi %add3A_13, %mul3A_2 : i32
    "tpu.region"() ({
      %run_scoped3A = tpu.sem_alloc : memref<!tpu.dma_semaphore, #tpu.memory_space<semaphore_mem>>
      %dma_start3A_1326 = arith.constant 768 : i32
      %dma_start3A_1327 = tpu.memref_slice %arg5[%dma_start3A_1326] : memref<1024xi32, #tpu.memory_space<vmem>> -> memref<256xi32, #tpu.memory_space<vmem>>
      %dma_start3A_1328 = tpu.memref_slice %arg2[%add3A_14] : memref<32768xi32, #tpu.memory_space<hbm>> -> memref<256xi32, #tpu.memory_space<hbm>>
      %dma_start3A_1329 = arith.constant 768 : i32
      %dma_start3A_1330 = tpu.memref_slice %arg5[%dma_start3A_1329] : memref<1024xi32, #tpu.memory_space<vmem>> -> memref<256xi32, #tpu.memory_space<vmem>>
      %dma_start3A_1331 = tpu.memref_slice %arg2[%add3A_14] : memref<32768xi32, #tpu.memory_space<hbm>> -> memref<256xi32, #tpu.memory_space<hbm>>
      tpu.enqueue_dma source(%dma_start3A_1331 : memref<256xi32, #tpu.memory_space<hbm>>) target(%dma_start3A_1330 : memref<256xi32, #tpu.memory_space<vmem>>) target_semaphore(%run_scoped3A : memref<!tpu.dma_semaphore, #tpu.memory_space<semaphore_mem>>)
      %dma_wait3A_1332 = arith.constant 768 : i32
      %dma_wait3A_1333 = tpu.memref_slice %arg5[%dma_wait3A_1332] : memref<1024xi32, #tpu.memory_space<vmem>> -> memref<256xi32, #tpu.memory_space<vmem>>
      %dma_wait3A_1334 = tpu.memref_slice %arg2[%add3A_14] : memref<32768xi32, #tpu.memory_space<hbm>> -> memref<256xi32, #tpu.memory_space<hbm>>
      %dma_wait3A_1335 = arith.constant 768 : i32
      %dma_wait3A_1336 = tpu.memref_slice %arg5[%dma_wait3A_1335] : memref<1024xi32, #tpu.memory_space<vmem>> -> memref<256xi32, #tpu.memory_space<vmem>>
      %dma_wait3A_1337 = tpu.memref_slice %arg2[%add3A_14] : memref<32768xi32, #tpu.memory_space<hbm>> -> memref<256xi32, #tpu.memory_space<hbm>>
      tpu.wait_dma2 semaphore(%run_scoped3A : memref<!tpu.dma_semaphore, #tpu.memory_space<semaphore_mem>>) src(%dma_wait3A_1337 : memref<256xi32, #tpu.memory_space<hbm>>) dst(%dma_wait3A_1336 : memref<256xi32, #tpu.memory_space<vmem>>)
      tpu.yield
    }) : () -> ()
    %add3A_15 = arith.constant 0 : i32
    %add3A_16 = arith.addi %add3A_6, %add3A_15 : i32
    %add3A_17 = vector.broadcast %add3A_16 : i32 to vector<16xi32>
    %add3A_18 = arith.addi %iota3A, %add3A_17 : vector<16xi32>
    %swap3A = arith.constant 0 : index
    %swap3A_19 = tpu.vector_load %arg6[%swap3A] {strides = array<i32>} : memref<256xi32, #tpu.memory_space<vmem>>, vector<16xi32>,
    %swap3A_20 = vector.shape_cast %swap3A_19 : vector<16xi32> to vector<16xi32>
    %swap3A_21 = vector.shape_cast %add3A_18 : vector<16xi32> to vector<16xi32>
    tpu.vector_store %arg6[%swap3A], %swap3A_21 {strides = array<i32>} : memref<256xi32, #tpu.memory_space<vmem>>, vector<16xi32>,
    %add3A_22 = arith.constant 16 : i32
    %add3A_23 = arith.addi %add3A_6, %add3A_22 : i32
    %add3A_24 = vector.broadcast %add3A_23 : i32 to vector<16xi32>
    %add3A_25 = arith.addi %iota3A, %add3A_24 : vector<16xi32>
    %swap3A_26 = arith.constant 16 : index
    %swap3A_27 = tpu.vector_load %arg6[%swap3A_26] {strides = array<i32>} : memref<256xi32, #tpu.memory_space<vmem>>, vector<16xi32>,
    %swap3A_28 = vector.shape_cast %swap3A_27 : vector<16xi32> to vector<16xi32>
    %swap3A_29 = vector.shape_cast %add3A_25 : vector<16xi32> to vector<16xi32>
    tpu.vector_store %arg6[%swap3A_26], %swap3A_29 {strides = array<i32>} : memref<256xi32, #tpu.memory_space<vmem>>, vector<16xi32>,
    %add3A_30 = arith.constant 32 : i32
    %add3A_31 = arith.addi %add3A_6, %add3A_30 : i32
    %add3A_32 = vector.broadcast %add3A_31 : i32 to vector<16xi32>
    %add3A_33 = arith.addi %iota3A, %add3A_32 : vector<16xi32>
    %swap3A_34 = arith.constant 32 : index
    %swap3A_35 = tpu.vector_load %arg6[%swap3A_34] {strides = array<i32>} : memref<256xi32, #tpu.memory_space<vmem>>, vector<16xi32>,
    %swap3A_36 = vector.shape_cast %swap3A_35 : vector<16xi32> to vector<16xi32>
    %swap3A_37 = vector.shape_cast %add3A_33 : vector<16xi32> to vector<16xi32>
    tpu.vector_store %arg6[%swap3A_34], %swap3A_37 {strides = array<i32>} : memref<256xi32, #tpu.memory_space<vmem>>, vector<16xi32>,
    %add3A_38 = arith.constant 48 : i32
    %add3A_39 = arith.addi %add3A_6, %add3A_38 : i32
    %add3A_40 = vector.broadcast %add3A_39 : i32 to vector<16xi32>
    %add3A_41 = arith.addi %iota3A, %add3A_40 : vector<16xi32>
    %swap3A_42 = arith.constant 48 : index
    %swap3A_43 = tpu.vector_load %arg6[%swap3A_42] {strides = array<i32>} : memref<256xi32, #tpu.memory_space<vmem>>, vector<16xi32>,
    %swap3A_44 = vector.shape_cast %swap3A_43 : vector<16xi32> to vector<16xi32>
    %swap3A_45 = vector.shape_cast %add3A_41 : vector<16xi32> to vector<16xi32>
    tpu.vector_store %arg6[%swap3A_42], %swap3A_45 {strides = array<i32>} : memref<256xi32, #tpu.memory_space<vmem>>, vector<16xi32>,
    %add3A_46 = arith.constant 64 : i32
    %add3A_47 = arith.addi %add3A_6, %add3A_46 : i32
    %add3A_48 = vector.broadcast %add3A_47 : i32 to vector<16xi32>
    %add3A_49 = arith.addi %iota3A, %add3A_48 : vector<16xi32>
    %swap3A_50 = arith.constant 64 : index
    %swap3A_51 = tpu.vector_load %arg6[%swap3A_50] {strides = array<i32>} : memref<256xi32, #tpu.memory_space<vmem>>, vector<16xi32>,
    %swap3A_52 = vector.shape_cast %swap3A_51 : vector<16xi32> to vector<16xi32>
    %swap3A_53 = vector.shape_cast %add3A_49 : vector<16xi32> to vector<16xi32>
    tpu.vector_store %arg6[%swap3A_50], %swap3A_53 {strides = array<i32>} : memref<256xi32, #tpu.memory_space<vmem>>, vector<16xi32>,
    %add3A_54 = arith.constant 80 : i32
    %add3A_55 = arith.addi %add3A_6, %add3A_54 : i32
    %add3A_56 = vector.broadcast %add3A_55 : i32 to vector<16xi32>
    %add3A_57 = arith.addi %iota3A, %add3A_56 : vector<16xi32>
    %swap3A_58 = arith.constant 80 : index
    %swap3A_59 = tpu.vector_load %arg6[%swap3A_58] {strides = array<i32>} : memref<256xi32, #tpu.memory_space<vmem>>, vector<16xi32>,
    %swap3A_60 = vector.shape_cast %swap3A_59 : vector<16xi32> to vector<16xi32>
    %swap3A_61 = vector.shape_cast %add3A_57 : vector<16xi32> to vector<16xi32>
    tpu.vector_store %arg6[%swap3A_58], %swap3A_61 {strides = array<i32>} : memref<256xi32, #tpu.memory_space<vmem>>, vector<16xi32>,
    %add3A_62 = arith.constant 96 : i32
    %add3A_63 = arith.addi %add3A_6, %add3A_62 : i32
    %add3A_64 = vector.broadcast %add3A_63 : i32 to vector<16xi32>
    %add3A_65 = arith.addi %iota3A, %add3A_64 : vector<16xi32>
    %swap3A_66 = arith.constant 96 : index
    %swap3A_67 = tpu.vector_load %arg6[%swap3A_66] {strides = array<i32>} : memref<256xi32, #tpu.memory_space<vmem>>, vector<16xi32>,
    %swap3A_68 = vector.shape_cast %swap3A_67 : vector<16xi32> to vector<16xi32>
    %swap3A_69 = vector.shape_cast %add3A_65 : vector<16xi32> to vector<16xi32>
    tpu.vector_store %arg6[%swap3A_66], %swap3A_69 {strides = array<i32>} : memref<256xi32, #tpu.memory_space<vmem>>, vector<16xi32>,
    %add3A_70 = arith.constant 112 : i32
    %add3A_71 = arith.addi %add3A_6, %add3A_70 : i32
    %add3A_72 = vector.broadcast %add3A_71 : i32 to vector<16xi32>
    %add3A_73 = arith.addi %iota3A, %add3A_72 : vector<16xi32>
    %swap3A_74 = arith.constant 112 : index
    %swap3A_75 = tpu.vector_load %arg6[%swap3A_74] {strides = array<i32>} : memref<256xi32, #tpu.memory_space<vmem>>, vector<16xi32>,
    %swap3A_76 = vector.shape_cast %swap3A_75 : vector<16xi32> to vector<16xi32>
    %swap3A_77 = vector.shape_cast %add3A_73 : vector<16xi32> to vector<16xi32>
    tpu.vector_store %arg6[%swap3A_74], %swap3A_77 {strides = array<i32>} : memref<256xi32, #tpu.memory_space<vmem>>, vector<16xi32>,
    %add3A_78 = arith.constant 128 : i32
    %add3A_79 = arith.addi %add3A_6, %add3A_78 : i32
    %add3A_80 = vector.broadcast %add3A_79 : i32 to vector<16xi32>
    %add3A_81 = arith.addi %iota3A, %add3A_80 : vector<16xi32>
    %swap3A_82 = arith.constant 128 : index
    %swap3A_83 = tpu.vector_load %arg6[%swap3A_82] {strides = array<i32>} : memref<256xi32, #tpu.memory_space<vmem>>, vector<16xi32>,
    %swap3A_84 = vector.shape_cast %swap3A_83 : vector<16xi32> to vector<16xi32>
    %swap3A_85 = vector.shape_cast %add3A_81 : vector<16xi32> to vector<16xi32>
    tpu.vector_store %arg6[%swap3A_82], %swap3A_85 {strides = array<i32>} : memref<256xi32, #tpu.memory_space<vmem>>, vector<16xi32>,
    %add3A_86 = arith.constant 144 : i32
    %add3A_87 = arith.addi %add3A_6, %add3A_86 : i32
    %add3A_88 = vector.broadcast %add3A_87 : i32 to vector<16xi32>
    %add3A_89 = arith.addi %iota3A, %add3A_88 : vector<16xi32>
    %swap3A_90 = arith.constant 144 : index
    %swap3A_91 = tpu.vector_load %arg6[%swap3A_90] {strides = array<i32>} : memref<256xi32, #tpu.memory_space<vmem>>, vector<16xi32>,
    %swap3A_92 = vector.shape_cast %swap3A_91 : vector<16xi32> to vector<16xi32>
    %swap3A_93 = vector.shape_cast %add3A_89 : vector<16xi32> to vector<16xi32>
    tpu.vector_store %arg6[%swap3A_90], %swap3A_93 {strides = array<i32>} : memref<256xi32, #tpu.memory_space<vmem>>, vector<16xi32>,
    %add3A_94 = arith.constant 160 : i32
    %add3A_95 = arith.addi %add3A_6, %add3A_94 : i32
    %add3A_96 = vector.broadcast %add3A_95 : i32 to vector<16xi32>
    %add3A_97 = arith.addi %iota3A, %add3A_96 : vector<16xi32>
    %swap3A_98 = arith.constant 160 : index
    %swap3A_99 = tpu.vector_load %arg6[%swap3A_98] {strides = array<i32>} : memref<256xi32, #tpu.memory_space<vmem>>, vector<16xi32>,
    %swap3A_100 = vector.shape_cast %swap3A_99 : vector<16xi32> to vector<16xi32>
    %swap3A_101 = vector.shape_cast %add3A_97 : vector<16xi32> to vector<16xi32>
    tpu.vector_store %arg6[%swap3A_98], %swap3A_101 {strides = array<i32>} : memref<256xi32, #tpu.memory_space<vmem>>, vector<16xi32>,
    %add3A_102 = arith.constant 176 : i32
    %add3A_103 = arith.addi %add3A_6, %add3A_102 : i32
    %add3A_104 = vector.broadcast %add3A_103 : i32 to vector<16xi32>
    %add3A_105 = arith.addi %iota3A, %add3A_104 : vector<16xi32>
    %swap3A_106 = arith.constant 176 : index
    %swap3A_107 = tpu.vector_load %arg6[%swap3A_106] {strides = array<i32>} : memref<256xi32, #tpu.memory_space<vmem>>, vector<16xi32>,
    %swap3A_108 = vector.shape_cast %swap3A_107 : vector<16xi32> to vector<16xi32>
    %swap3A_109 = vector.shape_cast %add3A_105 : vector<16xi32> to vector<16xi32>
    tpu.vector_store %arg6[%swap3A_106], %swap3A_109 {strides = array<i32>} : memref<256xi32, #tpu.memory_space<vmem>>, vector<16xi32>,
    %add3A_110 = arith.constant 192 : i32
    %add3A_111 = arith.addi %add3A_6, %add3A_110 : i32
    %add3A_112 = vector.broadcast %add3A_111 : i32 to vector<16xi32>
    %add3A_113 = arith.addi %iota3A, %add3A_112 : vector<16xi32>
    %swap3A_114 = arith.constant 192 : index
    %swap3A_115 = tpu.vector_load %arg6[%swap3A_114] {strides = array<i32>} : memref<256xi32, #tpu.memory_space<vmem>>, vector<16xi32>,
    %swap3A_116 = vector.shape_cast %swap3A_115 : vector<16xi32> to vector<16xi32>
    %swap3A_117 = vector.shape_cast %add3A_113 : vector<16xi32> to vector<16xi32>
    tpu.vector_store %arg6[%swap3A_114], %swap3A_117 {strides = array<i32>} : memref<256xi32, #tpu.memory_space<vmem>>, vector<16xi32>,
    %add3A_118 = arith.constant 208 : i32
    %add3A_119 = arith.addi %add3A_6, %add3A_118 : i32
    %add3A_120 = vector.broadcast %add3A_119 : i32 to vector<16xi32>
    %add3A_121 = arith.addi %iota3A, %add3A_120 : vector<16xi32>
    %swap3A_122 = arith.constant 208 : index
    %swap3A_123 = tpu.vector_load %arg6[%swap3A_122] {strides = array<i32>} : memref<256xi32, #tpu.memory_space<vmem>>, vector<16xi32>,
    %swap3A_124 = vector.shape_cast %swap3A_123 : vector<16xi32> to vector<16xi32>
    %swap3A_125 = vector.shape_cast %add3A_121 : vector<16xi32> to vector<16xi32>
    tpu.vector_store %arg6[%swap3A_122], %swap3A_125 {strides = array<i32>} : memref<256xi32, #tpu.memory_space<vmem>>, vector<16xi32>,
    %add3A_126 = arith.constant 224 : i32
    %add3A_127 = arith.addi %add3A_6, %add3A_126 : i32
    %add3A_128 = vector.broadcast %add3A_127 : i32 to vector<16xi32>
    %add3A_129 = arith.addi %iota3A, %add3A_128 : vector<16xi32>
    %swap3A_130 = arith.constant 224 : index
    %swap3A_131 = tpu.vector_load %arg6[%swap3A_130] {strides = array<i32>} : memref<256xi32, #tpu.memory_space<vmem>>, vector<16xi32>,
    %swap3A_132 = vector.shape_cast %swap3A_131 : vector<16xi32> to vector<16xi32>
    %swap3A_133 = vector.shape_cast %add3A_129 : vector<16xi32> to vector<16xi32>
    tpu.vector_store %arg6[%swap3A_130], %swap3A_133 {strides = array<i32>} : memref<256xi32, #tpu.memory_space<vmem>>, vector<16xi32>,
    %add3A_134 = arith.constant 240 : i32
    %add3A_135 = arith.addi %add3A_6, %add3A_134 : i32
    %add3A_136 = vector.broadcast %add3A_135 : i32 to vector<16xi32>
    %add3A_137 = arith.addi %iota3A, %add3A_136 : vector<16xi32>
    %swap3A_138 = arith.constant 240 : index
    %swap3A_139 = tpu.vector_load %arg6[%swap3A_138] {strides = array<i32>} : memref<256xi32, #tpu.memory_space<vmem>>, vector<16xi32>,
    %swap3A_140 = vector.shape_cast %swap3A_139 : vector<16xi32> to vector<16xi32>
    %swap3A_141 = vector.shape_cast %add3A_137 : vector<16xi32> to vector<16xi32>
    tpu.vector_store %arg6[%swap3A_138], %swap3A_141 {strides = array<i32>} : memref<256xi32, #tpu.memory_space<vmem>>, vector<16xi32>,
    %broadcast_in_dim3A = arith.constant 1 : i32
    %broadcast_in_dim3A_142 = vector.broadcast %broadcast_in_dim3A : i32 to vector<16xi32>
    %swap3A_143 = arith.constant 0 : i32
    %swap3A_144 = arith.index_cast %swap3A_143 : i32 to index
    %swap3A_145 = arith.constant 0 : index
    %swap3A_146 = tpu.vector_load %arg7[%swap3A_144, %swap3A_145] {strides = array<i32>} : memref<1x16xi32, #tpu.memory_space<vmem>>, vector<1x16xi32>,
    %swap3A_147 = vector.shape_cast %swap3A_146 : vector<1x16xi32> to vector<16xi32>
    %swap3A_148 = vector.shape_cast %broadcast_in_dim3A_142 : vector<16xi32> to vector<1x16xi32>
    tpu.vector_store %arg7[%swap3A_144, %swap3A_145], %swap3A_148 {strides = array<i32>} : memref<1x16xi32, #tpu.memory_space<vmem>>, vector<1x16xi32>,
    %dma_start3A = arith.constant 0 : i32
    %dma_start3A_149 = arith.constant 0 : i32
    %dma_start3A_150 = tpu.memref_slice %arg7[%dma_start3A, %dma_start3A_149] : memref<1x16xi32, #tpu.memory_space<vmem>> -> memref<1x16xi32, #tpu.memory_space<vmem>>
    %dma_start3A_151 = tpu.memref_squeeze %dma_start3A_150 : memref<1x16xi32, #tpu.memory_space<vmem>> -> memref<16xi32, #tpu.memory_space<vmem>>
    %dma_start3A_152 = arith.constant 0 : i32
    %dma_start3A_153 = arith.constant 0 : i32
    %dma_start3A_154 = tpu.memref_slice %arg3[%dma_start3A_152, %dma_start3A_153] : memref<8194x1024xf32, #tpu.memory_space<hbm>> -> memref<8194x1024xf32, #tpu.memory_space<hbm>>
    tpu.enqueue_indirect_dma source(%dma_start3A_154 : memref<8194x1024xf32, #tpu.memory_space<hbm>>) target(%arg9 : memref<16x1024xf32, #tpu.memory_space<vmem>>) offsets(%dma_start3A_151 : memref<16xi32, #tpu.memory_space<vmem>>) semaphore(%arg10 : memref<!tpu.dma_semaphore, #tpu.memory_space<semaphore_mem>>)
    %dma_wait3A = arith.constant 0 : i32
    %dma_wait3A_155 = arith.constant 0 : i32
    %dma_wait3A_156 = tpu.memref_slice %arg7[%dma_wait3A, %dma_wait3A_155] : memref<1x16xi32, #tpu.memory_space<vmem>> -> memref<1x16xi32, #tpu.memory_space<vmem>>
    %dma_wait3A_157 = tpu.memref_squeeze %dma_wait3A_156 : memref<1x16xi32, #tpu.memory_space<vmem>> -> memref<16xi32, #tpu.memory_space<vmem>>
    %dma_wait3A_158 = arith.constant 0 : i32
    %dma_wait3A_159 = arith.constant 0 : i32
    %dma_wait3A_160 = tpu.memref_slice %arg3[%dma_wait3A_158, %dma_wait3A_159] : memref<8194x1024xf32, #tpu.memory_space<hbm>> -> memref<8194x1024xf32, #tpu.memory_space<hbm>>
    tpu.wait_indirect_dma semaphore(%arg10 : memref<!tpu.dma_semaphore, #tpu.memory_space<semaphore_mem>>) src(%dma_wait3A_160 : memref<8194x1024xf32, #tpu.memory_space<hbm>>) dst(%arg9 : memref<16x1024xf32, #tpu.memory_space<vmem>>)
    %dma_start3A_161 = arith.constant 0 : i32
    %dma_start3A_162 = arith.constant 0 : i32
    %dma_start3A_163 = arith.constant 0 : i32
    %dma_start3A_164 = tpu.memref_slice %arg8[%dma_start3A_161, %dma_start3A_162, %dma_start3A_163] : memref<3x32x1024xf32, #tpu.memory_space<vmem>> -> memref<1x32x1024xf32, #tpu.memory_space<vmem>>
    %dma_start3A_165 = tpu.memref_squeeze %dma_start3A_164 : memref<1x32x1024xf32, #tpu.memory_space<vmem>> -> memref<32x1024xf32, #tpu.memory_space<vmem>>
    %dma_start3A_166 = arith.constant 0 : i32
    %dma_start3A_167 = tpu.memref_slice %arg6[%dma_start3A_166] : memref<256xi32, #tpu.memory_space<vmem>> -> memref<32xi32, #tpu.memory_space<vmem>>
    %dma_start3A_168 = arith.constant 0 : i32
    %dma_start3A_169 = arith.constant 0 : i32
    %dma_start3A_170 = tpu.memref_slice %arg3[%dma_start3A_168, %dma_start3A_169] : memref<8194x1024xf32, #tpu.memory_space<hbm>> -> memref<8194x1024xf32, #tpu.memory_space<hbm>>
    tpu.enqueue_indirect_dma source(%dma_start3A_170 : memref<8194x1024xf32, #tpu.memory_space<hbm>>) target(%dma_start3A_165 : memref<32x1024xf32, #tpu.memory_space<vmem>>) offsets(%dma_start3A_167 : memref<32xi32, #tpu.memory_space<vmem>>) semaphore(%arg10 : memref<!tpu.dma_semaphore, #tpu.memory_space<semaphore_mem>>)
    %dma_start3A_171 = arith.constant 1 : i32
    %dma_start3A_172 = arith.constant 0 : i32
    %dma_start3A_173 = arith.constant 0 : i32
    %dma_start3A_174 = tpu.memref_slice %arg8[%dma_start3A_171, %dma_start3A_172, %dma_start3A_173] : memref<3x32x1024xf32, #tpu.memory_space<vmem>> -> memref<1x32x1024xf32, #tpu.memory_space<vmem>>
    %dma_start3A_175 = tpu.memref_squeeze %dma_start3A_174 : memref<1x32x1024xf32, #tpu.memory_space<vmem>> -> memref<32x1024xf32, #tpu.memory_space<vmem>>
    %dma_start3A_176 = arith.constant 32 : i32
    %dma_start3A_177 = tpu.memref_slice %arg6[%dma_start3A_176] : memref<256xi32, #tpu.memory_space<vmem>> -> memref<32xi32, #tpu.memory_space<vmem>>
    %dma_start3A_178 = arith.constant 0 : i32
    %dma_start3A_179 = arith.constant 0 : i32
    %dma_start3A_180 = tpu.memref_slice %arg3[%dma_start3A_178, %dma_start3A_179] : memref<8194x1024xf32, #tpu.memory_space<hbm>> -> memref<8194x1024xf32, #tpu.memory_space<hbm>>
    tpu.enqueue_indirect_dma source(%dma_start3A_180 : memref<8194x1024xf32, #tpu.memory_space<hbm>>) target(%dma_start3A_175 : memref<32x1024xf32, #tpu.memory_space<vmem>>) offsets(%dma_start3A_177 : memref<32xi32, #tpu.memory_space<vmem>>) semaphore(%arg11 : memref<!tpu.dma_semaphore, #tpu.memory_space<semaphore_mem>>)
    %dma_start3A_181 = arith.constant 2 : i32
    %dma_start3A_182 = arith.constant 0 : i32
    %dma_start3A_183 = arith.constant 0 : i32
    %dma_start3A_184 = tpu.memref_slice %arg8[%dma_start3A_181, %dma_start3A_182, %dma_start3A_183] : memref<3x32x1024xf32, #tpu.memory_space<vmem>> -> memref<1x32x1024xf32, #tpu.memory_space<vmem>>
    %dma_start3A_185 = tpu.memref_squeeze %dma_start3A_184 : memref<1x32x1024xf32, #tpu.memory_space<vmem>> -> memref<32x1024xf32, #tpu.memory_space<vmem>>
    %dma_start3A_186 = arith.constant 64 : i32
    %dma_start3A_187 = tpu.memref_slice %arg6[%dma_start3A_186] : memref<256xi32, #tpu.memory_space<vmem>> -> memref<32xi32, #tpu.memory_space<vmem>>
    %dma_start3A_188 = arith.constant 0 : i32
    %dma_start3A_189 = arith.constant 0 : i32
    %dma_start3A_190 = tpu.memref_slice %arg3[%dma_start3A_188, %dma_start3A_189] : memref<8194x1024xf32, #tpu.memory_space<hbm>> -> memref<8194x1024xf32, #tpu.memory_space<hbm>>
    tpu.enqueue_indirect_dma source(%dma_start3A_190 : memref<8194x1024xf32, #tpu.memory_space<hbm>>) target(%dma_start3A_185 : memref<32x1024xf32, #tpu.memory_space<vmem>>) offsets(%dma_start3A_187 : memref<32xi32, #tpu.memory_space<vmem>>) semaphore(%arg12 : memref<!tpu.dma_semaphore, #tpu.memory_space<semaphore_mem>>)
    %dma_wait3A_191 = arith.constant 0 : i32
    %dma_wait3A_192 = arith.constant 0 : i32
    %dma_wait3A_193 = arith.constant 0 : i32
    %dma_wait3A_194 = tpu.memref_slice %arg8[%dma_wait3A_191, %dma_wait3A_192, %dma_wait3A_193] : memref<3x32x1024xf32, #tpu.memory_space<vmem>> -> memref<1x32x1024xf32, #tpu.memory_space<vmem>>
    %dma_wait3A_195 = tpu.memref_squeeze %dma_wait3A_194 : memref<1x32x1024xf32, #tpu.memory_space<vmem>> -> memref<32x1024xf32, #tpu.memory_space<vmem>>
    %dma_wait3A_196 = arith.constant 0 : i32
    %dma_wait3A_197 = arith.constant 0 : i32
    %dma_wait3A_198 = tpu.memref_slice %arg3[%dma_wait3A_196, %dma_wait3A_197] : memref<8194x1024xf32, #tpu.memory_space<hbm>> -> memref<32x1024xf32, #tpu.memory_space<hbm>>
    %dma_wait3A_199 = arith.constant 0 : i32
    %dma_wait3A_200 = arith.constant 0 : i32
    %dma_wait3A_201 = tpu.memref_slice %arg8[%dma_wait3A_191, %dma_wait3A_199, %dma_wait3A_200] : memref<3x32x1024xf32, #tpu.memory_space<vmem>> -> memref<1x32x1024xf32, #tpu.memory_space<vmem>>
    %dma_wait3A_202 = tpu.memref_squeeze %dma_wait3A_201 : memref<1x32x1024xf32, #tpu.memory_space<vmem>> -> memref<32x1024xf32, #tpu.memory_space<vmem>>
    %dma_wait3A_203 = arith.constant 0 : i32
    %dma_wait3A_204 = arith.constant 0 : i32
    %dma_wait3A_205 = tpu.memref_slice %arg3[%dma_wait3A_203, %dma_wait3A_204] : memref<8194x1024xf32, #tpu.memory_space<hbm>> -> memref<32x1024xf32, #tpu.memory_space<hbm>>
    tpu.wait_dma2 semaphore(%arg10 : memref<!tpu.dma_semaphore, #tpu.memory_space<semaphore_mem>>) src(%dma_wait3A_205 : memref<32x1024xf32, #tpu.memory_space<hbm>>) dst(%dma_wait3A_202 : memref<32x1024xf32, #tpu.memory_space<vmem>>)
    %add3A_206 = arith.constant 0 : i32
    %add3A_207 = arith.addi %add3A_206, %mul3A_2 : i32
    %add3A_208 = arith.constant 0 : i32
    %add3A_209 = arith.addi %add3A_207, %add3A_208 : i32
    %dma_start3A_210 = arith.constant 0 : i32
    %dma_start3A_211 = arith.constant 0 : i32
    %dma_start3A_212 = arith.constant 0 : i32
    %dma_start3A_213 = tpu.memref_slice %arg8[%dma_start3A_210, %dma_start3A_211, %dma_start3A_212] : memref<3x32x1024xf32, #tpu.memory_space<vmem>> -> memref<1x32x1024xf32, #tpu.memory_space<vmem>>
    %dma_start3A_214 = tpu.memref_squeeze %dma_start3A_213 : memref<1x32x1024xf32, #tpu.memory_space<vmem>> -> memref<32x1024xf32, #tpu.memory_space<vmem>>
    %dma_start3A_215 = arith.constant 0 : i32
    %dma_start3A_216 = tpu.memref_slice %arg4[%add3A_209, %dma_start3A_215] : memref<32768x1024xf32, #tpu.memory_space<hbm>> -> memref<32x1024xf32, #tpu.memory_space<hbm>>
    %dma_start3A_217 = arith.constant 0 : i32
    %dma_start3A_218 = tpu.memref_slice %arg4[%add3A_209, %dma_start3A_217] : memref<32768x1024xf32, #tpu.memory_space<hbm>> -> memref<32x1024xf32, #tpu.memory_space<hbm>>
    %dma_start3A_219 = arith.constant 0 : i32
    %dma_start3A_220 = arith.constant 0 : i32
    %dma_start3A_221 = tpu.memref_slice %arg8[%dma_start3A_210, %dma_start3A_219, %dma_start3A_220] : memref<3x32x1024xf32, #tpu.memory_space<vmem>> -> memref<1x32x1024xf32, #tpu.memory_space<vmem>>
    %dma_start3A_222 = tpu.memref_squeeze %dma_start3A_221 : memref<1x32x1024xf32, #tpu.memory_space<vmem>> -> memref<32x1024xf32, #tpu.memory_space<vmem>>
    tpu.enqueue_dma source(%dma_start3A_222 : memref<32x1024xf32, #tpu.memory_space<vmem>>) target(%dma_start3A_218 : memref<32x1024xf32, #tpu.memory_space<hbm>>) target_semaphore(%arg13 : memref<!tpu.dma_semaphore, #tpu.memory_space<semaphore_mem>>)
    %add3A_223 = arith.constant 8192 : i32
    %add3A_224 = arith.addi %add3A_223, %mul3A_2 : i32
    %add3A_225 = arith.constant 0 : i32
    %add3A_226 = arith.addi %add3A_224, %add3A_225 : i32
    %dma_start3A_227 = arith.constant 0 : i32
    %dma_start3A_228 = arith.constant 0 : i32
    %dma_start3A_229 = arith.constant 0 : i32
    %dma_start3A_230 = tpu.memref_slice %arg8[%dma_start3A_227, %dma_start3A_228, %dma_start3A_229] : memref<3x32x1024xf32, #tpu.memory_space<vmem>> -> memref<1x32x1024xf32, #tpu.memory_space<vmem>>
    %dma_start3A_231 = tpu.memref_squeeze %dma_start3A_230 : memref<1x32x1024xf32, #tpu.memory_space<vmem>> -> memref<32x1024xf32, #tpu.memory_space<vmem>>
    %dma_start3A_232 = arith.constant 0 : i32
    %dma_start3A_233 = tpu.memref_slice %arg4[%add3A_226, %dma_start3A_232] : memref<32768x1024xf32, #tpu.memory_space<hbm>> -> memref<32x1024xf32, #tpu.memory_space<hbm>>
    %dma_start3A_234 = arith.constant 0 : i32
    %dma_start3A_235 = tpu.memref_slice %arg4[%add3A_226, %dma_start3A_234] : memref<32768x1024xf32, #tpu.memory_space<hbm>> -> memref<32x1024xf32, #tpu.memory_space<hbm>>
    %dma_start3A_236 = arith.constant 0 : i32
    %dma_start3A_237 = arith.constant 0 : i32
    %dma_start3A_238 = tpu.memref_slice %arg8[%dma_start3A_227, %dma_start3A_236, %dma_start3A_237] : memref<3x32x1024xf32, #tpu.memory_space<vmem>> -> memref<1x32x1024xf32, #tpu.memory_space<vmem>>
    %dma_start3A_239 = tpu.memref_squeeze %dma_start3A_238 : memref<1x32x1024xf32, #tpu.memory_space<vmem>> -> memref<32x1024xf32, #tpu.memory_space<vmem>>
    tpu.enqueue_dma source(%dma_start3A_239 : memref<32x1024xf32, #tpu.memory_space<vmem>>) target(%dma_start3A_235 : memref<32x1024xf32, #tpu.memory_space<hbm>>) target_semaphore(%arg13 : memref<!tpu.dma_semaphore, #tpu.memory_space<semaphore_mem>>)
    %add3A_240 = arith.constant 16384 : i32
    %add3A_241 = arith.addi %add3A_240, %mul3A_2 : i32
    %add3A_242 = arith.constant 0 : i32
    %add3A_243 = arith.addi %add3A_241, %add3A_242 : i32
    %dma_start3A_244 = arith.constant 0 : i32
    %dma_start3A_245 = arith.constant 0 : i32
    %dma_start3A_246 = arith.constant 0 : i32
    %dma_start3A_247 = tpu.memref_slice %arg8[%dma_start3A_244, %dma_start3A_245, %dma_start3A_246] : memref<3x32x1024xf32, #tpu.memory_space<vmem>> -> memref<1x32x1024xf32, #tpu.memory_space<vmem>>
    %dma_start3A_248 = tpu.memref_squeeze %dma_start3A_247 : memref<1x32x1024xf32, #tpu.memory_space<vmem>> -> memref<32x1024xf32, #tpu.memory_space<vmem>>
    %dma_start3A_249 = arith.constant 0 : i32
    %dma_start3A_250 = tpu.memref_slice %arg4[%add3A_243, %dma_start3A_249] : memref<32768x1024xf32, #tpu.memory_space<hbm>> -> memref<32x1024xf32, #tpu.memory_space<hbm>>
    %dma_start3A_251 = arith.constant 0 : i32
    %dma_start3A_252 = tpu.memref_slice %arg4[%add3A_243, %dma_start3A_251] : memref<32768x1024xf32, #tpu.memory_space<hbm>> -> memref<32x1024xf32, #tpu.memory_space<hbm>>
    %dma_start3A_253 = arith.constant 0 : i32
    %dma_start3A_254 = arith.constant 0 : i32
    %dma_start3A_255 = tpu.memref_slice %arg8[%dma_start3A_244, %dma_start3A_253, %dma_start3A_254] : memref<3x32x1024xf32, #tpu.memory_space<vmem>> -> memref<1x32x1024xf32, #tpu.memory_space<vmem>>
    %dma_start3A_256 = tpu.memref_squeeze %dma_start3A_255 : memref<1x32x1024xf32, #tpu.memory_space<vmem>> -> memref<32x1024xf32, #tpu.memory_space<vmem>>
    tpu.enqueue_dma source(%dma_start3A_256 : memref<32x1024xf32, #tpu.memory_space<vmem>>) target(%dma_start3A_252 : memref<32x1024xf32, #tpu.memory_space<hbm>>) target_semaphore(%arg13 : memref<!tpu.dma_semaphore, #tpu.memory_space<semaphore_mem>>)
    %add3A_257 = arith.constant 24576 : i32
    %add3A_258 = arith.addi %add3A_257, %mul3A_2 : i32
    %add3A_259 = arith.constant 0 : i32
    %add3A_260 = arith.addi %add3A_258, %add3A_259 : i32
    %dma_start3A_261 = arith.constant 0 : i32
    %dma_start3A_262 = arith.constant 0 : i32
    %dma_start3A_263 = arith.constant 0 : i32
    %dma_start3A_264 = tpu.memref_slice %arg8[%dma_start3A_261, %dma_start3A_262, %dma_start3A_263] : memref<3x32x1024xf32, #tpu.memory_space<vmem>> -> memref<1x32x1024xf32, #tpu.memory_space<vmem>>
    %dma_start3A_265 = tpu.memref_squeeze %dma_start3A_264 : memref<1x32x1024xf32, #tpu.memory_space<vmem>> -> memref<32x1024xf32, #tpu.memory_space<vmem>>
    %dma_start3A_266 = arith.constant 0 : i32
    %dma_start3A_267 = tpu.memref_slice %arg4[%add3A_260, %dma_start3A_266] : memref<32768x1024xf32, #tpu.memory_space<hbm>> -> memref<32x1024xf32, #tpu.memory_space<hbm>>
    %dma_start3A_268 = arith.constant 0 : i32
    %dma_start3A_269 = tpu.memref_slice %arg4[%add3A_260, %dma_start3A_268] : memref<32768x1024xf32, #tpu.memory_space<hbm>> -> memref<32x1024xf32, #tpu.memory_space<hbm>>
    %dma_start3A_270 = arith.constant 0 : i32
    %dma_start3A_271 = arith.constant 0 : i32
    %dma_start3A_272 = tpu.memref_slice %arg8[%dma_start3A_261, %dma_start3A_270, %dma_start3A_271] : memref<3x32x1024xf32, #tpu.memory_space<vmem>> -> memref<1x32x1024xf32, #tpu.memory_space<vmem>>
    %dma_start3A_273 = tpu.memref_squeeze %dma_start3A_272 : memref<1x32x1024xf32, #tpu.memory_space<vmem>> -> memref<32x1024xf32, #tpu.memory_space<vmem>>
    tpu.enqueue_dma source(%dma_start3A_273 : memref<32x1024xf32, #tpu.memory_space<vmem>>) target(%dma_start3A_269 : memref<32x1024xf32, #tpu.memory_space<hbm>>) target_semaphore(%arg13 : memref<!tpu.dma_semaphore, #tpu.memory_space<semaphore_mem>>)
    %dma_wait3A_274 = arith.constant 1 : i32
    %dma_wait3A_275 = arith.constant 0 : i32
    %dma_wait3A_276 = arith.constant 0 : i32
    %dma_wait3A_277 = tpu.memref_slice %arg8[%dma_wait3A_274, %dma_wait3A_275, %dma_wait3A_276] : memref<3x32x1024xf32, #tpu.memory_space<vmem>> -> memref<1x32x1024xf32, #tpu.memory_space<vmem>>
    %dma_wait3A_278 = tpu.memref_squeeze %dma_wait3A_277 : memref<1x32x1024xf32, #tpu.memory_space<vmem>> -> memref<32x1024xf32, #tpu.memory_space<vmem>>
    %dma_wait3A_279 = arith.constant 0 : i32
    %dma_wait3A_280 = arith.constant 0 : i32
    %dma_wait3A_281 = tpu.memref_slice %arg3[%dma_wait3A_279, %dma_wait3A_280] : memref<8194x1024xf32, #tpu.memory_space<hbm>> -> memref<32x1024xf32, #tpu.memory_space<hbm>>
    %dma_wait3A_282 = arith.constant 0 : i32
    %dma_wait3A_283 = arith.constant 0 : i32
    %dma_wait3A_284 = tpu.memref_slice %arg8[%dma_wait3A_274, %dma_wait3A_282, %dma_wait3A_283] : memref<3x32x1024xf32, #tpu.memory_space<vmem>> -> memref<1x32x1024xf32, #tpu.memory_space<vmem>>
    %dma_wait3A_285 = tpu.memref_squeeze %dma_wait3A_284 : memref<1x32x1024xf32, #tpu.memory_space<vmem>> -> memref<32x1024xf32, #tpu.memory_space<vmem>>
    %dma_wait3A_286 = arith.constant 0 : i32
    %dma_wait3A_287 = arith.constant 0 : i32
    %dma_wait3A_288 = tpu.memref_slice %arg3[%dma_wait3A_286, %dma_wait3A_287] : memref<8194x1024xf32, #tpu.memory_space<hbm>> -> memref<32x1024xf32, #tpu.memory_space<hbm>>
    tpu.wait_dma2 semaphore(%arg11 : memref<!tpu.dma_semaphore, #tpu.memory_space<semaphore_mem>>) src(%dma_wait3A_288 : memref<32x1024xf32, #tpu.memory_space<hbm>>) dst(%dma_wait3A_285 : memref<32x1024xf32, #tpu.memory_space<vmem>>)
    %add3A_289 = arith.constant 0 : i32
    %add3A_290 = arith.addi %add3A_289, %mul3A_2 : i32
    %add3A_291 = arith.constant 32 : i32
    %add3A_292 = arith.addi %add3A_290, %add3A_291 : i32
    %dma_start3A_293 = arith.constant 1 : i32
    %dma_start3A_294 = arith.constant 0 : i32
    %dma_start3A_295 = arith.constant 0 : i32
    %dma_start3A_296 = tpu.memref_slice %arg8[%dma_start3A_293, %dma_start3A_294, %dma_start3A_295] : memref<3x32x1024xf32, #tpu.memory_space<vmem>> -> memref<1x32x1024xf32, #tpu.memory_space<vmem>>
    %dma_start3A_297 = tpu.memref_squeeze %dma_start3A_296 : memref<1x32x1024xf32, #tpu.memory_space<vmem>> -> memref<32x1024xf32, #tpu.memory_space<vmem>>
    %dma_start3A_298 = arith.constant 0 : i32
    %dma_start3A_299 = tpu.memref_slice %arg4[%add3A_292, %dma_start3A_298] : memref<32768x1024xf32, #tpu.memory_space<hbm>> -> memref<32x1024xf32, #tpu.memory_space<hbm>>
    %dma_start3A_300 = arith.constant 0 : i32
    %dma_start3A_301 = tpu.memref_slice %arg4[%add3A_292, %dma_start3A_300] : memref<32768x1024xf32, #tpu.memory_space<hbm>> -> memref<32x1024xf32, #tpu.memory_space<hbm>>
    %dma_start3A_302 = arith.constant 0 : i32
    %dma_start3A_303 = arith.constant 0 : i32
    %dma_start3A_304 = tpu.memref_slice %arg8[%dma_start3A_293, %dma_start3A_302, %dma_start3A_303] : memref<3x32x1024xf32, #tpu.memory_space<vmem>> -> memref<1x32x1024xf32, #tpu.memory_space<vmem>>
    %dma_start3A_305 = tpu.memref_squeeze %dma_start3A_304 : memref<1x32x1024xf32, #tpu.memory_space<vmem>> -> memref<32x1024xf32, #tpu.memory_space<vmem>>
    tpu.enqueue_dma source(%dma_start3A_305 : memref<32x1024xf32, #tpu.memory_space<vmem>>) target(%dma_start3A_301 : memref<32x1024xf32, #tpu.memory_space<hbm>>) target_semaphore(%arg14 : memref<!tpu.dma_semaphore, #tpu.memory_space<semaphore_mem>>)
    %add3A_306 = arith.constant 8192 : i32
    %add3A_307 = arith.addi %add3A_306, %mul3A_2 : i32
    %add3A_308 = arith.constant 32 : i32
    %add3A_309 = arith.addi %add3A_307, %add3A_308 : i32
    %dma_start3A_310 = arith.constant 1 : i32
    %dma_start3A_311 = arith.constant 0 : i32
    %dma_start3A_312 = arith.constant 0 : i32
    %dma_start3A_313 = tpu.memref_slice %arg8[%dma_start3A_310, %dma_start3A_311, %dma_start3A_312] : memref<3x32x1024xf32, #tpu.memory_space<vmem>> -> memref<1x32x1024xf32, #tpu.memory_space<vmem>>
    %dma_start3A_314 = tpu.memref_squeeze %dma_start3A_313 : memref<1x32x1024xf32, #tpu.memory_space<vmem>> -> memref<32x1024xf32, #tpu.memory_space<vmem>>
    %dma_start3A_315 = arith.constant 0 : i32
    %dma_start3A_316 = tpu.memref_slice %arg4[%add3A_309, %dma_start3A_315] : memref<32768x1024xf32, #tpu.memory_space<hbm>> -> memref<32x1024xf32, #tpu.memory_space<hbm>>
    %dma_start3A_317 = arith.constant 0 : i32
    %dma_start3A_318 = tpu.memref_slice %arg4[%add3A_309, %dma_start3A_317] : memref<32768x1024xf32, #tpu.memory_space<hbm>> -> memref<32x1024xf32, #tpu.memory_space<hbm>>
    %dma_start3A_319 = arith.constant 0 : i32
    %dma_start3A_320 = arith.constant 0 : i32
    %dma_start3A_321 = tpu.memref_slice %arg8[%dma_start3A_310, %dma_start3A_319, %dma_start3A_320] : memref<3x32x1024xf32, #tpu.memory_space<vmem>> -> memref<1x32x1024xf32, #tpu.memory_space<vmem>>
    %dma_start3A_322 = tpu.memref_squeeze %dma_start3A_321 : memref<1x32x1024xf32, #tpu.memory_space<vmem>> -> memref<32x1024xf32, #tpu.memory_space<vmem>>
    tpu.enqueue_dma source(%dma_start3A_322 : memref<32x1024xf32, #tpu.memory_space<vmem>>) target(%dma_start3A_318 : memref<32x1024xf32, #tpu.memory_space<hbm>>) target_semaphore(%arg14 : memref<!tpu.dma_semaphore, #tpu.memory_space<semaphore_mem>>)
    %add3A_323 = arith.constant 16384 : i32
    %add3A_324 = arith.addi %add3A_323, %mul3A_2 : i32
    %add3A_325 = arith.constant 32 : i32
    %add3A_326 = arith.addi %add3A_324, %add3A_325 : i32
    %dma_start3A_327 = arith.constant 1 : i32
    %dma_start3A_328 = arith.constant 0 : i32
    %dma_start3A_329 = arith.constant 0 : i32
    %dma_start3A_330 = tpu.memref_slice %arg8[%dma_start3A_327, %dma_start3A_328, %dma_start3A_329] : memref<3x32x1024xf32, #tpu.memory_space<vmem>> -> memref<1x32x1024xf32, #tpu.memory_space<vmem>>
    %dma_start3A_331 = tpu.memref_squeeze %dma_start3A_330 : memref<1x32x1024xf32, #tpu.memory_space<vmem>> -> memref<32x1024xf32, #tpu.memory_space<vmem>>
    %dma_start3A_332 = arith.constant 0 : i32
    %dma_start3A_333 = tpu.memref_slice %arg4[%add3A_326, %dma_start3A_332] : memref<32768x1024xf32, #tpu.memory_space<hbm>> -> memref<32x1024xf32, #tpu.memory_space<hbm>>
    %dma_start3A_334 = arith.constant 0 : i32
    %dma_start3A_335 = tpu.memref_slice %arg4[%add3A_326, %dma_start3A_334] : memref<32768x1024xf32, #tpu.memory_space<hbm>> -> memref<32x1024xf32, #tpu.memory_space<hbm>>
    %dma_start3A_336 = arith.constant 0 : i32
    %dma_start3A_337 = arith.constant 0 : i32
    %dma_start3A_338 = tpu.memref_slice %arg8[%dma_start3A_327, %dma_start3A_336, %dma_start3A_337] : memref<3x32x1024xf32, #tpu.memory_space<vmem>> -> memref<1x32x1024xf32, #tpu.memory_space<vmem>>
    %dma_start3A_339 = tpu.memref_squeeze %dma_start3A_338 : memref<1x32x1024xf32, #tpu.memory_space<vmem>> -> memref<32x1024xf32, #tpu.memory_space<vmem>>
    tpu.enqueue_dma source(%dma_start3A_339 : memref<32x1024xf32, #tpu.memory_space<vmem>>) target(%dma_start3A_335 : memref<32x1024xf32, #tpu.memory_space<hbm>>) target_semaphore(%arg14 : memref<!tpu.dma_semaphore, #tpu.memory_space<semaphore_mem>>)
    %add3A_340 = arith.constant 24576 : i32
    %add3A_341 = arith.addi %add3A_340, %mul3A_2 : i32
    %add3A_342 = arith.constant 32 : i32
    %add3A_343 = arith.addi %add3A_341, %add3A_342 : i32
    %dma_start3A_344 = arith.constant 1 : i32
    %dma_start3A_345 = arith.constant 0 : i32
    %dma_start3A_346 = arith.constant 0 : i32
    %dma_start3A_347 = tpu.memref_slice %arg8[%dma_start3A_344, %dma_start3A_345, %dma_start3A_346] : memref<3x32x1024xf32, #tpu.memory_space<vmem>> -> memref<1x32x1024xf32, #tpu.memory_space<vmem>>
    %dma_start3A_348 = tpu.memref_squeeze %dma_start3A_347 : memref<1x32x1024xf32, #tpu.memory_space<vmem>> -> memref<32x1024xf32, #tpu.memory_space<vmem>>
    %dma_start3A_349 = arith.constant 0 : i32
    %dma_start3A_350 = tpu.memref_slice %arg4[%add3A_343, %dma_start3A_349] : memref<32768x1024xf32, #tpu.memory_space<hbm>> -> memref<32x1024xf32, #tpu.memory_space<hbm>>
    %dma_start3A_351 = arith.constant 0 : i32
    %dma_start3A_352 = tpu.memref_slice %arg4[%add3A_343, %dma_start3A_351] : memref<32768x1024xf32, #tpu.memory_space<hbm>> -> memref<32x1024xf32, #tpu.memory_space<hbm>>
    %dma_start3A_353 = arith.constant 0 : i32
    %dma_start3A_354 = arith.constant 0 : i32
    %dma_start3A_355 = tpu.memref_slice %arg8[%dma_start3A_344, %dma_start3A_353, %dma_start3A_354] : memref<3x32x1024xf32, #tpu.memory_space<vmem>> -> memref<1x32x1024xf32, #tpu.memory_space<vmem>>
    %dma_start3A_356 = tpu.memref_squeeze %dma_start3A_355 : memref<1x32x1024xf32, #tpu.memory_space<vmem>> -> memref<32x1024xf32, #tpu.memory_space<vmem>>
    tpu.enqueue_dma source(%dma_start3A_356 : memref<32x1024xf32, #tpu.memory_space<vmem>>) target(%dma_start3A_352 : memref<32x1024xf32, #tpu.memory_space<hbm>>) target_semaphore(%arg14 : memref<!tpu.dma_semaphore, #tpu.memory_space<semaphore_mem>>)
    %dma_wait3A_357 = arith.constant 2 : i32
    %dma_wait3A_358 = arith.constant 0 : i32
    %dma_wait3A_359 = arith.constant 0 : i32
    %dma_wait3A_360 = tpu.memref_slice %arg8[%dma_wait3A_357, %dma_wait3A_358, %dma_wait3A_359] : memref<3x32x1024xf32, #tpu.memory_space<vmem>> -> memref<1x32x1024xf32, #tpu.memory_space<vmem>>
    %dma_wait3A_361 = tpu.memref_squeeze %dma_wait3A_360 : memref<1x32x1024xf32, #tpu.memory_space<vmem>> -> memref<32x1024xf32, #tpu.memory_space<vmem>>
    %dma_wait3A_362 = arith.constant 0 : i32
    %dma_wait3A_363 = arith.constant 0 : i32
    %dma_wait3A_364 = tpu.memref_slice %arg3[%dma_wait3A_362, %dma_wait3A_363] : memref<8194x1024xf32, #tpu.memory_space<hbm>> -> memref<32x1024xf32, #tpu.memory_space<hbm>>
    %dma_wait3A_365 = arith.constant 0 : i32
    %dma_wait3A_366 = arith.constant 0 : i32
    %dma_wait3A_367 = tpu.memref_slice %arg8[%dma_wait3A_357, %dma_wait3A_365, %dma_wait3A_366] : memref<3x32x1024xf32, #tpu.memory_space<vmem>> -> memref<1x32x1024xf32, #tpu.memory_space<vmem>>
    %dma_wait3A_368 = tpu.memref_squeeze %dma_wait3A_367 : memref<1x32x1024xf32, #tpu.memory_space<vmem>> -> memref<32x1024xf32, #tpu.memory_space<vmem>>
    %dma_wait3A_369 = arith.constant 0 : i32
    %dma_wait3A_370 = arith.constant 0 : i32
    %dma_wait3A_371 = tpu.memref_slice %arg3[%dma_wait3A_369, %dma_wait3A_370] : memref<8194x1024xf32, #tpu.memory_space<hbm>> -> memref<32x1024xf32, #tpu.memory_space<hbm>>
    tpu.wait_dma2 semaphore(%arg12 : memref<!tpu.dma_semaphore, #tpu.memory_space<semaphore_mem>>) src(%dma_wait3A_371 : memref<32x1024xf32, #tpu.memory_space<hbm>>) dst(%dma_wait3A_368 : memref<32x1024xf32, #tpu.memory_space<vmem>>)
    %add3A_372 = arith.constant 0 : i32
    %add3A_373 = arith.addi %add3A_372, %mul3A_2 : i32
    %add3A_374 = arith.constant 64 : i32
    %add3A_375 = arith.addi %add3A_373, %add3A_374 : i32
    %dma_start3A_376 = arith.constant 2 : i32
    %dma_start3A_377 = arith.constant 0 : i32
    %dma_start3A_378 = arith.constant 0 : i32
    %dma_start3A_379 = tpu.memref_slice %arg8[%dma_start3A_376, %dma_start3A_377, %dma_start3A_378] : memref<3x32x1024xf32, #tpu.memory_space<vmem>> -> memref<1x32x1024xf32, #tpu.memory_space<vmem>>
    %dma_start3A_380 = tpu.memref_squeeze %dma_start3A_379 : memref<1x32x1024xf32, #tpu.memory_space<vmem>> -> memref<32x1024xf32, #tpu.memory_space<vmem>>
    %dma_start3A_381 = arith.constant 0 : i32
    %dma_start3A_382 = tpu.memref_slice %arg4[%add3A_375, %dma_start3A_381] : memref<32768x1024xf32, #tpu.memory_space<hbm>> -> memref<32x1024xf32, #tpu.memory_space<hbm>>
    %dma_start3A_383 = arith.constant 0 : i32
    %dma_start3A_384 = tpu.memref_slice %arg4[%add3A_375, %dma_start3A_383] : memref<32768x1024xf32, #tpu.memory_space<hbm>> -> memref<32x1024xf32, #tpu.memory_space<hbm>>
    %dma_start3A_385 = arith.constant 0 : i32
    %dma_start3A_386 = arith.constant 0 : i32
    %dma_start3A_387 = tpu.memref_slice %arg8[%dma_start3A_376, %dma_start3A_385, %dma_start3A_386] : memref<3x32x1024xf32, #tpu.memory_space<vmem>> -> memref<1x32x1024xf32, #tpu.memory_space<vmem>>
    %dma_start3A_388 = tpu.memref_squeeze %dma_start3A_387 : memref<1x32x1024xf32, #tpu.memory_space<vmem>> -> memref<32x1024xf32, #tpu.memory_space<vmem>>
    tpu.enqueue_dma source(%dma_start3A_388 : memref<32x1024xf32, #tpu.memory_space<vmem>>) target(%dma_start3A_384 : memref<32x1024xf32, #tpu.memory_space<hbm>>) target_semaphore(%arg15 : memref<!tpu.dma_semaphore, #tpu.memory_space<semaphore_mem>>)
    %add3A_389 = arith.constant 8192 : i32
    %add3A_390 = arith.addi %add3A_389, %mul3A_2 : i32
    %add3A_391 = arith.constant 64 : i32
    %add3A_392 = arith.addi %add3A_390, %add3A_391 : i32
    %dma_start3A_393 = arith.constant 2 : i32
    %dma_start3A_394 = arith.constant 0 : i32
    %dma_start3A_395 = arith.constant 0 : i32
    %dma_start3A_396 = tpu.memref_slice %arg8[%dma_start3A_393, %dma_start3A_394, %dma_start3A_395] : memref<3x32x1024xf32, #tpu.memory_space<vmem>> -> memref<1x32x1024xf32, #tpu.memory_space<vmem>>
    %dma_start3A_397 = tpu.memref_squeeze %dma_start3A_396 : memref<1x32x1024xf32, #tpu.memory_space<vmem>> -> memref<32x1024xf32, #tpu.memory_space<vmem>>
    %dma_start3A_398 = arith.constant 0 : i32
    %dma_start3A_399 = tpu.memref_slice %arg4[%add3A_392, %dma_start3A_398] : memref<32768x1024xf32, #tpu.memory_space<hbm>> -> memref<32x1024xf32, #tpu.memory_space<hbm>>
    %dma_start3A_400 = arith.constant 0 : i32
    %dma_start3A_401 = tpu.memref_slice %arg4[%add3A_392, %dma_start3A_400] : memref<32768x1024xf32, #tpu.memory_space<hbm>> -> memref<32x1024xf32, #tpu.memory_space<hbm>>
    %dma_start3A_402 = arith.constant 0 : i32
    %dma_start3A_403 = arith.constant 0 : i32
    %dma_start3A_404 = tpu.memref_slice %arg8[%dma_start3A_393, %dma_start3A_402, %dma_start3A_403] : memref<3x32x1024xf32, #tpu.memory_space<vmem>> -> memref<1x32x1024xf32, #tpu.memory_space<vmem>>
    %dma_start3A_405 = tpu.memref_squeeze %dma_start3A_404 : memref<1x32x1024xf32, #tpu.memory_space<vmem>> -> memref<32x1024xf32, #tpu.memory_space<vmem>>
    tpu.enqueue_dma source(%dma_start3A_405 : memref<32x1024xf32, #tpu.memory_space<vmem>>) target(%dma_start3A_401 : memref<32x1024xf32, #tpu.memory_space<hbm>>) target_semaphore(%arg15 : memref<!tpu.dma_semaphore, #tpu.memory_space<semaphore_mem>>)
    %add3A_406 = arith.constant 16384 : i32
    %add3A_407 = arith.addi %add3A_406, %mul3A_2 : i32
    %add3A_408 = arith.constant 64 : i32
    %add3A_409 = arith.addi %add3A_407, %add3A_408 : i32
    %dma_start3A_410 = arith.constant 2 : i32
    %dma_start3A_411 = arith.constant 0 : i32
    %dma_start3A_412 = arith.constant 0 : i32
    %dma_start3A_413 = tpu.memref_slice %arg8[%dma_start3A_410, %dma_start3A_411, %dma_start3A_412] : memref<3x32x1024xf32, #tpu.memory_space<vmem>> -> memref<1x32x1024xf32, #tpu.memory_space<vmem>>
    %dma_start3A_414 = tpu.memref_squeeze %dma_start3A_413 : memref<1x32x1024xf32, #tpu.memory_space<vmem>> -> memref<32x1024xf32, #tpu.memory_space<vmem>>
    %dma_start3A_415 = arith.constant 0 : i32
    %dma_start3A_416 = tpu.memref_slice %arg4[%add3A_409, %dma_start3A_415] : memref<32768x1024xf32, #tpu.memory_space<hbm>> -> memref<32x1024xf32, #tpu.memory_space<hbm>>
    %dma_start3A_417 = arith.constant 0 : i32
    %dma_start3A_418 = tpu.memref_slice %arg4[%add3A_409, %dma_start3A_417] : memref<32768x1024xf32, #tpu.memory_space<hbm>> -> memref<32x1024xf32, #tpu.memory_space<hbm>>
    %dma_start3A_419 = arith.constant 0 : i32
    %dma_start3A_420 = arith.constant 0 : i32
    %dma_start3A_421 = tpu.memref_slice %arg8[%dma_start3A_410, %dma_start3A_419, %dma_start3A_420] : memref<3x32x1024xf32, #tpu.memory_space<vmem>> -> memref<1x32x1024xf32, #tpu.memory_space<vmem>>
    %dma_start3A_422 = tpu.memref_squeeze %dma_start3A_421 : memref<1x32x1024xf32, #tpu.memory_space<vmem>> -> memref<32x1024xf32, #tpu.memory_space<vmem>>
    tpu.enqueue_dma source(%dma_start3A_422 : memref<32x1024xf32, #tpu.memory_space<vmem>>) target(%dma_start3A_418 : memref<32x1024xf32, #tpu.memory_space<hbm>>) target_semaphore(%arg15 : memref<!tpu.dma_semaphore, #tpu.memory_space<semaphore_mem>>)
    %add3A_423 = arith.constant 24576 : i32
    %add3A_424 = arith.addi %add3A_423, %mul3A_2 : i32
    %add3A_425 = arith.constant 64 : i32
    %add3A_426 = arith.addi %add3A_424, %add3A_425 : i32
    %dma_start3A_427 = arith.constant 2 : i32
    %dma_start3A_428 = arith.constant 0 : i32
    %dma_start3A_429 = arith.constant 0 : i32
    %dma_start3A_430 = tpu.memref_slice %arg8[%dma_start3A_427, %dma_start3A_428, %dma_start3A_429] : memref<3x32x1024xf32, #tpu.memory_space<vmem>> -> memref<1x32x1024xf32, #tpu.memory_space<vmem>>
    %dma_start3A_431 = tpu.memref_squeeze %dma_start3A_430 : memref<1x32x1024xf32, #tpu.memory_space<vmem>> -> memref<32x1024xf32, #tpu.memory_space<vmem>>
    %dma_start3A_432 = arith.constant 0 : i32
    %dma_start3A_433 = tpu.memref_slice %arg4[%add3A_426, %dma_start3A_432] : memref<32768x1024xf32, #tpu.memory_space<hbm>> -> memref<32x1024xf32, #tpu.memory_space<hbm>>
    %dma_start3A_434 = arith.constant 0 : i32
    %dma_start3A_435 = tpu.memref_slice %arg4[%add3A_426, %dma_start3A_434] : memref<32768x1024xf32, #tpu.memory_space<hbm>> -> memref<32x1024xf32, #tpu.memory_space<hbm>>
    %dma_start3A_436 = arith.constant 0 : i32
    %dma_start3A_437 = arith.constant 0 : i32
    %dma_start3A_438 = tpu.memref_slice %arg8[%dma_start3A_427, %dma_start3A_436, %dma_start3A_437] : memref<3x32x1024xf32, #tpu.memory_space<vmem>> -> memref<1x32x1024xf32, #tpu.memory_space<vmem>>
    %dma_start3A_439 = tpu.memref_squeeze %dma_start3A_438 : memref<1x32x1024xf32, #tpu.memory_space<vmem>> -> memref<32x1024xf32, #tpu.memory_space<vmem>>
    tpu.enqueue_dma source(%dma_start3A_439 : memref<32x1024xf32, #tpu.memory_space<vmem>>) target(%dma_start3A_435 : memref<32x1024xf32, #tpu.memory_space<hbm>>) target_semaphore(%arg15 : memref<!tpu.dma_semaphore, #tpu.memory_space<semaphore_mem>>)
    %dma_wait3A_440 = arith.constant 0 : i32
    %dma_wait3A_441 = arith.constant 0 : i32
    %dma_wait3A_442 = arith.constant 0 : i32
    %dma_wait3A_443 = tpu.memref_slice %arg8[%dma_wait3A_440, %dma_wait3A_441, %dma_wait3A_442] : memref<3x32x1024xf32, #tpu.memory_space<vmem>> -> memref<1x32x1024xf32, #tpu.memory_space<vmem>>
    %dma_wait3A_444 = tpu.memref_squeeze %dma_wait3A_443 : memref<1x32x1024xf32, #tpu.memory_space<vmem>> -> memref<32x1024xf32, #tpu.memory_space<vmem>>
    %dma_wait3A_445 = arith.constant 0 : i32
    %dma_wait3A_446 = tpu.memref_slice %arg4[%mul3A_2, %dma_wait3A_445] : memref<32768x1024xf32, #tpu.memory_space<hbm>> -> memref<32x1024xf32, #tpu.memory_space<hbm>>
    %dma_wait3A_447 = arith.constant 0 : i32
    %dma_wait3A_448 = tpu.memref_slice %arg4[%mul3A_2, %dma_wait3A_447] : memref<32768x1024xf32, #tpu.memory_space<hbm>> -> memref<32x1024xf32, #tpu.memory_space<hbm>>
    %dma_wait3A_449 = arith.constant 0 : i32
    %dma_wait3A_450 = arith.constant 0 : i32
    %dma_wait3A_451 = tpu.memref_slice %arg8[%dma_wait3A_440, %dma_wait3A_449, %dma_wait3A_450] : memref<3x32x1024xf32, #tpu.memory_space<vmem>> -> memref<1x32x1024xf32, #tpu.memory_space<vmem>>
    %dma_wait3A_452 = tpu.memref_squeeze %dma_wait3A_451 : memref<1x32x1024xf32, #tpu.memory_space<vmem>> -> memref<32x1024xf32, #tpu.memory_space<vmem>>
    tpu.wait_dma2 semaphore(%arg13 : memref<!tpu.dma_semaphore, #tpu.memory_space<semaphore_mem>>) src(%dma_wait3A_452 : memref<32x1024xf32, #tpu.memory_space<vmem>>) dst(%dma_wait3A_448 : memref<32x1024xf32, #tpu.memory_space<hbm>>)
    %dma_wait3A_453 = arith.constant 0 : i32
    %dma_wait3A_454 = arith.constant 0 : i32
    %dma_wait3A_455 = arith.constant 0 : i32
    %dma_wait3A_456 = tpu.memref_slice %arg8[%dma_wait3A_453, %dma_wait3A_454, %dma_wait3A_455] : memref<3x32x1024xf32, #tpu.memory_space<vmem>> -> memref<1x32x1024xf32, #tpu.memory_space<vmem>>
    %dma_wait3A_457 = tpu.memref_squeeze %dma_wait3A_456 : memref<1x32x1024xf32, #tpu.memory_space<vmem>> -> memref<32x1024xf32, #tpu.memory_space<vmem>>
    %dma_wait3A_458 = arith.constant 0 : i32
    %dma_wait3A_459 = tpu.memref_slice %arg4[%mul3A_2, %dma_wait3A_458] : memref<32768x1024xf32, #tpu.memory_space<hbm>> -> memref<32x1024xf32, #tpu.memory_space<hbm>>
    %dma_wait3A_460 = arith.constant 0 : i32
    %dma_wait3A_461 = tpu.memref_slice %arg4[%mul3A_2, %dma_wait3A_460] : memref<32768x1024xf32, #tpu.memory_space<hbm>> -> memref<32x1024xf32, #tpu.memory_space<hbm>>
    %dma_wait3A_462 = arith.constant 0 : i32
    %dma_wait3A_463 = arith.constant 0 : i32
    %dma_wait3A_464 = tpu.memref_slice %arg8[%dma_wait3A_453, %dma_wait3A_462, %dma_wait3A_463] : memref<3x32x1024xf32, #tpu.memory_space<vmem>> -> memref<1x32x1024xf32, #tpu.memory_space<vmem>>
    %dma_wait3A_465 = tpu.memref_squeeze %dma_wait3A_464 : memref<1x32x1024xf32, #tpu.memory_space<vmem>> -> memref<32x1024xf32, #tpu.memory_space<vmem>>
    tpu.wait_dma2 semaphore(%arg13 : memref<!tpu.dma_semaphore, #tpu.memory_space<semaphore_mem>>) src(%dma_wait3A_465 : memref<32x1024xf32, #tpu.memory_space<vmem>>) dst(%dma_wait3A_461 : memref<32x1024xf32, #tpu.memory_space<hbm>>)
    %dma_wait3A_466 = arith.constant 0 : i32
    %dma_wait3A_467 = arith.constant 0 : i32
    %dma_wait3A_468 = arith.constant 0 : i32
    %dma_wait3A_469 = tpu.memref_slice %arg8[%dma_wait3A_466, %dma_wait3A_467, %dma_wait3A_468] : memref<3x32x1024xf32, #tpu.memory_space<vmem>> -> memref<1x32x1024xf32, #tpu.memory_space<vmem>>
    %dma_wait3A_470 = tpu.memref_squeeze %dma_wait3A_469 : memref<1x32x1024xf32, #tpu.memory_space<vmem>> -> memref<32x1024xf32, #tpu.memory_space<vmem>>
    %dma_wait3A_471 = arith.constant 0 : i32
    %dma_wait3A_472 = tpu.memref_slice %arg4[%mul3A_2, %dma_wait3A_471] : memref<32768x1024xf32, #tpu.memory_space<hbm>> -> memref<32x1024xf32, #tpu.memory_space<hbm>>
    %dma_wait3A_473 = arith.constant 0 : i32
    %dma_wait3A_474 = tpu.memref_slice %arg4[%mul3A_2, %dma_wait3A_473] : memref<32768x1024xf32, #tpu.memory_space<hbm>> -> memref<32x1024xf32, #tpu.memory_space<hbm>>
    %dma_wait3A_475 = arith.constant 0 : i32
    %dma_wait3A_476 = arith.constant 0 : i32
    %dma_wait3A_477 = tpu.memref_slice %arg8[%dma_wait3A_466, %dma_wait3A_475, %dma_wait3A_476] : memref<3x32x1024xf32, #tpu.memory_space<vmem>> -> memref<1x32x1024xf32, #tpu.memory_space<vmem>>
    %dma_wait3A_478 = tpu.memref_squeeze %dma_wait3A_477 : memref<1x32x1024xf32, #tpu.memory_space<vmem>> -> memref<32x1024xf32, #tpu.memory_space<vmem>>
    tpu.wait_dma2 semaphore(%arg13 : memref<!tpu.dma_semaphore, #tpu.memory_space<semaphore_mem>>) src(%dma_wait3A_478 : memref<32x1024xf32, #tpu.memory_space<vmem>>) dst(%dma_wait3A_474 : memref<32x1024xf32, #tpu.memory_space<hbm>>)
    %dma_wait3A_479 = arith.constant 0 : i32
    %dma_wait3A_480 = arith.constant 0 : i32
    %dma_wait3A_481 = arith.constant 0 : i32
    %dma_wait3A_482 = tpu.memref_slice %arg8[%dma_wait3A_479, %dma_wait3A_480, %dma_wait3A_481] : memref<3x32x1024xf32, #tpu.memory_space<vmem>> -> memref<1x32x1024xf32, #tpu.memory_space<vmem>>
    %dma_wait3A_483 = tpu.memref_squeeze %dma_wait3A_482 : memref<1x32x1024xf32, #tpu.memory_space<vmem>> -> memref<32x1024xf32, #tpu.memory_space<vmem>>
    %dma_wait3A_484 = arith.constant 0 : i32
    %dma_wait3A_485 = tpu.memref_slice %arg4[%mul3A_2, %dma_wait3A_484] : memref<32768x1024xf32, #tpu.memory_space<hbm>> -> memref<32x1024xf32, #tpu.memory_space<hbm>>
    %dma_wait3A_486 = arith.constant 0 : i32
    %dma_wait3A_487 = tpu.memref_slice %arg4[%mul3A_2, %dma_wait3A_486] : memref<32768x1024xf32, #tpu.memory_space<hbm>> -> memref<32x1024xf32, #tpu.memory_space<hbm>>
    %dma_wait3A_488 = arith.constant 0 : i32
    %dma_wait3A_489 = arith.constant 0 : i32
    %dma_wait3A_490 = tpu.memref_slice %arg8[%dma_wait3A_479, %dma_wait3A_488, %dma_wait3A_489] : memref<3x32x1024xf32, #tpu.memory_space<vmem>> -> memref<1x32x1024xf32, #tpu.memory_space<vmem>>
    %dma_wait3A_491 = tpu.memref_squeeze %dma_wait3A_490 : memref<1x32x1024xf32, #tpu.memory_space<vmem>> -> memref<32x1024xf32, #tpu.memory_space<vmem>>
    tpu.wait_dma2 semaphore(%arg13 : memref<!tpu.dma_semaphore, #tpu.memory_space<semaphore_mem>>) src(%dma_wait3A_491 : memref<32x1024xf32, #tpu.memory_space<vmem>>) dst(%dma_wait3A_487 : memref<32x1024xf32, #tpu.memory_space<hbm>>)
    %dma_start3A_492 = arith.constant 0 : i32
    %dma_start3A_493 = arith.constant 0 : i32
    %dma_start3A_494 = arith.constant 0 : i32
    %dma_start3A_495 = tpu.memref_slice %arg8[%dma_start3A_492, %dma_start3A_493, %dma_start3A_494] : memref<3x32x1024xf32, #tpu.memory_space<vmem>> -> memref<1x32x1024xf32, #tpu.memory_space<vmem>>
    %dma_start3A_496 = tpu.memref_squeeze %dma_start3A_495 : memref<1x32x1024xf32, #tpu.memory_space<vmem>> -> memref<32x1024xf32, #tpu.memory_space<vmem>>
    %dma_start3A_497 = arith.constant 96 : i32
    %dma_start3A_498 = tpu.memref_slice %arg6[%dma_start3A_497] : memref<256xi32, #tpu.memory_space<vmem>> -> memref<32xi32, #tpu.memory_space<vmem>>
    %dma_start3A_499 = arith.constant 0 : i32
    %dma_start3A_500 = arith.constant 0 : i32
    %dma_start3A_501 = tpu.memref_slice %arg3[%dma_start3A_499, %dma_start3A_500] : memref<8194x1024xf32, #tpu.memory_space<hbm>> -> memref<8194x1024xf32, #tpu.memory_space<hbm>>
    tpu.enqueue_indirect_dma source(%dma_start3A_501 : memref<8194x1024xf32, #tpu.memory_space<hbm>>) target(%dma_start3A_496 : memref<32x1024xf32, #tpu.memory_space<vmem>>) offsets(%dma_start3A_498 : memref<32xi32, #tpu.memory_space<vmem>>) semaphore(%arg10 : memref<!tpu.dma_semaphore, #tpu.memory_space<semaphore_mem>>)
    %dma_wait3A_502 = arith.constant 0 : i32
    %dma_wait3A_503 = arith.constant 0 : i32
    %dma_wait3A_504 = arith.constant 0 : i32
    %dma_wait3A_505 = tpu.memref_slice %arg8[%dma_wait3A_502, %dma_wait3A_503, %dma_wait3A_504] : memref<3x32x1024xf32, #tpu.memory_space<vmem>> -> memref<1x32x1024xf32, #tpu.memory_space<vmem>>
    %dma_wait3A_506 = tpu.memref_squeeze %dma_wait3A_505 : memref<1x32x1024xf32, #tpu.memory_space<vmem>> -> memref<32x1024xf32, #tpu.memory_space<vmem>>
    %dma_wait3A_507 = arith.constant 0 : i32
    %dma_wait3A_508 = arith.constant 0 : i32
    %dma_wait3A_509 = tpu.memref_slice %arg3[%dma_wait3A_507, %dma_wait3A_508] : memref<8194x1024xf32, #tpu.memory_space<hbm>> -> memref<32x1024xf32, #tpu.memory_space<hbm>>
    %dma_wait3A_510 = arith.constant 0 : i32
    %dma_wait3A_511 = arith.constant 0 : i32
    %dma_wait3A_512 = tpu.memref_slice %arg8[%dma_wait3A_502, %dma_wait3A_510, %dma_wait3A_511] : memref<3x32x1024xf32, #tpu.memory_space<vmem>> -> memref<1x32x1024xf32, #tpu.memory_space<vmem>>
    %dma_wait3A_513 = tpu.memref_squeeze %dma_wait3A_512 : memref<1x32x1024xf32, #tpu.memory_space<vmem>> -> memref<32x1024xf32, #tpu.memory_space<vmem>>
    %dma_wait3A_514 = arith.constant 0 : i32
    %dma_wait3A_515 = arith.constant 0 : i32
    %dma_wait3A_516 = tpu.memref_slice %arg3[%dma_wait3A_514, %dma_wait3A_515] : memref<8194x1024xf32, #tpu.memory_space<hbm>> -> memref<32x1024xf32, #tpu.memory_space<hbm>>
    tpu.wait_dma2 semaphore(%arg10 : memref<!tpu.dma_semaphore, #tpu.memory_space<semaphore_mem>>) src(%dma_wait3A_516 : memref<32x1024xf32, #tpu.memory_space<hbm>>) dst(%dma_wait3A_513 : memref<32x1024xf32, #tpu.memory_space<vmem>>)
    %add3A_517 = arith.constant 0 : i32
    %add3A_518 = arith.addi %add3A_517, %mul3A_2 : i32
    %add3A_519 = arith.constant 96 : i32
    %add3A_520 = arith.addi %add3A_518, %add3A_519 : i32
    %dma_start3A_521 = arith.constant 0 : i32
    %dma_start3A_522 = arith.constant 0 : i32
    %dma_start3A_523 = arith.constant 0 : i32
    %dma_start3A_524 = tpu.memref_slice %arg8[%dma_start3A_521, %dma_start3A_522, %dma_start3A_523] : memref<3x32x1024xf32, #tpu.memory_space<vmem>> -> memref<1x32x1024xf32, #tpu.memory_space<vmem>>
    %dma_start3A_525 = tpu.memref_squeeze %dma_start3A_524 : memref<1x32x1024xf32, #tpu.memory_space<vmem>> -> memref<32x1024xf32, #tpu.memory_space<vmem>>
    %dma_start3A_526 = arith.constant 0 : i32
    %dma_start3A_527 = tpu.memref_slice %arg4[%add3A_520, %dma_start3A_526] : memref<32768x1024xf32, #tpu.memory_space<hbm>> -> memref<32x1024xf32, #tpu.memory_space<hbm>>
    %dma_start3A_528 = arith.constant 0 : i32
    %dma_start3A_529 = tpu.memref_slice %arg4[%add3A_520, %dma_start3A_528] : memref<32768x1024xf32, #tpu.memory_space<hbm>> -> memref<32x1024xf32, #tpu.memory_space<hbm>>
    %dma_start3A_530 = arith.constant 0 : i32
    %dma_start3A_531 = arith.constant 0 : i32
    %dma_start3A_532 = tpu.memref_slice %arg8[%dma_start3A_521, %dma_start3A_530, %dma_start3A_531] : memref<3x32x1024xf32, #tpu.memory_space<vmem>> -> memref<1x32x1024xf32, #tpu.memory_space<vmem>>
    %dma_start3A_533 = tpu.memref_squeeze %dma_start3A_532 : memref<1x32x1024xf32, #tpu.memory_space<vmem>> -> memref<32x1024xf32, #tpu.memory_space<vmem>>
    tpu.enqueue_dma source(%dma_start3A_533 : memref<32x1024xf32, #tpu.memory_space<vmem>>) target(%dma_start3A_529 : memref<32x1024xf32, #tpu.memory_space<hbm>>) target_semaphore(%arg13 : memref<!tpu.dma_semaphore, #tpu.memory_space<semaphore_mem>>)
    %add3A_534 = arith.constant 8192 : i32
    %add3A_535 = arith.addi %add3A_534, %mul3A_2 : i32
    %add3A_536 = arith.constant 96 : i32
    %add3A_537 = arith.addi %add3A_535, %add3A_536 : i32
    %dma_start3A_538 = arith.constant 0 : i32
    %dma_start3A_539 = arith.constant 0 : i32
    %dma_start3A_540 = arith.constant 0 : i32
    %dma_start3A_541 = tpu.memref_slice %arg8[%dma_start3A_538, %dma_start3A_539, %dma_start3A_540] : memref<3x32x1024xf32, #tpu.memory_space<vmem>> -> memref<1x32x1024xf32, #tpu.memory_space<vmem>>
    %dma_start3A_542 = tpu.memref_squeeze %dma_start3A_541 : memref<1x32x1024xf32, #tpu.memory_space<vmem>> -> memref<32x1024xf32, #tpu.memory_space<vmem>>
    %dma_start3A_543 = arith.constant 0 : i32
    %dma_start3A_544 = tpu.memref_slice %arg4[%add3A_537, %dma_start3A_543] : memref<32768x1024xf32, #tpu.memory_space<hbm>> -> memref<32x1024xf32, #tpu.memory_space<hbm>>
    %dma_start3A_545 = arith.constant 0 : i32
    %dma_start3A_546 = tpu.memref_slice %arg4[%add3A_537, %dma_start3A_545] : memref<32768x1024xf32, #tpu.memory_space<hbm>> -> memref<32x1024xf32, #tpu.memory_space<hbm>>
    %dma_start3A_547 = arith.constant 0 : i32
    %dma_start3A_548 = arith.constant 0 : i32
    %dma_start3A_549 = tpu.memref_slice %arg8[%dma_start3A_538, %dma_start3A_547, %dma_start3A_548] : memref<3x32x1024xf32, #tpu.memory_space<vmem>> -> memref<1x32x1024xf32, #tpu.memory_space<vmem>>
    %dma_start3A_550 = tpu.memref_squeeze %dma_start3A_549 : memref<1x32x1024xf32, #tpu.memory_space<vmem>> -> memref<32x1024xf32, #tpu.memory_space<vmem>>
    tpu.enqueue_dma source(%dma_start3A_550 : memref<32x1024xf32, #tpu.memory_space<vmem>>) target(%dma_start3A_546 : memref<32x1024xf32, #tpu.memory_space<hbm>>) target_semaphore(%arg13 : memref<!tpu.dma_semaphore, #tpu.memory_space<semaphore_mem>>)
    %add3A_551 = arith.constant 16384 : i32
    %add3A_552 = arith.addi %add3A_551, %mul3A_2 : i32
    %add3A_553 = arith.constant 96 : i32
    %add3A_554 = arith.addi %add3A_552, %add3A_553 : i32
    %dma_start3A_555 = arith.constant 0 : i32
    %dma_start3A_556 = arith.constant 0 : i32
    %dma_start3A_557 = arith.constant 0 : i32
    %dma_start3A_558 = tpu.memref_slice %arg8[%dma_start3A_555, %dma_start3A_556, %dma_start3A_557] : memref<3x32x1024xf32, #tpu.memory_space<vmem>> -> memref<1x32x1024xf32, #tpu.memory_space<vmem>>
    %dma_start3A_559 = tpu.memref_squeeze %dma_start3A_558 : memref<1x32x1024xf32, #tpu.memory_space<vmem>> -> memref<32x1024xf32, #tpu.memory_space<vmem>>
    %dma_start3A_560 = arith.constant 0 : i32
    %dma_start3A_561 = tpu.memref_slice %arg4[%add3A_554, %dma_start3A_560] : memref<32768x1024xf32, #tpu.memory_space<hbm>> -> memref<32x1024xf32, #tpu.memory_space<hbm>>
    %dma_start3A_562 = arith.constant 0 : i32
    %dma_start3A_563 = tpu.memref_slice %arg4[%add3A_554, %dma_start3A_562] : memref<32768x1024xf32, #tpu.memory_space<hbm>> -> memref<32x1024xf32, #tpu.memory_space<hbm>>
    %dma_start3A_564 = arith.constant 0 : i32
    %dma_start3A_565 = arith.constant 0 : i32
    %dma_start3A_566 = tpu.memref_slice %arg8[%dma_start3A_555, %dma_start3A_564, %dma_start3A_565] : memref<3x32x1024xf32, #tpu.memory_space<vmem>> -> memref<1x32x1024xf32, #tpu.memory_space<vmem>>
    %dma_start3A_567 = tpu.memref_squeeze %dma_start3A_566 : memref<1x32x1024xf32, #tpu.memory_space<vmem>> -> memref<32x1024xf32, #tpu.memory_space<vmem>>
    tpu.enqueue_dma source(%dma_start3A_567 : memref<32x1024xf32, #tpu.memory_space<vmem>>) target(%dma_start3A_563 : memref<32x1024xf32, #tpu.memory_space<hbm>>) target_semaphore(%arg13 : memref<!tpu.dma_semaphore, #tpu.memory_space<semaphore_mem>>)
    %add3A_568 = arith.constant 24576 : i32
    %add3A_569 = arith.addi %add3A_568, %mul3A_2 : i32
    %add3A_570 = arith.constant 96 : i32
    %add3A_571 = arith.addi %add3A_569, %add3A_570 : i32
    %dma_start3A_572 = arith.constant 0 : i32
    %dma_start3A_573 = arith.constant 0 : i32
    %dma_start3A_574 = arith.constant 0 : i32
    %dma_start3A_575 = tpu.memref_slice %arg8[%dma_start3A_572, %dma_start3A_573, %dma_start3A_574] : memref<3x32x1024xf32, #tpu.memory_space<vmem>> -> memref<1x32x1024xf32, #tpu.memory_space<vmem>>
    %dma_start3A_576 = tpu.memref_squeeze %dma_start3A_575 : memref<1x32x1024xf32, #tpu.memory_space<vmem>> -> memref<32x1024xf32, #tpu.memory_space<vmem>>
    %dma_start3A_577 = arith.constant 0 : i32
    %dma_start3A_578 = tpu.memref_slice %arg4[%add3A_571, %dma_start3A_577] : memref<32768x1024xf32, #tpu.memory_space<hbm>> -> memref<32x1024xf32, #tpu.memory_space<hbm>>
    %dma_start3A_579 = arith.constant 0 : i32
    %dma_start3A_580 = tpu.memref_slice %arg4[%add3A_571, %dma_start3A_579] : memref<32768x1024xf32, #tpu.memory_space<hbm>> -> memref<32x1024xf32, #tpu.memory_space<hbm>>
    %dma_start3A_581 = arith.constant 0 : i32
    %dma_start3A_582 = arith.constant 0 : i32
    %dma_start3A_583 = tpu.memref_slice %arg8[%dma_start3A_572, %dma_start3A_581, %dma_start3A_582] : memref<3x32x1024xf32, #tpu.memory_space<vmem>> -> memref<1x32x1024xf32, #tpu.memory_space<vmem>>
    %dma_start3A_584 = tpu.memref_squeeze %dma_start3A_583 : memref<1x32x1024xf32, #tpu.memory_space<vmem>> -> memref<32x1024xf32, #tpu.memory_space<vmem>>
    tpu.enqueue_dma source(%dma_start3A_584 : memref<32x1024xf32, #tpu.memory_space<vmem>>) target(%dma_start3A_580 : memref<32x1024xf32, #tpu.memory_space<hbm>>) target_semaphore(%arg13 : memref<!tpu.dma_semaphore, #tpu.memory_space<semaphore_mem>>)
    %dma_wait3A_585 = arith.constant 1 : i32
    %dma_wait3A_586 = arith.constant 0 : i32
    %dma_wait3A_587 = arith.constant 0 : i32
    %dma_wait3A_588 = tpu.memref_slice %arg8[%dma_wait3A_585, %dma_wait3A_586, %dma_wait3A_587] : memref<3x32x1024xf32, #tpu.memory_space<vmem>> -> memref<1x32x1024xf32, #tpu.memory_space<vmem>>
    %dma_wait3A_589 = tpu.memref_squeeze %dma_wait3A_588 : memref<1x32x1024xf32, #tpu.memory_space<vmem>> -> memref<32x1024xf32, #tpu.memory_space<vmem>>
    %dma_wait3A_590 = arith.constant 0 : i32
    %dma_wait3A_591 = tpu.memref_slice %arg4[%mul3A_2, %dma_wait3A_590] : memref<32768x1024xf32, #tpu.memory_space<hbm>> -> memref<32x1024xf32, #tpu.memory_space<hbm>>
    %dma_wait3A_592 = arith.constant 0 : i32
    %dma_wait3A_593 = tpu.memref_slice %arg4[%mul3A_2, %dma_wait3A_592] : memref<32768x1024xf32, #tpu.memory_space<hbm>> -> memref<32x1024xf32, #tpu.memory_space<hbm>>
    %dma_wait3A_594 = arith.constant 0 : i32
    %dma_wait3A_595 = arith.constant 0 : i32
    %dma_wait3A_596 = tpu.memref_slice %arg8[%dma_wait3A_585, %dma_wait3A_594, %dma_wait3A_595] : memref<3x32x1024xf32, #tpu.memory_space<vmem>> -> memref<1x32x1024xf32, #tpu.memory_space<vmem>>
    %dma_wait3A_597 = tpu.memref_squeeze %dma_wait3A_596 : memref<1x32x1024xf32, #tpu.memory_space<vmem>> -> memref<32x1024xf32, #tpu.memory_space<vmem>>
    tpu.wait_dma2 semaphore(%arg14 : memref<!tpu.dma_semaphore, #tpu.memory_space<semaphore_mem>>) src(%dma_wait3A_597 : memref<32x1024xf32, #tpu.memory_space<vmem>>) dst(%dma_wait3A_593 : memref<32x1024xf32, #tpu.memory_space<hbm>>)
    %dma_wait3A_598 = arith.constant 1 : i32
    %dma_wait3A_599 = arith.constant 0 : i32
    %dma_wait3A_600 = arith.constant 0 : i32
    %dma_wait3A_601 = tpu.memref_slice %arg8[%dma_wait3A_598, %dma_wait3A_599, %dma_wait3A_600] : memref<3x32x1024xf32, #tpu.memory_space<vmem>> -> memref<1x32x1024xf32, #tpu.memory_space<vmem>>
    %dma_wait3A_602 = tpu.memref_squeeze %dma_wait3A_601 : memref<1x32x1024xf32, #tpu.memory_space<vmem>> -> memref<32x1024xf32, #tpu.memory_space<vmem>>
    %dma_wait3A_603 = arith.constant 0 : i32
    %dma_wait3A_604 = tpu.memref_slice %arg4[%mul3A_2, %dma_wait3A_603] : memref<32768x1024xf32, #tpu.memory_space<hbm>> -> memref<32x1024xf32, #tpu.memory_space<hbm>>
    %dma_wait3A_605 = arith.constant 0 : i32
    %dma_wait3A_606 = tpu.memref_slice %arg4[%mul3A_2, %dma_wait3A_605] : memref<32768x1024xf32, #tpu.memory_space<hbm>> -> memref<32x1024xf32, #tpu.memory_space<hbm>>
    %dma_wait3A_607 = arith.constant 0 : i32
    %dma_wait3A_608 = arith.constant 0 : i32
    %dma_wait3A_609 = tpu.memref_slice %arg8[%dma_wait3A_598, %dma_wait3A_607, %dma_wait3A_608] : memref<3x32x1024xf32, #tpu.memory_space<vmem>> -> memref<1x32x1024xf32, #tpu.memory_space<vmem>>
    %dma_wait3A_610 = tpu.memref_squeeze %dma_wait3A_609 : memref<1x32x1024xf32, #tpu.memory_space<vmem>> -> memref<32x1024xf32, #tpu.memory_space<vmem>>
    tpu.wait_dma2 semaphore(%arg14 : memref<!tpu.dma_semaphore, #tpu.memory_space<semaphore_mem>>) src(%dma_wait3A_610 : memref<32x1024xf32, #tpu.memory_space<vmem>>) dst(%dma_wait3A_606 : memref<32x1024xf32, #tpu.memory_space<hbm>>)
    %dma_wait3A_611 = arith.constant 1 : i32
    %dma_wait3A_612 = arith.constant 0 : i32
    %dma_wait3A_613 = arith.constant 0 : i32
    %dma_wait3A_614 = tpu.memref_slice %arg8[%dma_wait3A_611, %dma_wait3A_612, %dma_wait3A_613] : memref<3x32x1024xf32, #tpu.memory_space<vmem>> -> memref<1x32x1024xf32, #tpu.memory_space<vmem>>
    %dma_wait3A_615 = tpu.memref_squeeze %dma_wait3A_614 : memref<1x32x1024xf32, #tpu.memory_space<vmem>> -> memref<32x1024xf32, #tpu.memory_space<vmem>>
    %dma_wait3A_616 = arith.constant 0 : i32
    %dma_wait3A_617 = tpu.memref_slice %arg4[%mul3A_2, %dma_wait3A_616] : memref<32768x1024xf32, #tpu.memory_space<hbm>> -> memref<32x1024xf32, #tpu.memory_space<hbm>>
    %dma_wait3A_618 = arith.constant 0 : i32
    %dma_wait3A_619 = tpu.memref_slice %arg4[%mul3A_2, %dma_wait3A_618] : memref<32768x1024xf32, #tpu.memory_space<hbm>> -> memref<32x1024xf32, #tpu.memory_space<hbm>>
    %dma_wait3A_620 = arith.constant 0 : i32
    %dma_wait3A_621 = arith.constant 0 : i32
    %dma_wait3A_622 = tpu.memref_slice %arg8[%dma_wait3A_611, %dma_wait3A_620, %dma_wait3A_621] : memref<3x32x1024xf32, #tpu.memory_space<vmem>> -> memref<1x32x1024xf32, #tpu.memory_space<vmem>>
    %dma_wait3A_623 = tpu.memref_squeeze %dma_wait3A_622 : memref<1x32x1024xf32, #tpu.memory_space<vmem>> -> memref<32x1024xf32, #tpu.memory_space<vmem>>
    tpu.wait_dma2 semaphore(%arg14 : memref<!tpu.dma_semaphore, #tpu.memory_space<semaphore_mem>>) src(%dma_wait3A_623 : memref<32x1024xf32, #tpu.memory_space<vmem>>) dst(%dma_wait3A_619 : memref<32x1024xf32, #tpu.memory_space<hbm>>)
    %dma_wait3A_624 = arith.constant 1 : i32
    %dma_wait3A_625 = arith.constant 0 : i32
    %dma_wait3A_626 = arith.constant 0 : i32
    %dma_wait3A_627 = tpu.memref_slice %arg8[%dma_wait3A_624, %dma_wait3A_625, %dma_wait3A_626] : memref<3x32x1024xf32, #tpu.memory_space<vmem>> -> memref<1x32x1024xf32, #tpu.memory_space<vmem>>
    %dma_wait3A_628 = tpu.memref_squeeze %dma_wait3A_627 : memref<1x32x1024xf32, #tpu.memory_space<vmem>> -> memref<32x1024xf32, #tpu.memory_space<vmem>>
    %dma_wait3A_629 = arith.constant 0 : i32
    %dma_wait3A_630 = tpu.memref_slice %arg4[%mul3A_2, %dma_wait3A_629] : memref<32768x1024xf32, #tpu.memory_space<hbm>> -> memref<32x1024xf32, #tpu.memory_space<hbm>>
    %dma_wait3A_631 = arith.constant 0 : i32
    %dma_wait3A_632 = tpu.memref_slice %arg4[%mul3A_2, %dma_wait3A_631] : memref<32768x1024xf32, #tpu.memory_space<hbm>> -> memref<32x1024xf32, #tpu.memory_space<hbm>>
    %dma_wait3A_633 = arith.constant 0 : i32
    %dma_wait3A_634 = arith.constant 0 : i32
    %dma_wait3A_635 = tpu.memref_slice %arg8[%dma_wait3A_624, %dma_wait3A_633, %dma_wait3A_634] : memref<3x32x1024xf32, #tpu.memory_space<vmem>> -> memref<1x32x1024xf32, #tpu.memory_space<vmem>>
    %dma_wait3A_636 = tpu.memref_squeeze %dma_wait3A_635 : memref<1x32x1024xf32, #tpu.memory_space<vmem>> -> memref<32x1024xf32, #tpu.memory_space<vmem>>
    tpu.wait_dma2 semaphore(%arg14 : memref<!tpu.dma_semaphore, #tpu.memory_space<semaphore_mem>>) src(%dma_wait3A_636 : memref<32x1024xf32, #tpu.memory_space<vmem>>) dst(%dma_wait3A_632 : memref<32x1024xf32, #tpu.memory_space<hbm>>)
    %dma_start3A_637 = arith.constant 1 : i32
    %dma_start3A_638 = arith.constant 0 : i32
    %dma_start3A_639 = arith.constant 0 : i32
    %dma_start3A_640 = tpu.memref_slice %arg8[%dma_start3A_637, %dma_start3A_638, %dma_start3A_639] : memref<3x32x1024xf32, #tpu.memory_space<vmem>> -> memref<1x32x1024xf32, #tpu.memory_space<vmem>>
    %dma_start3A_641 = tpu.memref_squeeze %dma_start3A_640 : memref<1x32x1024xf32, #tpu.memory_space<vmem>> -> memref<32x1024xf32, #tpu.memory_space<vmem>>
    %dma_start3A_642 = arith.constant 128 : i32
    %dma_start3A_643 = tpu.memref_slice %arg6[%dma_start3A_642] : memref<256xi32, #tpu.memory_space<vmem>> -> memref<32xi32, #tpu.memory_space<vmem>>
    %dma_start3A_644 = arith.constant 0 : i32
    %dma_start3A_645 = arith.constant 0 : i32
    %dma_start3A_646 = tpu.memref_slice %arg3[%dma_start3A_644, %dma_start3A_645] : memref<8194x1024xf32, #tpu.memory_space<hbm>> -> memref<8194x1024xf32, #tpu.memory_space<hbm>>
    tpu.enqueue_indirect_dma source(%dma_start3A_646 : memref<8194x1024xf32, #tpu.memory_space<hbm>>) target(%dma_start3A_641 : memref<32x1024xf32, #tpu.memory_space<vmem>>) offsets(%dma_start3A_643 : memref<32xi32, #tpu.memory_space<vmem>>) semaphore(%arg11 : memref<!tpu.dma_semaphore, #tpu.memory_space<semaphore_mem>>)
    %dma_wait3A_647 = arith.constant 1 : i32
    %dma_wait3A_648 = arith.constant 0 : i32
    %dma_wait3A_649 = arith.constant 0 : i32
    %dma_wait3A_650 = tpu.memref_slice %arg8[%dma_wait3A_647, %dma_wait3A_648, %dma_wait3A_649] : memref<3x32x1024xf32, #tpu.memory_space<vmem>> -> memref<1x32x1024xf32, #tpu.memory_space<vmem>>
    %dma_wait3A_651 = tpu.memref_squeeze %dma_wait3A_650 : memref<1x32x1024xf32, #tpu.memory_space<vmem>> -> memref<32x1024xf32, #tpu.memory_space<vmem>>
    %dma_wait3A_652 = arith.constant 0 : i32
    %dma_wait3A_653 = arith.constant 0 : i32
    %dma_wait3A_654 = tpu.memref_slice %arg3[%dma_wait3A_652, %dma_wait3A_653] : memref<8194x1024xf32, #tpu.memory_space<hbm>> -> memref<32x1024xf32, #tpu.memory_space<hbm>>
    %dma_wait3A_655 = arith.constant 0 : i32
    %dma_wait3A_656 = arith.constant 0 : i32
    %dma_wait3A_657 = tpu.memref_slice %arg8[%dma_wait3A_647, %dma_wait3A_655, %dma_wait3A_656] : memref<3x32x1024xf32, #tpu.memory_space<vmem>> -> memref<1x32x1024xf32, #tpu.memory_space<vmem>>
    %dma_wait3A_658 = tpu.memref_squeeze %dma_wait3A_657 : memref<1x32x1024xf32, #tpu.memory_space<vmem>> -> memref<32x1024xf32, #tpu.memory_space<vmem>>
    %dma_wait3A_659 = arith.constant 0 : i32
    %dma_wait3A_660 = arith.constant 0 : i32
    %dma_wait3A_661 = tpu.memref_slice %arg3[%dma_wait3A_659, %dma_wait3A_660] : memref<8194x1024xf32, #tpu.memory_space<hbm>> -> memref<32x1024xf32, #tpu.memory_space<hbm>>
    tpu.wait_dma2 semaphore(%arg11 : memref<!tpu.dma_semaphore, #tpu.memory_space<semaphore_mem>>) src(%dma_wait3A_661 : memref<32x1024xf32, #tpu.memory_space<hbm>>) dst(%dma_wait3A_658 : memref<32x1024xf32, #tpu.memory_space<vmem>>)
    %add3A_662 = arith.constant 0 : i32
    %add3A_663 = arith.addi %add3A_662, %mul3A_2 : i32
    %add3A_664 = arith.constant 128 : i32
    %add3A_665 = arith.addi %add3A_663, %add3A_664 : i32
    %dma_start3A_666 = arith.constant 1 : i32
    %dma_start3A_667 = arith.constant 0 : i32
    %dma_start3A_668 = arith.constant 0 : i32
    %dma_start3A_669 = tpu.memref_slice %arg8[%dma_start3A_666, %dma_start3A_667, %dma_start3A_668] : memref<3x32x1024xf32, #tpu.memory_space<vmem>> -> memref<1x32x1024xf32, #tpu.memory_space<vmem>>
    %dma_start3A_670 = tpu.memref_squeeze %dma_start3A_669 : memref<1x32x1024xf32, #tpu.memory_space<vmem>> -> memref<32x1024xf32, #tpu.memory_space<vmem>>
    %dma_start3A_671 = arith.constant 0 : i32
    %dma_start3A_672 = tpu.memref_slice %arg4[%add3A_665, %dma_start3A_671] : memref<32768x1024xf32, #tpu.memory_space<hbm>> -> memref<32x1024xf32, #tpu.memory_space<hbm>>
    %dma_start3A_673 = arith.constant 0 : i32
    %dma_start3A_674 = tpu.memref_slice %arg4[%add3A_665, %dma_start3A_673] : memref<32768x1024xf32, #tpu.memory_space<hbm>> -> memref<32x1024xf32, #tpu.memory_space<hbm>>
    %dma_start3A_675 = arith.constant 0 : i32
    %dma_start3A_676 = arith.constant 0 : i32
    %dma_start3A_677 = tpu.memref_slice %arg8[%dma_start3A_666, %dma_start3A_675, %dma_start3A_676] : memref<3x32x1024xf32, #tpu.memory_space<vmem>> -> memref<1x32x1024xf32, #tpu.memory_space<vmem>>
    %dma_start3A_678 = tpu.memref_squeeze %dma_start3A_677 : memref<1x32x1024xf32, #tpu.memory_space<vmem>> -> memref<32x1024xf32, #tpu.memory_space<vmem>>
    tpu.enqueue_dma source(%dma_start3A_678 : memref<32x1024xf32, #tpu.memory_space<vmem>>) target(%dma_start3A_674 : memref<32x1024xf32, #tpu.memory_space<hbm>>) target_semaphore(%arg14 : memref<!tpu.dma_semaphore, #tpu.memory_space<semaphore_mem>>)
    %add3A_679 = arith.constant 8192 : i32
    %add3A_680 = arith.addi %add3A_679, %mul3A_2 : i32
    %add3A_681 = arith.constant 128 : i32
    %add3A_682 = arith.addi %add3A_680, %add3A_681 : i32
    %dma_start3A_683 = arith.constant 1 : i32
    %dma_start3A_684 = arith.constant 0 : i32
    %dma_start3A_685 = arith.constant 0 : i32
    %dma_start3A_686 = tpu.memref_slice %arg8[%dma_start3A_683, %dma_start3A_684, %dma_start3A_685] : memref<3x32x1024xf32, #tpu.memory_space<vmem>> -> memref<1x32x1024xf32, #tpu.memory_space<vmem>>
    %dma_start3A_687 = tpu.memref_squeeze %dma_start3A_686 : memref<1x32x1024xf32, #tpu.memory_space<vmem>> -> memref<32x1024xf32, #tpu.memory_space<vmem>>
    %dma_start3A_688 = arith.constant 0 : i32
    %dma_start3A_689 = tpu.memref_slice %arg4[%add3A_682, %dma_start3A_688] : memref<32768x1024xf32, #tpu.memory_space<hbm>> -> memref<32x1024xf32, #tpu.memory_space<hbm>>
    %dma_start3A_690 = arith.constant 0 : i32
    %dma_start3A_691 = tpu.memref_slice %arg4[%add3A_682, %dma_start3A_690] : memref<32768x1024xf32, #tpu.memory_space<hbm>> -> memref<32x1024xf32, #tpu.memory_space<hbm>>
    %dma_start3A_692 = arith.constant 0 : i32
    %dma_start3A_693 = arith.constant 0 : i32
    %dma_start3A_694 = tpu.memref_slice %arg8[%dma_start3A_683, %dma_start3A_692, %dma_start3A_693] : memref<3x32x1024xf32, #tpu.memory_space<vmem>> -> memref<1x32x1024xf32, #tpu.memory_space<vmem>>
    %dma_start3A_695 = tpu.memref_squeeze %dma_start3A_694 : memref<1x32x1024xf32, #tpu.memory_space<vmem>> -> memref<32x1024xf32, #tpu.memory_space<vmem>>
    tpu.enqueue_dma source(%dma_start3A_695 : memref<32x1024xf32, #tpu.memory_space<vmem>>) target(%dma_start3A_691 : memref<32x1024xf32, #tpu.memory_space<hbm>>) target_semaphore(%arg14 : memref<!tpu.dma_semaphore, #tpu.memory_space<semaphore_mem>>)
    %add3A_696 = arith.constant 16384 : i32
    %add3A_697 = arith.addi %add3A_696, %mul3A_2 : i32
    %add3A_698 = arith.constant 128 : i32
    %add3A_699 = arith.addi %add3A_697, %add3A_698 : i32
    %dma_start3A_700 = arith.constant 1 : i32
    %dma_start3A_701 = arith.constant 0 : i32
    %dma_start3A_702 = arith.constant 0 : i32
    %dma_start3A_703 = tpu.memref_slice %arg8[%dma_start3A_700, %dma_start3A_701, %dma_start3A_702] : memref<3x32x1024xf32, #tpu.memory_space<vmem>> -> memref<1x32x1024xf32, #tpu.memory_space<vmem>>
    %dma_start3A_704 = tpu.memref_squeeze %dma_start3A_703 : memref<1x32x1024xf32, #tpu.memory_space<vmem>> -> memref<32x1024xf32, #tpu.memory_space<vmem>>
    %dma_start3A_705 = arith.constant 0 : i32
    %dma_start3A_706 = tpu.memref_slice %arg4[%add3A_699, %dma_start3A_705] : memref<32768x1024xf32, #tpu.memory_space<hbm>> -> memref<32x1024xf32, #tpu.memory_space<hbm>>
    %dma_start3A_707 = arith.constant 0 : i32
    %dma_start3A_708 = tpu.memref_slice %arg4[%add3A_699, %dma_start3A_707] : memref<32768x1024xf32, #tpu.memory_space<hbm>> -> memref<32x1024xf32, #tpu.memory_space<hbm>>
    %dma_start3A_709 = arith.constant 0 : i32
    %dma_start3A_710 = arith.constant 0 : i32
    %dma_start3A_711 = tpu.memref_slice %arg8[%dma_start3A_700, %dma_start3A_709, %dma_start3A_710] : memref<3x32x1024xf32, #tpu.memory_space<vmem>> -> memref<1x32x1024xf32, #tpu.memory_space<vmem>>
    %dma_start3A_712 = tpu.memref_squeeze %dma_start3A_711 : memref<1x32x1024xf32, #tpu.memory_space<vmem>> -> memref<32x1024xf32, #tpu.memory_space<vmem>>
    tpu.enqueue_dma source(%dma_start3A_712 : memref<32x1024xf32, #tpu.memory_space<vmem>>) target(%dma_start3A_708 : memref<32x1024xf32, #tpu.memory_space<hbm>>) target_semaphore(%arg14 : memref<!tpu.dma_semaphore, #tpu.memory_space<semaphore_mem>>)
    %add3A_713 = arith.constant 24576 : i32
    %add3A_714 = arith.addi %add3A_713, %mul3A_2 : i32
    %add3A_715 = arith.constant 128 : i32
    %add3A_716 = arith.addi %add3A_714, %add3A_715 : i32
    %dma_start3A_717 = arith.constant 1 : i32
    %dma_start3A_718 = arith.constant 0 : i32
    %dma_start3A_719 = arith.constant 0 : i32
    %dma_start3A_720 = tpu.memref_slice %arg8[%dma_start3A_717, %dma_start3A_718, %dma_start3A_719] : memref<3x32x1024xf32, #tpu.memory_space<vmem>> -> memref<1x32x1024xf32, #tpu.memory_space<vmem>>
    %dma_start3A_721 = tpu.memref_squeeze %dma_start3A_720 : memref<1x32x1024xf32, #tpu.memory_space<vmem>> -> memref<32x1024xf32, #tpu.memory_space<vmem>>
    %dma_start3A_722 = arith.constant 0 : i32
    %dma_start3A_723 = tpu.memref_slice %arg4[%add3A_716, %dma_start3A_722] : memref<32768x1024xf32, #tpu.memory_space<hbm>> -> memref<32x1024xf32, #tpu.memory_space<hbm>>
    %dma_start3A_724 = arith.constant 0 : i32
    %dma_start3A_725 = tpu.memref_slice %arg4[%add3A_716, %dma_start3A_724] : memref<32768x1024xf32, #tpu.memory_space<hbm>> -> memref<32x1024xf32, #tpu.memory_space<hbm>>
    %dma_start3A_726 = arith.constant 0 : i32
    %dma_start3A_727 = arith.constant 0 : i32
    %dma_start3A_728 = tpu.memref_slice %arg8[%dma_start3A_717, %dma_start3A_726, %dma_start3A_727] : memref<3x32x1024xf32, #tpu.memory_space<vmem>> -> memref<1x32x1024xf32, #tpu.memory_space<vmem>>
    %dma_start3A_729 = tpu.memref_squeeze %dma_start3A_728 : memref<1x32x1024xf32, #tpu.memory_space<vmem>> -> memref<32x1024xf32, #tpu.memory_space<vmem>>
    tpu.enqueue_dma source(%dma_start3A_729 : memref<32x1024xf32, #tpu.memory_space<vmem>>) target(%dma_start3A_725 : memref<32x1024xf32, #tpu.memory_space<hbm>>) target_semaphore(%arg14 : memref<!tpu.dma_semaphore, #tpu.memory_space<semaphore_mem>>)
    %dma_wait3A_730 = arith.constant 2 : i32
    %dma_wait3A_731 = arith.constant 0 : i32
    %dma_wait3A_732 = arith.constant 0 : i32
    %dma_wait3A_733 = tpu.memref_slice %arg8[%dma_wait3A_730, %dma_wait3A_731, %dma_wait3A_732] : memref<3x32x1024xf32, #tpu.memory_space<vmem>> -> memref<1x32x1024xf32, #tpu.memory_space<vmem>>
    %dma_wait3A_734 = tpu.memref_squeeze %dma_wait3A_733 : memref<1x32x1024xf32, #tpu.memory_space<vmem>> -> memref<32x1024xf32, #tpu.memory_space<vmem>>
    %dma_wait3A_735 = arith.constant 0 : i32
    %dma_wait3A_736 = tpu.memref_slice %arg4[%mul3A_2, %dma_wait3A_735] : memref<32768x1024xf32, #tpu.memory_space<hbm>> -> memref<32x1024xf32, #tpu.memory_space<hbm>>
    %dma_wait3A_737 = arith.constant 0 : i32
    %dma_wait3A_738 = tpu.memref_slice %arg4[%mul3A_2, %dma_wait3A_737] : memref<32768x1024xf32, #tpu.memory_space<hbm>> -> memref<32x1024xf32, #tpu.memory_space<hbm>>
    %dma_wait3A_739 = arith.constant 0 : i32
    %dma_wait3A_740 = arith.constant 0 : i32
    %dma_wait3A_741 = tpu.memref_slice %arg8[%dma_wait3A_730, %dma_wait3A_739, %dma_wait3A_740] : memref<3x32x1024xf32, #tpu.memory_space<vmem>> -> memref<1x32x1024xf32, #tpu.memory_space<vmem>>
    %dma_wait3A_742 = tpu.memref_squeeze %dma_wait3A_741 : memref<1x32x1024xf32, #tpu.memory_space<vmem>> -> memref<32x1024xf32, #tpu.memory_space<vmem>>
    tpu.wait_dma2 semaphore(%arg15 : memref<!tpu.dma_semaphore, #tpu.memory_space<semaphore_mem>>) src(%dma_wait3A_742 : memref<32x1024xf32, #tpu.memory_space<vmem>>) dst(%dma_wait3A_738 : memref<32x1024xf32, #tpu.memory_space<hbm>>)
    %dma_wait3A_743 = arith.constant 2 : i32
    %dma_wait3A_744 = arith.constant 0 : i32
    %dma_wait3A_745 = arith.constant 0 : i32
    %dma_wait3A_746 = tpu.memref_slice %arg8[%dma_wait3A_743, %dma_wait3A_744, %dma_wait3A_745] : memref<3x32x1024xf32, #tpu.memory_space<vmem>> -> memref<1x32x1024xf32, #tpu.memory_space<vmem>>
    %dma_wait3A_747 = tpu.memref_squeeze %dma_wait3A_746 : memref<1x32x1024xf32, #tpu.memory_space<vmem>> -> memref<32x1024xf32, #tpu.memory_space<vmem>>
    %dma_wait3A_748 = arith.constant 0 : i32
    %dma_wait3A_749 = tpu.memref_slice %arg4[%mul3A_2, %dma_wait3A_748] : memref<32768x1024xf32, #tpu.memory_space<hbm>> -> memref<32x1024xf32, #tpu.memory_space<hbm>>
    %dma_wait3A_750 = arith.constant 0 : i32
    %dma_wait3A_751 = tpu.memref_slice %arg4[%mul3A_2, %dma_wait3A_750] : memref<32768x1024xf32, #tpu.memory_space<hbm>> -> memref<32x1024xf32, #tpu.memory_space<hbm>>
    %dma_wait3A_752 = arith.constant 0 : i32
    %dma_wait3A_753 = arith.constant 0 : i32
    %dma_wait3A_754 = tpu.memref_slice %arg8[%dma_wait3A_743, %dma_wait3A_752, %dma_wait3A_753] : memref<3x32x1024xf32, #tpu.memory_space<vmem>> -> memref<1x32x1024xf32, #tpu.memory_space<vmem>>
    %dma_wait3A_755 = tpu.memref_squeeze %dma_wait3A_754 : memref<1x32x1024xf32, #tpu.memory_space<vmem>> -> memref<32x1024xf32, #tpu.memory_space<vmem>>
    tpu.wait_dma2 semaphore(%arg15 : memref<!tpu.dma_semaphore, #tpu.memory_space<semaphore_mem>>) src(%dma_wait3A_755 : memref<32x1024xf32, #tpu.memory_space<vmem>>) dst(%dma_wait3A_751 : memref<32x1024xf32, #tpu.memory_space<hbm>>)
    %dma_wait3A_756 = arith.constant 2 : i32
    %dma_wait3A_757 = arith.constant 0 : i32
    %dma_wait3A_758 = arith.constant 0 : i32
    %dma_wait3A_759 = tpu.memref_slice %arg8[%dma_wait3A_756, %dma_wait3A_757, %dma_wait3A_758] : memref<3x32x1024xf32, #tpu.memory_space<vmem>> -> memref<1x32x1024xf32, #tpu.memory_space<vmem>>
    %dma_wait3A_760 = tpu.memref_squeeze %dma_wait3A_759 : memref<1x32x1024xf32, #tpu.memory_space<vmem>> -> memref<32x1024xf32, #tpu.memory_space<vmem>>
    %dma_wait3A_761 = arith.constant 0 : i32
    %dma_wait3A_762 = tpu.memref_slice %arg4[%mul3A_2, %dma_wait3A_761] : memref<32768x1024xf32, #tpu.memory_space<hbm>> -> memref<32x1024xf32, #tpu.memory_space<hbm>>
    %dma_wait3A_763 = arith.constant 0 : i32
    %dma_wait3A_764 = tpu.memref_slice %arg4[%mul3A_2, %dma_wait3A_763] : memref<32768x1024xf32, #tpu.memory_space<hbm>> -> memref<32x1024xf32, #tpu.memory_space<hbm>>
    %dma_wait3A_765 = arith.constant 0 : i32
    %dma_wait3A_766 = arith.constant 0 : i32
    %dma_wait3A_767 = tpu.memref_slice %arg8[%dma_wait3A_756, %dma_wait3A_765, %dma_wait3A_766] : memref<3x32x1024xf32, #tpu.memory_space<vmem>> -> memref<1x32x1024xf32, #tpu.memory_space<vmem>>
    %dma_wait3A_768 = tpu.memref_squeeze %dma_wait3A_767 : memref<1x32x1024xf32, #tpu.memory_space<vmem>> -> memref<32x1024xf32, #tpu.memory_space<vmem>>
    tpu.wait_dma2 semaphore(%arg15 : memref<!tpu.dma_semaphore, #tpu.memory_space<semaphore_mem>>) src(%dma_wait3A_768 : memref<32x1024xf32, #tpu.memory_space<vmem>>) dst(%dma_wait3A_764 : memref<32x1024xf32, #tpu.memory_space<hbm>>)
    %dma_wait3A_769 = arith.constant 2 : i32
    %dma_wait3A_770 = arith.constant 0 : i32
    %dma_wait3A_771 = arith.constant 0 : i32
    %dma_wait3A_772 = tpu.memref_slice %arg8[%dma_wait3A_769, %dma_wait3A_770, %dma_wait3A_771] : memref<3x32x1024xf32, #tpu.memory_space<vmem>> -> memref<1x32x1024xf32, #tpu.memory_space<vmem>>
    %dma_wait3A_773 = tpu.memref_squeeze %dma_wait3A_772 : memref<1x32x1024xf32, #tpu.memory_space<vmem>> -> memref<32x1024xf32, #tpu.memory_space<vmem>>
    %dma_wait3A_774 = arith.constant 0 : i32
    %dma_wait3A_775 = tpu.memref_slice %arg4[%mul3A_2, %dma_wait3A_774] : memref<32768x1024xf32, #tpu.memory_space<hbm>> -> memref<32x1024xf32, #tpu.memory_space<hbm>>
    %dma_wait3A_776 = arith.constant 0 : i32
    %dma_wait3A_777 = tpu.memref_slice %arg4[%mul3A_2, %dma_wait3A_776] : memref<32768x1024xf32, #tpu.memory_space<hbm>> -> memref<32x1024xf32, #tpu.memory_space<hbm>>
    %dma_wait3A_778 = arith.constant 0 : i32
    %dma_wait3A_779 = arith.constant 0 : i32
    %dma_wait3A_780 = tpu.memref_slice %arg8[%dma_wait3A_769, %dma_wait3A_778, %dma_wait3A_779] : memref<3x32x1024xf32, #tpu.memory_space<vmem>> -> memref<1x32x1024xf32, #tpu.memory_space<vmem>>
    %dma_wait3A_781 = tpu.memref_squeeze %dma_wait3A_780 : memref<1x32x1024xf32, #tpu.memory_space<vmem>> -> memref<32x1024xf32, #tpu.memory_space<vmem>>
    tpu.wait_dma2 semaphore(%arg15 : memref<!tpu.dma_semaphore, #tpu.memory_space<semaphore_mem>>) src(%dma_wait3A_781 : memref<32x1024xf32, #tpu.memory_space<vmem>>) dst(%dma_wait3A_777 : memref<32x1024xf32, #tpu.memory_space<hbm>>)
    %dma_start3A_782 = arith.constant 2 : i32
    %dma_start3A_783 = arith.constant 0 : i32
    %dma_start3A_784 = arith.constant 0 : i32
    %dma_start3A_785 = tpu.memref_slice %arg8[%dma_start3A_782, %dma_start3A_783, %dma_start3A_784] : memref<3x32x1024xf32, #tpu.memory_space<vmem>> -> memref<1x32x1024xf32, #tpu.memory_space<vmem>>
    %dma_start3A_786 = tpu.memref_squeeze %dma_start3A_785 : memref<1x32x1024xf32, #tpu.memory_space<vmem>> -> memref<32x1024xf32, #tpu.memory_space<vmem>>
    %dma_start3A_787 = arith.constant 160 : i32
    %dma_start3A_788 = tpu.memref_slice %arg6[%dma_start3A_787] : memref<256xi32, #tpu.memory_space<vmem>> -> memref<32xi32, #tpu.memory_space<vmem>>
    %dma_start3A_789 = arith.constant 0 : i32
    %dma_start3A_790 = arith.constant 0 : i32
    %dma_start3A_791 = tpu.memref_slice %arg3[%dma_start3A_789, %dma_start3A_790] : memref<8194x1024xf32, #tpu.memory_space<hbm>> -> memref<8194x1024xf32, #tpu.memory_space<hbm>>
    tpu.enqueue_indirect_dma source(%dma_start3A_791 : memref<8194x1024xf32, #tpu.memory_space<hbm>>) target(%dma_start3A_786 : memref<32x1024xf32, #tpu.memory_space<vmem>>) offsets(%dma_start3A_788 : memref<32xi32, #tpu.memory_space<vmem>>) semaphore(%arg12 : memref<!tpu.dma_semaphore, #tpu.memory_space<semaphore_mem>>)
    %dma_wait3A_792 = arith.constant 2 : i32
    %dma_wait3A_793 = arith.constant 0 : i32
    %dma_wait3A_794 = arith.constant 0 : i32
    %dma_wait3A_795 = tpu.memref_slice %arg8[%dma_wait3A_792, %dma_wait3A_793, %dma_wait3A_794] : memref<3x32x1024xf32, #tpu.memory_space<vmem>> -> memref<1x32x1024xf32, #tpu.memory_space<vmem>>
    %dma_wait3A_796 = tpu.memref_squeeze %dma_wait3A_795 : memref<1x32x1024xf32, #tpu.memory_space<vmem>> -> memref<32x1024xf32, #tpu.memory_space<vmem>>
    %dma_wait3A_797 = arith.constant 0 : i32
    %dma_wait3A_798 = arith.constant 0 : i32
    %dma_wait3A_799 = tpu.memref_slice %arg3[%dma_wait3A_797, %dma_wait3A_798] : memref<8194x1024xf32, #tpu.memory_space<hbm>> -> memref<32x1024xf32, #tpu.memory_space<hbm>>
    %dma_wait3A_800 = arith.constant 0 : i32
    %dma_wait3A_801 = arith.constant 0 : i32
    %dma_wait3A_802 = tpu.memref_slice %arg8[%dma_wait3A_792, %dma_wait3A_800, %dma_wait3A_801] : memref<3x32x1024xf32, #tpu.memory_space<vmem>> -> memref<1x32x1024xf32, #tpu.memory_space<vmem>>
    %dma_wait3A_803 = tpu.memref_squeeze %dma_wait3A_802 : memref<1x32x1024xf32, #tpu.memory_space<vmem>> -> memref<32x1024xf32, #tpu.memory_space<vmem>>
    %dma_wait3A_804 = arith.constant 0 : i32
    %dma_wait3A_805 = arith.constant 0 : i32
    %dma_wait3A_806 = tpu.memref_slice %arg3[%dma_wait3A_804, %dma_wait3A_805] : memref<8194x1024xf32, #tpu.memory_space<hbm>> -> memref<32x1024xf32, #tpu.memory_space<hbm>>
    tpu.wait_dma2 semaphore(%arg12 : memref<!tpu.dma_semaphore, #tpu.memory_space<semaphore_mem>>) src(%dma_wait3A_806 : memref<32x1024xf32, #tpu.memory_space<hbm>>) dst(%dma_wait3A_803 : memref<32x1024xf32, #tpu.memory_space<vmem>>)
    %add3A_807 = arith.constant 0 : i32
    %add3A_808 = arith.addi %add3A_807, %mul3A_2 : i32
    %add3A_809 = arith.constant 160 : i32
    %add3A_810 = arith.addi %add3A_808, %add3A_809 : i32
    %dma_start3A_811 = arith.constant 2 : i32
    %dma_start3A_812 = arith.constant 0 : i32
    %dma_start3A_813 = arith.constant 0 : i32
    %dma_start3A_814 = tpu.memref_slice %arg8[%dma_start3A_811, %dma_start3A_812, %dma_start3A_813] : memref<3x32x1024xf32, #tpu.memory_space<vmem>> -> memref<1x32x1024xf32, #tpu.memory_space<vmem>>
    %dma_start3A_815 = tpu.memref_squeeze %dma_start3A_814 : memref<1x32x1024xf32, #tpu.memory_space<vmem>> -> memref<32x1024xf32, #tpu.memory_space<vmem>>
    %dma_start3A_816 = arith.constant 0 : i32
    %dma_start3A_817 = tpu.memref_slice %arg4[%add3A_810, %dma_start3A_816] : memref<32768x1024xf32, #tpu.memory_space<hbm>> -> memref<32x1024xf32, #tpu.memory_space<hbm>>
    %dma_start3A_818 = arith.constant 0 : i32
    %dma_start3A_819 = tpu.memref_slice %arg4[%add3A_810, %dma_start3A_818] : memref<32768x1024xf32, #tpu.memory_space<hbm>> -> memref<32x1024xf32, #tpu.memory_space<hbm>>
    %dma_start3A_820 = arith.constant 0 : i32
    %dma_start3A_821 = arith.constant 0 : i32
    %dma_start3A_822 = tpu.memref_slice %arg8[%dma_start3A_811, %dma_start3A_820, %dma_start3A_821] : memref<3x32x1024xf32, #tpu.memory_space<vmem>> -> memref<1x32x1024xf32, #tpu.memory_space<vmem>>
    %dma_start3A_823 = tpu.memref_squeeze %dma_start3A_822 : memref<1x32x1024xf32, #tpu.memory_space<vmem>> -> memref<32x1024xf32, #tpu.memory_space<vmem>>
    tpu.enqueue_dma source(%dma_start3A_823 : memref<32x1024xf32, #tpu.memory_space<vmem>>) target(%dma_start3A_819 : memref<32x1024xf32, #tpu.memory_space<hbm>>) target_semaphore(%arg15 : memref<!tpu.dma_semaphore, #tpu.memory_space<semaphore_mem>>)
    %add3A_824 = arith.constant 8192 : i32
    %add3A_825 = arith.addi %add3A_824, %mul3A_2 : i32
    %add3A_826 = arith.constant 160 : i32
    %add3A_827 = arith.addi %add3A_825, %add3A_826 : i32
    %dma_start3A_828 = arith.constant 2 : i32
    %dma_start3A_829 = arith.constant 0 : i32
    %dma_start3A_830 = arith.constant 0 : i32
    %dma_start3A_831 = tpu.memref_slice %arg8[%dma_start3A_828, %dma_start3A_829, %dma_start3A_830] : memref<3x32x1024xf32, #tpu.memory_space<vmem>> -> memref<1x32x1024xf32, #tpu.memory_space<vmem>>
    %dma_start3A_832 = tpu.memref_squeeze %dma_start3A_831 : memref<1x32x1024xf32, #tpu.memory_space<vmem>> -> memref<32x1024xf32, #tpu.memory_space<vmem>>
    %dma_start3A_833 = arith.constant 0 : i32
    %dma_start3A_834 = tpu.memref_slice %arg4[%add3A_827, %dma_start3A_833] : memref<32768x1024xf32, #tpu.memory_space<hbm>> -> memref<32x1024xf32, #tpu.memory_space<hbm>>
    %dma_start3A_835 = arith.constant 0 : i32
    %dma_start3A_836 = tpu.memref_slice %arg4[%add3A_827, %dma_start3A_835] : memref<32768x1024xf32, #tpu.memory_space<hbm>> -> memref<32x1024xf32, #tpu.memory_space<hbm>>
    %dma_start3A_837 = arith.constant 0 : i32
    %dma_start3A_838 = arith.constant 0 : i32
    %dma_start3A_839 = tpu.memref_slice %arg8[%dma_start3A_828, %dma_start3A_837, %dma_start3A_838] : memref<3x32x1024xf32, #tpu.memory_space<vmem>> -> memref<1x32x1024xf32, #tpu.memory_space<vmem>>
    %dma_start3A_840 = tpu.memref_squeeze %dma_start3A_839 : memref<1x32x1024xf32, #tpu.memory_space<vmem>> -> memref<32x1024xf32, #tpu.memory_space<vmem>>
    tpu.enqueue_dma source(%dma_start3A_840 : memref<32x1024xf32, #tpu.memory_space<vmem>>) target(%dma_start3A_836 : memref<32x1024xf32, #tpu.memory_space<hbm>>) target_semaphore(%arg15 : memref<!tpu.dma_semaphore, #tpu.memory_space<semaphore_mem>>)
    %add3A_841 = arith.constant 16384 : i32
    %add3A_842 = arith.addi %add3A_841, %mul3A_2 : i32
    %add3A_843 = arith.constant 160 : i32
    %add3A_844 = arith.addi %add3A_842, %add3A_843 : i32
    %dma_start3A_845 = arith.constant 2 : i32
    %dma_start3A_846 = arith.constant 0 : i32
    %dma_start3A_847 = arith.constant 0 : i32
    %dma_start3A_848 = tpu.memref_slice %arg8[%dma_start3A_845, %dma_start3A_846, %dma_start3A_847] : memref<3x32x1024xf32, #tpu.memory_space<vmem>> -> memref<1x32x1024xf32, #tpu.memory_space<vmem>>
    %dma_start3A_849 = tpu.memref_squeeze %dma_start3A_848 : memref<1x32x1024xf32, #tpu.memory_space<vmem>> -> memref<32x1024xf32, #tpu.memory_space<vmem>>
    %dma_start3A_850 = arith.constant 0 : i32
    %dma_start3A_851 = tpu.memref_slice %arg4[%add3A_844, %dma_start3A_850] : memref<32768x1024xf32, #tpu.memory_space<hbm>> -> memref<32x1024xf32, #tpu.memory_space<hbm>>
    %dma_start3A_852 = arith.constant 0 : i32
    %dma_start3A_853 = tpu.memref_slice %arg4[%add3A_844, %dma_start3A_852] : memref<32768x1024xf32, #tpu.memory_space<hbm>> -> memref<32x1024xf32, #tpu.memory_space<hbm>>
    %dma_start3A_854 = arith.constant 0 : i32
    %dma_start3A_855 = arith.constant 0 : i32
    %dma_start3A_856 = tpu.memref_slice %arg8[%dma_start3A_845, %dma_start3A_854, %dma_start3A_855] : memref<3x32x1024xf32, #tpu.memory_space<vmem>> -> memref<1x32x1024xf32, #tpu.memory_space<vmem>>
    %dma_start3A_857 = tpu.memref_squeeze %dma_start3A_856 : memref<1x32x1024xf32, #tpu.memory_space<vmem>> -> memref<32x1024xf32, #tpu.memory_space<vmem>>
    tpu.enqueue_dma source(%dma_start3A_857 : memref<32x1024xf32, #tpu.memory_space<vmem>>) target(%dma_start3A_853 : memref<32x1024xf32, #tpu.memory_space<hbm>>) target_semaphore(%arg15 : memref<!tpu.dma_semaphore, #tpu.memory_space<semaphore_mem>>)
    %add3A_858 = arith.constant 24576 : i32
    %add3A_859 = arith.addi %add3A_858, %mul3A_2 : i32
    %add3A_860 = arith.constant 160 : i32
    %add3A_861 = arith.addi %add3A_859, %add3A_860 : i32
    %dma_start3A_862 = arith.constant 2 : i32
    %dma_start3A_863 = arith.constant 0 : i32
    %dma_start3A_864 = arith.constant 0 : i32
    %dma_start3A_865 = tpu.memref_slice %arg8[%dma_start3A_862, %dma_start3A_863, %dma_start3A_864] : memref<3x32x1024xf32, #tpu.memory_space<vmem>> -> memref<1x32x1024xf32, #tpu.memory_space<vmem>>
    %dma_start3A_866 = tpu.memref_squeeze %dma_start3A_865 : memref<1x32x1024xf32, #tpu.memory_space<vmem>> -> memref<32x1024xf32, #tpu.memory_space<vmem>>
    %dma_start3A_867 = arith.constant 0 : i32
    %dma_start3A_868 = tpu.memref_slice %arg4[%add3A_861, %dma_start3A_867] : memref<32768x1024xf32, #tpu.memory_space<hbm>> -> memref<32x1024xf32, #tpu.memory_space<hbm>>
    %dma_start3A_869 = arith.constant 0 : i32
    %dma_start3A_870 = tpu.memref_slice %arg4[%add3A_861, %dma_start3A_869] : memref<32768x1024xf32, #tpu.memory_space<hbm>> -> memref<32x1024xf32, #tpu.memory_space<hbm>>
    %dma_start3A_871 = arith.constant 0 : i32
    %dma_start3A_872 = arith.constant 0 : i32
    %dma_start3A_873 = tpu.memref_slice %arg8[%dma_start3A_862, %dma_start3A_871, %dma_start3A_872] : memref<3x32x1024xf32, #tpu.memory_space<vmem>> -> memref<1x32x1024xf32, #tpu.memory_space<vmem>>
    %dma_start3A_874 = tpu.memref_squeeze %dma_start3A_873 : memref<1x32x1024xf32, #tpu.memory_space<vmem>> -> memref<32x1024xf32, #tpu.memory_space<vmem>>
    tpu.enqueue_dma source(%dma_start3A_874 : memref<32x1024xf32, #tpu.memory_space<vmem>>) target(%dma_start3A_870 : memref<32x1024xf32, #tpu.memory_space<hbm>>) target_semaphore(%arg15 : memref<!tpu.dma_semaphore, #tpu.memory_space<semaphore_mem>>)
    %dma_wait3A_875 = arith.constant 0 : i32
    %dma_wait3A_876 = arith.constant 0 : i32
    %dma_wait3A_877 = arith.constant 0 : i32
    %dma_wait3A_878 = tpu.memref_slice %arg8[%dma_wait3A_875, %dma_wait3A_876, %dma_wait3A_877] : memref<3x32x1024xf32, #tpu.memory_space<vmem>> -> memref<1x32x1024xf32, #tpu.memory_space<vmem>>
    %dma_wait3A_879 = tpu.memref_squeeze %dma_wait3A_878 : memref<1x32x1024xf32, #tpu.memory_space<vmem>> -> memref<32x1024xf32, #tpu.memory_space<vmem>>
    %dma_wait3A_880 = arith.constant 0 : i32
    %dma_wait3A_881 = tpu.memref_slice %arg4[%mul3A_2, %dma_wait3A_880] : memref<32768x1024xf32, #tpu.memory_space<hbm>> -> memref<32x1024xf32, #tpu.memory_space<hbm>>
    %dma_wait3A_882 = arith.constant 0 : i32
    %dma_wait3A_883 = tpu.memref_slice %arg4[%mul3A_2, %dma_wait3A_882] : memref<32768x1024xf32, #tpu.memory_space<hbm>> -> memref<32x1024xf32, #tpu.memory_space<hbm>>
    %dma_wait3A_884 = arith.constant 0 : i32
    %dma_wait3A_885 = arith.constant 0 : i32
    %dma_wait3A_886 = tpu.memref_slice %arg8[%dma_wait3A_875, %dma_wait3A_884, %dma_wait3A_885] : memref<3x32x1024xf32, #tpu.memory_space<vmem>> -> memref<1x32x1024xf32, #tpu.memory_space<vmem>>
    %dma_wait3A_887 = tpu.memref_squeeze %dma_wait3A_886 : memref<1x32x1024xf32, #tpu.memory_space<vmem>> -> memref<32x1024xf32, #tpu.memory_space<vmem>>
    tpu.wait_dma2 semaphore(%arg13 : memref<!tpu.dma_semaphore, #tpu.memory_space<semaphore_mem>>) src(%dma_wait3A_887 : memref<32x1024xf32, #tpu.memory_space<vmem>>) dst(%dma_wait3A_883 : memref<32x1024xf32, #tpu.memory_space<hbm>>)
    %dma_wait3A_888 = arith.constant 0 : i32
    %dma_wait3A_889 = arith.constant 0 : i32
    %dma_wait3A_890 = arith.constant 0 : i32
    %dma_wait3A_891 = tpu.memref_slice %arg8[%dma_wait3A_888, %dma_wait3A_889, %dma_wait3A_890] : memref<3x32x1024xf32, #tpu.memory_space<vmem>> -> memref<1x32x1024xf32, #tpu.memory_space<vmem>>
    %dma_wait3A_892 = tpu.memref_squeeze %dma_wait3A_891 : memref<1x32x1024xf32, #tpu.memory_space<vmem>> -> memref<32x1024xf32, #tpu.memory_space<vmem>>
    %dma_wait3A_893 = arith.constant 0 : i32
    %dma_wait3A_894 = tpu.memref_slice %arg4[%mul3A_2, %dma_wait3A_893] : memref<32768x1024xf32, #tpu.memory_space<hbm>> -> memref<32x1024xf32, #tpu.memory_space<hbm>>
    %dma_wait3A_895 = arith.constant 0 : i32
    %dma_wait3A_896 = tpu.memref_slice %arg4[%mul3A_2, %dma_wait3A_895] : memref<32768x1024xf32, #tpu.memory_space<hbm>> -> memref<32x1024xf32, #tpu.memory_space<hbm>>
    %dma_wait3A_897 = arith.constant 0 : i32
    %dma_wait3A_898 = arith.constant 0 : i32
    %dma_wait3A_899 = tpu.memref_slice %arg8[%dma_wait3A_888, %dma_wait3A_897, %dma_wait3A_898] : memref<3x32x1024xf32, #tpu.memory_space<vmem>> -> memref<1x32x1024xf32, #tpu.memory_space<vmem>>
    %dma_wait3A_900 = tpu.memref_squeeze %dma_wait3A_899 : memref<1x32x1024xf32, #tpu.memory_space<vmem>> -> memref<32x1024xf32, #tpu.memory_space<vmem>>
    tpu.wait_dma2 semaphore(%arg13 : memref<!tpu.dma_semaphore, #tpu.memory_space<semaphore_mem>>) src(%dma_wait3A_900 : memref<32x1024xf32, #tpu.memory_space<vmem>>) dst(%dma_wait3A_896 : memref<32x1024xf32, #tpu.memory_space<hbm>>)
    %dma_wait3A_901 = arith.constant 0 : i32
    %dma_wait3A_902 = arith.constant 0 : i32
    %dma_wait3A_903 = arith.constant 0 : i32
    %dma_wait3A_904 = tpu.memref_slice %arg8[%dma_wait3A_901, %dma_wait3A_902, %dma_wait3A_903] : memref<3x32x1024xf32, #tpu.memory_space<vmem>> -> memref<1x32x1024xf32, #tpu.memory_space<vmem>>
    %dma_wait3A_905 = tpu.memref_squeeze %dma_wait3A_904 : memref<1x32x1024xf32, #tpu.memory_space<vmem>> -> memref<32x1024xf32, #tpu.memory_space<vmem>>
    %dma_wait3A_906 = arith.constant 0 : i32
    %dma_wait3A_907 = tpu.memref_slice %arg4[%mul3A_2, %dma_wait3A_906] : memref<32768x1024xf32, #tpu.memory_space<hbm>> -> memref<32x1024xf32, #tpu.memory_space<hbm>>
    %dma_wait3A_908 = arith.constant 0 : i32
    %dma_wait3A_909 = tpu.memref_slice %arg4[%mul3A_2, %dma_wait3A_908] : memref<32768x1024xf32, #tpu.memory_space<hbm>> -> memref<32x1024xf32, #tpu.memory_space<hbm>>
    %dma_wait3A_910 = arith.constant 0 : i32
    %dma_wait3A_911 = arith.constant 0 : i32
    %dma_wait3A_912 = tpu.memref_slice %arg8[%dma_wait3A_901, %dma_wait3A_910, %dma_wait3A_911] : memref<3x32x1024xf32, #tpu.memory_space<vmem>> -> memref<1x32x1024xf32, #tpu.memory_space<vmem>>
    %dma_wait3A_913 = tpu.memref_squeeze %dma_wait3A_912 : memref<1x32x1024xf32, #tpu.memory_space<vmem>> -> memref<32x1024xf32, #tpu.memory_space<vmem>>
    tpu.wait_dma2 semaphore(%arg13 : memref<!tpu.dma_semaphore, #tpu.memory_space<semaphore_mem>>) src(%dma_wait3A_913 : memref<32x1024xf32, #tpu.memory_space<vmem>>) dst(%dma_wait3A_909 : memref<32x1024xf32, #tpu.memory_space<hbm>>)
    %dma_wait3A_914 = arith.constant 0 : i32
    %dma_wait3A_915 = arith.constant 0 : i32
    %dma_wait3A_916 = arith.constant 0 : i32
    %dma_wait3A_917 = tpu.memref_slice %arg8[%dma_wait3A_914, %dma_wait3A_915, %dma_wait3A_916] : memref<3x32x1024xf32, #tpu.memory_space<vmem>> -> memref<1x32x1024xf32, #tpu.memory_space<vmem>>
    %dma_wait3A_918 = tpu.memref_squeeze %dma_wait3A_917 : memref<1x32x1024xf32, #tpu.memory_space<vmem>> -> memref<32x1024xf32, #tpu.memory_space<vmem>>
    %dma_wait3A_919 = arith.constant 0 : i32
    %dma_wait3A_920 = tpu.memref_slice %arg4[%mul3A_2, %dma_wait3A_919] : memref<32768x1024xf32, #tpu.memory_space<hbm>> -> memref<32x1024xf32, #tpu.memory_space<hbm>>
    %dma_wait3A_921 = arith.constant 0 : i32
    %dma_wait3A_922 = tpu.memref_slice %arg4[%mul3A_2, %dma_wait3A_921] : memref<32768x1024xf32, #tpu.memory_space<hbm>> -> memref<32x1024xf32, #tpu.memory_space<hbm>>
    %dma_wait3A_923 = arith.constant 0 : i32
    %dma_wait3A_924 = arith.constant 0 : i32
    %dma_wait3A_925 = tpu.memref_slice %arg8[%dma_wait3A_914, %dma_wait3A_923, %dma_wait3A_924] : memref<3x32x1024xf32, #tpu.memory_space<vmem>> -> memref<1x32x1024xf32, #tpu.memory_space<vmem>>
    %dma_wait3A_926 = tpu.memref_squeeze %dma_wait3A_925 : memref<1x32x1024xf32, #tpu.memory_space<vmem>> -> memref<32x1024xf32, #tpu.memory_space<vmem>>
    tpu.wait_dma2 semaphore(%arg13 : memref<!tpu.dma_semaphore, #tpu.memory_space<semaphore_mem>>) src(%dma_wait3A_926 : memref<32x1024xf32, #tpu.memory_space<vmem>>) dst(%dma_wait3A_922 : memref<32x1024xf32, #tpu.memory_space<hbm>>)
    %dma_start3A_927 = arith.constant 0 : i32
    %dma_start3A_928 = arith.constant 0 : i32
    %dma_start3A_929 = arith.constant 0 : i32
    %dma_start3A_930 = tpu.memref_slice %arg8[%dma_start3A_927, %dma_start3A_928, %dma_start3A_929] : memref<3x32x1024xf32, #tpu.memory_space<vmem>> -> memref<1x32x1024xf32, #tpu.memory_space<vmem>>
    %dma_start3A_931 = tpu.memref_squeeze %dma_start3A_930 : memref<1x32x1024xf32, #tpu.memory_space<vmem>> -> memref<32x1024xf32, #tpu.memory_space<vmem>>
    %dma_start3A_932 = arith.constant 192 : i32
    %dma_start3A_933 = tpu.memref_slice %arg6[%dma_start3A_932] : memref<256xi32, #tpu.memory_space<vmem>> -> memref<32xi32, #tpu.memory_space<vmem>>
    %dma_start3A_934 = arith.constant 0 : i32
    %dma_start3A_935 = arith.constant 0 : i32
    %dma_start3A_936 = tpu.memref_slice %arg3[%dma_start3A_934, %dma_start3A_935] : memref<8194x1024xf32, #tpu.memory_space<hbm>> -> memref<8194x1024xf32, #tpu.memory_space<hbm>>
    tpu.enqueue_indirect_dma source(%dma_start3A_936 : memref<8194x1024xf32, #tpu.memory_space<hbm>>) target(%dma_start3A_931 : memref<32x1024xf32, #tpu.memory_space<vmem>>) offsets(%dma_start3A_933 : memref<32xi32, #tpu.memory_space<vmem>>) semaphore(%arg10 : memref<!tpu.dma_semaphore, #tpu.memory_space<semaphore_mem>>)
    %dma_wait3A_937 = arith.constant 0 : i32
    %dma_wait3A_938 = arith.constant 0 : i32
    %dma_wait3A_939 = arith.constant 0 : i32
    %dma_wait3A_940 = tpu.memref_slice %arg8[%dma_wait3A_937, %dma_wait3A_938, %dma_wait3A_939] : memref<3x32x1024xf32, #tpu.memory_space<vmem>> -> memref<1x32x1024xf32, #tpu.memory_space<vmem>>
    %dma_wait3A_941 = tpu.memref_squeeze %dma_wait3A_940 : memref<1x32x1024xf32, #tpu.memory_space<vmem>> -> memref<32x1024xf32, #tpu.memory_space<vmem>>
    %dma_wait3A_942 = arith.constant 0 : i32
    %dma_wait3A_943 = arith.constant 0 : i32
    %dma_wait3A_944 = tpu.memref_slice %arg3[%dma_wait3A_942, %dma_wait3A_943] : memref<8194x1024xf32, #tpu.memory_space<hbm>> -> memref<32x1024xf32, #tpu.memory_space<hbm>>
    %dma_wait3A_945 = arith.constant 0 : i32
    %dma_wait3A_946 = arith.constant 0 : i32
    %dma_wait3A_947 = tpu.memref_slice %arg8[%dma_wait3A_937, %dma_wait3A_945, %dma_wait3A_946] : memref<3x32x1024xf32, #tpu.memory_space<vmem>> -> memref<1x32x1024xf32, #tpu.memory_space<vmem>>
    %dma_wait3A_948 = tpu.memref_squeeze %dma_wait3A_947 : memref<1x32x1024xf32, #tpu.memory_space<vmem>> -> memref<32x1024xf32, #tpu.memory_space<vmem>>
    %dma_wait3A_949 = arith.constant 0 : i32
    %dma_wait3A_950 = arith.constant 0 : i32
    %dma_wait3A_951 = tpu.memref_slice %arg3[%dma_wait3A_949, %dma_wait3A_950] : memref<8194x1024xf32, #tpu.memory_space<hbm>> -> memref<32x1024xf32, #tpu.memory_space<hbm>>
    tpu.wait_dma2 semaphore(%arg10 : memref<!tpu.dma_semaphore, #tpu.memory_space<semaphore_mem>>) src(%dma_wait3A_951 : memref<32x1024xf32, #tpu.memory_space<hbm>>) dst(%dma_wait3A_948 : memref<32x1024xf32, #tpu.memory_space<vmem>>)
    %add3A_952 = arith.constant 0 : i32
    %add3A_953 = arith.addi %add3A_952, %mul3A_2 : i32
    %add3A_954 = arith.constant 192 : i32
    %add3A_955 = arith.addi %add3A_953, %add3A_954 : i32
    %dma_start3A_956 = arith.constant 0 : i32
    %dma_start3A_957 = arith.constant 0 : i32
    %dma_start3A_958 = arith.constant 0 : i32
    %dma_start3A_959 = tpu.memref_slice %arg8[%dma_start3A_956, %dma_start3A_957, %dma_start3A_958] : memref<3x32x1024xf32, #tpu.memory_space<vmem>> -> memref<1x32x1024xf32, #tpu.memory_space<vmem>>
    %dma_start3A_960 = tpu.memref_squeeze %dma_start3A_959 : memref<1x32x1024xf32, #tpu.memory_space<vmem>> -> memref<32x1024xf32, #tpu.memory_space<vmem>>
    %dma_start3A_961 = arith.constant 0 : i32
    %dma_start3A_962 = tpu.memref_slice %arg4[%add3A_955, %dma_start3A_961] : memref<32768x1024xf32, #tpu.memory_space<hbm>> -> memref<32x1024xf32, #tpu.memory_space<hbm>>
    %dma_start3A_963 = arith.constant 0 : i32
    %dma_start3A_964 = tpu.memref_slice %arg4[%add3A_955, %dma_start3A_963] : memref<32768x1024xf32, #tpu.memory_space<hbm>> -> memref<32x1024xf32, #tpu.memory_space<hbm>>
    %dma_start3A_965 = arith.constant 0 : i32
    %dma_start3A_966 = arith.constant 0 : i32
    %dma_start3A_967 = tpu.memref_slice %arg8[%dma_start3A_956, %dma_start3A_965, %dma_start3A_966] : memref<3x32x1024xf32, #tpu.memory_space<vmem>> -> memref<1x32x1024xf32, #tpu.memory_space<vmem>>
    %dma_start3A_968 = tpu.memref_squeeze %dma_start3A_967 : memref<1x32x1024xf32, #tpu.memory_space<vmem>> -> memref<32x1024xf32, #tpu.memory_space<vmem>>
    tpu.enqueue_dma source(%dma_start3A_968 : memref<32x1024xf32, #tpu.memory_space<vmem>>) target(%dma_start3A_964 : memref<32x1024xf32, #tpu.memory_space<hbm>>) target_semaphore(%arg13 : memref<!tpu.dma_semaphore, #tpu.memory_space<semaphore_mem>>)
    %add3A_969 = arith.constant 8192 : i32
    %add3A_970 = arith.addi %add3A_969, %mul3A_2 : i32
    %add3A_971 = arith.constant 192 : i32
    %add3A_972 = arith.addi %add3A_970, %add3A_971 : i32
    %dma_start3A_973 = arith.constant 0 : i32
    %dma_start3A_974 = arith.constant 0 : i32
    %dma_start3A_975 = arith.constant 0 : i32
    %dma_start3A_976 = tpu.memref_slice %arg8[%dma_start3A_973, %dma_start3A_974, %dma_start3A_975] : memref<3x32x1024xf32, #tpu.memory_space<vmem>> -> memref<1x32x1024xf32, #tpu.memory_space<vmem>>
    %dma_start3A_977 = tpu.memref_squeeze %dma_start3A_976 : memref<1x32x1024xf32, #tpu.memory_space<vmem>> -> memref<32x1024xf32, #tpu.memory_space<vmem>>
    %dma_start3A_978 = arith.constant 0 : i32
    %dma_start3A_979 = tpu.memref_slice %arg4[%add3A_972, %dma_start3A_978] : memref<32768x1024xf32, #tpu.memory_space<hbm>> -> memref<32x1024xf32, #tpu.memory_space<hbm>>
    %dma_start3A_980 = arith.constant 0 : i32
    %dma_start3A_981 = tpu.memref_slice %arg4[%add3A_972, %dma_start3A_980] : memref<32768x1024xf32, #tpu.memory_space<hbm>> -> memref<32x1024xf32, #tpu.memory_space<hbm>>
    %dma_start3A_982 = arith.constant 0 : i32
    %dma_start3A_983 = arith.constant 0 : i32
    %dma_start3A_984 = tpu.memref_slice %arg8[%dma_start3A_973, %dma_start3A_982, %dma_start3A_983] : memref<3x32x1024xf32, #tpu.memory_space<vmem>> -> memref<1x32x1024xf32, #tpu.memory_space<vmem>>
    %dma_start3A_985 = tpu.memref_squeeze %dma_start3A_984 : memref<1x32x1024xf32, #tpu.memory_space<vmem>> -> memref<32x1024xf32, #tpu.memory_space<vmem>>
    tpu.enqueue_dma source(%dma_start3A_985 : memref<32x1024xf32, #tpu.memory_space<vmem>>) target(%dma_start3A_981 : memref<32x1024xf32, #tpu.memory_space<hbm>>) target_semaphore(%arg13 : memref<!tpu.dma_semaphore, #tpu.memory_space<semaphore_mem>>)
    %add3A_986 = arith.constant 16384 : i32
    %add3A_987 = arith.addi %add3A_986, %mul3A_2 : i32
    %add3A_988 = arith.constant 192 : i32
    %add3A_989 = arith.addi %add3A_987, %add3A_988 : i32
    %dma_start3A_990 = arith.constant 0 : i32
    %dma_start3A_991 = arith.constant 0 : i32
    %dma_start3A_992 = arith.constant 0 : i32
    %dma_start3A_993 = tpu.memref_slice %arg8[%dma_start3A_990, %dma_start3A_991, %dma_start3A_992] : memref<3x32x1024xf32, #tpu.memory_space<vmem>> -> memref<1x32x1024xf32, #tpu.memory_space<vmem>>
    %dma_start3A_994 = tpu.memref_squeeze %dma_start3A_993 : memref<1x32x1024xf32, #tpu.memory_space<vmem>> -> memref<32x1024xf32, #tpu.memory_space<vmem>>
    %dma_start3A_995 = arith.constant 0 : i32
    %dma_start3A_996 = tpu.memref_slice %arg4[%add3A_989, %dma_start3A_995] : memref<32768x1024xf32, #tpu.memory_space<hbm>> -> memref<32x1024xf32, #tpu.memory_space<hbm>>
    %dma_start3A_997 = arith.constant 0 : i32
    %dma_start3A_998 = tpu.memref_slice %arg4[%add3A_989, %dma_start3A_997] : memref<32768x1024xf32, #tpu.memory_space<hbm>> -> memref<32x1024xf32, #tpu.memory_space<hbm>>
    %dma_start3A_999 = arith.constant 0 : i32
    %dma_start3A_1000 = arith.constant 0 : i32
    %dma_start3A_1001 = tpu.memref_slice %arg8[%dma_start3A_990, %dma_start3A_999, %dma_start3A_1000] : memref<3x32x1024xf32, #tpu.memory_space<vmem>> -> memref<1x32x1024xf32, #tpu.memory_space<vmem>>
    %dma_start3A_1002 = tpu.memref_squeeze %dma_start3A_1001 : memref<1x32x1024xf32, #tpu.memory_space<vmem>> -> memref<32x1024xf32, #tpu.memory_space<vmem>>
    tpu.enqueue_dma source(%dma_start3A_1002 : memref<32x1024xf32, #tpu.memory_space<vmem>>) target(%dma_start3A_998 : memref<32x1024xf32, #tpu.memory_space<hbm>>) target_semaphore(%arg13 : memref<!tpu.dma_semaphore, #tpu.memory_space<semaphore_mem>>)
    %add3A_1003 = arith.constant 24576 : i32
    %add3A_1004 = arith.addi %add3A_1003, %mul3A_2 : i32
    %add3A_1005 = arith.constant 192 : i32
    %add3A_1006 = arith.addi %add3A_1004, %add3A_1005 : i32
    %dma_start3A_1007 = arith.constant 0 : i32
    %dma_start3A_1008 = arith.constant 0 : i32
    %dma_start3A_1009 = arith.constant 0 : i32
    %dma_start3A_1010 = tpu.memref_slice %arg8[%dma_start3A_1007, %dma_start3A_1008, %dma_start3A_1009] : memref<3x32x1024xf32, #tpu.memory_space<vmem>> -> memref<1x32x1024xf32, #tpu.memory_space<vmem>>
    %dma_start3A_1011 = tpu.memref_squeeze %dma_start3A_1010 : memref<1x32x1024xf32, #tpu.memory_space<vmem>> -> memref<32x1024xf32, #tpu.memory_space<vmem>>
    %dma_start3A_1012 = arith.constant 0 : i32
    %dma_start3A_1013 = tpu.memref_slice %arg4[%add3A_1006, %dma_start3A_1012] : memref<32768x1024xf32, #tpu.memory_space<hbm>> -> memref<32x1024xf32, #tpu.memory_space<hbm>>
    %dma_start3A_1014 = arith.constant 0 : i32
    %dma_start3A_1015 = tpu.memref_slice %arg4[%add3A_1006, %dma_start3A_1014] : memref<32768x1024xf32, #tpu.memory_space<hbm>> -> memref<32x1024xf32, #tpu.memory_space<hbm>>
    %dma_start3A_1016 = arith.constant 0 : i32
    %dma_start3A_1017 = arith.constant 0 : i32
    %dma_start3A_1018 = tpu.memref_slice %arg8[%dma_start3A_1007, %dma_start3A_1016, %dma_start3A_1017] : memref<3x32x1024xf32, #tpu.memory_space<vmem>> -> memref<1x32x1024xf32, #tpu.memory_space<vmem>>
    %dma_start3A_1019 = tpu.memref_squeeze %dma_start3A_1018 : memref<1x32x1024xf32, #tpu.memory_space<vmem>> -> memref<32x1024xf32, #tpu.memory_space<vmem>>
    tpu.enqueue_dma source(%dma_start3A_1019 : memref<32x1024xf32, #tpu.memory_space<vmem>>) target(%dma_start3A_1015 : memref<32x1024xf32, #tpu.memory_space<hbm>>) target_semaphore(%arg13 : memref<!tpu.dma_semaphore, #tpu.memory_space<semaphore_mem>>)
    %dma_wait3A_1020 = arith.constant 1 : i32
    %dma_wait3A_1021 = arith.constant 0 : i32
    %dma_wait3A_1022 = arith.constant 0 : i32
    %dma_wait3A_1023 = tpu.memref_slice %arg8[%dma_wait3A_1020, %dma_wait3A_1021, %dma_wait3A_1022] : memref<3x32x1024xf32, #tpu.memory_space<vmem>> -> memref<1x32x1024xf32, #tpu.memory_space<vmem>>
    %dma_wait3A_1024 = tpu.memref_squeeze %dma_wait3A_1023 : memref<1x32x1024xf32, #tpu.memory_space<vmem>> -> memref<32x1024xf32, #tpu.memory_space<vmem>>
    %dma_wait3A_1025 = arith.constant 0 : i32
    %dma_wait3A_1026 = tpu.memref_slice %arg4[%mul3A_2, %dma_wait3A_1025] : memref<32768x1024xf32, #tpu.memory_space<hbm>> -> memref<32x1024xf32, #tpu.memory_space<hbm>>
    %dma_wait3A_1027 = arith.constant 0 : i32
    %dma_wait3A_1028 = tpu.memref_slice %arg4[%mul3A_2, %dma_wait3A_1027] : memref<32768x1024xf32, #tpu.memory_space<hbm>> -> memref<32x1024xf32, #tpu.memory_space<hbm>>
    %dma_wait3A_1029 = arith.constant 0 : i32
    %dma_wait3A_1030 = arith.constant 0 : i32
    %dma_wait3A_1031 = tpu.memref_slice %arg8[%dma_wait3A_1020, %dma_wait3A_1029, %dma_wait3A_1030] : memref<3x32x1024xf32, #tpu.memory_space<vmem>> -> memref<1x32x1024xf32, #tpu.memory_space<vmem>>
    %dma_wait3A_1032 = tpu.memref_squeeze %dma_wait3A_1031 : memref<1x32x1024xf32, #tpu.memory_space<vmem>> -> memref<32x1024xf32, #tpu.memory_space<vmem>>
    tpu.wait_dma2 semaphore(%arg14 : memref<!tpu.dma_semaphore, #tpu.memory_space<semaphore_mem>>) src(%dma_wait3A_1032 : memref<32x1024xf32, #tpu.memory_space<vmem>>) dst(%dma_wait3A_1028 : memref<32x1024xf32, #tpu.memory_space<hbm>>)
    %dma_wait3A_1033 = arith.constant 1 : i32
    %dma_wait3A_1034 = arith.constant 0 : i32
    %dma_wait3A_1035 = arith.constant 0 : i32
    %dma_wait3A_1036 = tpu.memref_slice %arg8[%dma_wait3A_1033, %dma_wait3A_1034, %dma_wait3A_1035] : memref<3x32x1024xf32, #tpu.memory_space<vmem>> -> memref<1x32x1024xf32, #tpu.memory_space<vmem>>
    %dma_wait3A_1037 = tpu.memref_squeeze %dma_wait3A_1036 : memref<1x32x1024xf32, #tpu.memory_space<vmem>> -> memref<32x1024xf32, #tpu.memory_space<vmem>>
    %dma_wait3A_1038 = arith.constant 0 : i32
    %dma_wait3A_1039 = tpu.memref_slice %arg4[%mul3A_2, %dma_wait3A_1038] : memref<32768x1024xf32, #tpu.memory_space<hbm>> -> memref<32x1024xf32, #tpu.memory_space<hbm>>
    %dma_wait3A_1040 = arith.constant 0 : i32
    %dma_wait3A_1041 = tpu.memref_slice %arg4[%mul3A_2, %dma_wait3A_1040] : memref<32768x1024xf32, #tpu.memory_space<hbm>> -> memref<32x1024xf32, #tpu.memory_space<hbm>>
    %dma_wait3A_1042 = arith.constant 0 : i32
    %dma_wait3A_1043 = arith.constant 0 : i32
    %dma_wait3A_1044 = tpu.memref_slice %arg8[%dma_wait3A_1033, %dma_wait3A_1042, %dma_wait3A_1043] : memref<3x32x1024xf32, #tpu.memory_space<vmem>> -> memref<1x32x1024xf32, #tpu.memory_space<vmem>>
    %dma_wait3A_1045 = tpu.memref_squeeze %dma_wait3A_1044 : memref<1x32x1024xf32, #tpu.memory_space<vmem>> -> memref<32x1024xf32, #tpu.memory_space<vmem>>
    tpu.wait_dma2 semaphore(%arg14 : memref<!tpu.dma_semaphore, #tpu.memory_space<semaphore_mem>>) src(%dma_wait3A_1045 : memref<32x1024xf32, #tpu.memory_space<vmem>>) dst(%dma_wait3A_1041 : memref<32x1024xf32, #tpu.memory_space<hbm>>)
    %dma_wait3A_1046 = arith.constant 1 : i32
    %dma_wait3A_1047 = arith.constant 0 : i32
    %dma_wait3A_1048 = arith.constant 0 : i32
    %dma_wait3A_1049 = tpu.memref_slice %arg8[%dma_wait3A_1046, %dma_wait3A_1047, %dma_wait3A_1048] : memref<3x32x1024xf32, #tpu.memory_space<vmem>> -> memref<1x32x1024xf32, #tpu.memory_space<vmem>>
    %dma_wait3A_1050 = tpu.memref_squeeze %dma_wait3A_1049 : memref<1x32x1024xf32, #tpu.memory_space<vmem>> -> memref<32x1024xf32, #tpu.memory_space<vmem>>
    %dma_wait3A_1051 = arith.constant 0 : i32
    %dma_wait3A_1052 = tpu.memref_slice %arg4[%mul3A_2, %dma_wait3A_1051] : memref<32768x1024xf32, #tpu.memory_space<hbm>> -> memref<32x1024xf32, #tpu.memory_space<hbm>>
    %dma_wait3A_1053 = arith.constant 0 : i32
    %dma_wait3A_1054 = tpu.memref_slice %arg4[%mul3A_2, %dma_wait3A_1053] : memref<32768x1024xf32, #tpu.memory_space<hbm>> -> memref<32x1024xf32, #tpu.memory_space<hbm>>
    %dma_wait3A_1055 = arith.constant 0 : i32
    %dma_wait3A_1056 = arith.constant 0 : i32
    %dma_wait3A_1057 = tpu.memref_slice %arg8[%dma_wait3A_1046, %dma_wait3A_1055, %dma_wait3A_1056] : memref<3x32x1024xf32, #tpu.memory_space<vmem>> -> memref<1x32x1024xf32, #tpu.memory_space<vmem>>
    %dma_wait3A_1058 = tpu.memref_squeeze %dma_wait3A_1057 : memref<1x32x1024xf32, #tpu.memory_space<vmem>> -> memref<32x1024xf32, #tpu.memory_space<vmem>>
    tpu.wait_dma2 semaphore(%arg14 : memref<!tpu.dma_semaphore, #tpu.memory_space<semaphore_mem>>) src(%dma_wait3A_1058 : memref<32x1024xf32, #tpu.memory_space<vmem>>) dst(%dma_wait3A_1054 : memref<32x1024xf32, #tpu.memory_space<hbm>>)
    %dma_wait3A_1059 = arith.constant 1 : i32
    %dma_wait3A_1060 = arith.constant 0 : i32
    %dma_wait3A_1061 = arith.constant 0 : i32
    %dma_wait3A_1062 = tpu.memref_slice %arg8[%dma_wait3A_1059, %dma_wait3A_1060, %dma_wait3A_1061] : memref<3x32x1024xf32, #tpu.memory_space<vmem>> -> memref<1x32x1024xf32, #tpu.memory_space<vmem>>
    %dma_wait3A_1063 = tpu.memref_squeeze %dma_wait3A_1062 : memref<1x32x1024xf32, #tpu.memory_space<vmem>> -> memref<32x1024xf32, #tpu.memory_space<vmem>>
    %dma_wait3A_1064 = arith.constant 0 : i32
    %dma_wait3A_1065 = tpu.memref_slice %arg4[%mul3A_2, %dma_wait3A_1064] : memref<32768x1024xf32, #tpu.memory_space<hbm>> -> memref<32x1024xf32, #tpu.memory_space<hbm>>
    %dma_wait3A_1066 = arith.constant 0 : i32
    %dma_wait3A_1067 = tpu.memref_slice %arg4[%mul3A_2, %dma_wait3A_1066] : memref<32768x1024xf32, #tpu.memory_space<hbm>> -> memref<32x1024xf32, #tpu.memory_space<hbm>>
    %dma_wait3A_1068 = arith.constant 0 : i32
    %dma_wait3A_1069 = arith.constant 0 : i32
    %dma_wait3A_1070 = tpu.memref_slice %arg8[%dma_wait3A_1059, %dma_wait3A_1068, %dma_wait3A_1069] : memref<3x32x1024xf32, #tpu.memory_space<vmem>> -> memref<1x32x1024xf32, #tpu.memory_space<vmem>>
    %dma_wait3A_1071 = tpu.memref_squeeze %dma_wait3A_1070 : memref<1x32x1024xf32, #tpu.memory_space<vmem>> -> memref<32x1024xf32, #tpu.memory_space<vmem>>
    tpu.wait_dma2 semaphore(%arg14 : memref<!tpu.dma_semaphore, #tpu.memory_space<semaphore_mem>>) src(%dma_wait3A_1071 : memref<32x1024xf32, #tpu.memory_space<vmem>>) dst(%dma_wait3A_1067 : memref<32x1024xf32, #tpu.memory_space<hbm>>)
    %dma_start3A_1072 = arith.constant 1 : i32
    %dma_start3A_1073 = arith.constant 0 : i32
    %dma_start3A_1074 = arith.constant 0 : i32
    %dma_start3A_1075 = tpu.memref_slice %arg8[%dma_start3A_1072, %dma_start3A_1073, %dma_start3A_1074] : memref<3x32x1024xf32, #tpu.memory_space<vmem>> -> memref<1x32x1024xf32, #tpu.memory_space<vmem>>
    %dma_start3A_1076 = tpu.memref_squeeze %dma_start3A_1075 : memref<1x32x1024xf32, #tpu.memory_space<vmem>> -> memref<32x1024xf32, #tpu.memory_space<vmem>>
    %dma_start3A_1077 = arith.constant 224 : i32
    %dma_start3A_1078 = tpu.memref_slice %arg6[%dma_start3A_1077] : memref<256xi32, #tpu.memory_space<vmem>> -> memref<32xi32, #tpu.memory_space<vmem>>
    %dma_start3A_1079 = arith.constant 0 : i32
    %dma_start3A_1080 = arith.constant 0 : i32
    %dma_start3A_1081 = tpu.memref_slice %arg3[%dma_start3A_1079, %dma_start3A_1080] : memref<8194x1024xf32, #tpu.memory_space<hbm>> -> memref<8194x1024xf32, #tpu.memory_space<hbm>>
    tpu.enqueue_indirect_dma source(%dma_start3A_1081 : memref<8194x1024xf32, #tpu.memory_space<hbm>>) target(%dma_start3A_1076 : memref<32x1024xf32, #tpu.memory_space<vmem>>) offsets(%dma_start3A_1078 : memref<32xi32, #tpu.memory_space<vmem>>) semaphore(%arg11 : memref<!tpu.dma_semaphore, #tpu.memory_space<semaphore_mem>>)
    %dma_wait3A_1082 = arith.constant 1 : i32
    %dma_wait3A_1083 = arith.constant 0 : i32
    %dma_wait3A_1084 = arith.constant 0 : i32
    %dma_wait3A_1085 = tpu.memref_slice %arg8[%dma_wait3A_1082, %dma_wait3A_1083, %dma_wait3A_1084] : memref<3x32x1024xf32, #tpu.memory_space<vmem>> -> memref<1x32x1024xf32, #tpu.memory_space<vmem>>
    %dma_wait3A_1086 = tpu.memref_squeeze %dma_wait3A_1085 : memref<1x32x1024xf32, #tpu.memory_space<vmem>> -> memref<32x1024xf32, #tpu.memory_space<vmem>>
    %dma_wait3A_1087 = arith.constant 0 : i32
    %dma_wait3A_1088 = arith.constant 0 : i32
    %dma_wait3A_1089 = tpu.memref_slice %arg3[%dma_wait3A_1087, %dma_wait3A_1088] : memref<8194x1024xf32, #tpu.memory_space<hbm>> -> memref<32x1024xf32, #tpu.memory_space<hbm>>
    %dma_wait3A_1090 = arith.constant 0 : i32
    %dma_wait3A_1091 = arith.constant 0 : i32
    %dma_wait3A_1092 = tpu.memref_slice %arg8[%dma_wait3A_1082, %dma_wait3A_1090, %dma_wait3A_1091] : memref<3x32x1024xf32, #tpu.memory_space<vmem>> -> memref<1x32x1024xf32, #tpu.memory_space<vmem>>
    %dma_wait3A_1093 = tpu.memref_squeeze %dma_wait3A_1092 : memref<1x32x1024xf32, #tpu.memory_space<vmem>> -> memref<32x1024xf32, #tpu.memory_space<vmem>>
    %dma_wait3A_1094 = arith.constant 0 : i32
    %dma_wait3A_1095 = arith.constant 0 : i32
    %dma_wait3A_1096 = tpu.memref_slice %arg3[%dma_wait3A_1094, %dma_wait3A_1095] : memref<8194x1024xf32, #tpu.memory_space<hbm>> -> memref<32x1024xf32, #tpu.memory_space<hbm>>
    tpu.wait_dma2 semaphore(%arg11 : memref<!tpu.dma_semaphore, #tpu.memory_space<semaphore_mem>>) src(%dma_wait3A_1096 : memref<32x1024xf32, #tpu.memory_space<hbm>>) dst(%dma_wait3A_1093 : memref<32x1024xf32, #tpu.memory_space<vmem>>)
    %add3A_1097 = arith.constant 0 : i32
    %add3A_1098 = arith.addi %add3A_1097, %mul3A_2 : i32
    %add3A_1099 = arith.constant 224 : i32
    %add3A_1100 = arith.addi %add3A_1098, %add3A_1099 : i32
    %dma_start3A_1101 = arith.constant 1 : i32
    %dma_start3A_1102 = arith.constant 0 : i32
    %dma_start3A_1103 = arith.constant 0 : i32
    %dma_start3A_1104 = tpu.memref_slice %arg8[%dma_start3A_1101, %dma_start3A_1102, %dma_start3A_1103] : memref<3x32x1024xf32, #tpu.memory_space<vmem>> -> memref<1x32x1024xf32, #tpu.memory_space<vmem>>
    %dma_start3A_1105 = tpu.memref_squeeze %dma_start3A_1104 : memref<1x32x1024xf32, #tpu.memory_space<vmem>> -> memref<32x1024xf32, #tpu.memory_space<vmem>>
    %dma_start3A_1106 = arith.constant 0 : i32
    %dma_start3A_1107 = tpu.memref_slice %arg4[%add3A_1100, %dma_start3A_1106] : memref<32768x1024xf32, #tpu.memory_space<hbm>> -> memref<32x1024xf32, #tpu.memory_space<hbm>>
    %dma_start3A_1108 = arith.constant 0 : i32
    %dma_start3A_1109 = tpu.memref_slice %arg4[%add3A_1100, %dma_start3A_1108] : memref<32768x1024xf32, #tpu.memory_space<hbm>> -> memref<32x1024xf32, #tpu.memory_space<hbm>>
    %dma_start3A_1110 = arith.constant 0 : i32
    %dma_start3A_1111 = arith.constant 0 : i32
    %dma_start3A_1112 = tpu.memref_slice %arg8[%dma_start3A_1101, %dma_start3A_1110, %dma_start3A_1111] : memref<3x32x1024xf32, #tpu.memory_space<vmem>> -> memref<1x32x1024xf32, #tpu.memory_space<vmem>>
    %dma_start3A_1113 = tpu.memref_squeeze %dma_start3A_1112 : memref<1x32x1024xf32, #tpu.memory_space<vmem>> -> memref<32x1024xf32, #tpu.memory_space<vmem>>
    tpu.enqueue_dma source(%dma_start3A_1113 : memref<32x1024xf32, #tpu.memory_space<vmem>>) target(%dma_start3A_1109 : memref<32x1024xf32, #tpu.memory_space<hbm>>) target_semaphore(%arg14 : memref<!tpu.dma_semaphore, #tpu.memory_space<semaphore_mem>>)
    %add3A_1114 = arith.constant 8192 : i32
    %add3A_1115 = arith.addi %add3A_1114, %mul3A_2 : i32
    %add3A_1116 = arith.constant 224 : i32
    %add3A_1117 = arith.addi %add3A_1115, %add3A_1116 : i32
    %dma_start3A_1118 = arith.constant 1 : i32
    %dma_start3A_1119 = arith.constant 0 : i32
    %dma_start3A_1120 = arith.constant 0 : i32
    %dma_start3A_1121 = tpu.memref_slice %arg8[%dma_start3A_1118, %dma_start3A_1119, %dma_start3A_1120] : memref<3x32x1024xf32, #tpu.memory_space<vmem>> -> memref<1x32x1024xf32, #tpu.memory_space<vmem>>
    %dma_start3A_1122 = tpu.memref_squeeze %dma_start3A_1121 : memref<1x32x1024xf32, #tpu.memory_space<vmem>> -> memref<32x1024xf32, #tpu.memory_space<vmem>>
    %dma_start3A_1123 = arith.constant 0 : i32
    %dma_start3A_1124 = tpu.memref_slice %arg4[%add3A_1117, %dma_start3A_1123] : memref<32768x1024xf32, #tpu.memory_space<hbm>> -> memref<32x1024xf32, #tpu.memory_space<hbm>>
    %dma_start3A_1125 = arith.constant 0 : i32
    %dma_start3A_1126 = tpu.memref_slice %arg4[%add3A_1117, %dma_start3A_1125] : memref<32768x1024xf32, #tpu.memory_space<hbm>> -> memref<32x1024xf32, #tpu.memory_space<hbm>>
    %dma_start3A_1127 = arith.constant 0 : i32
    %dma_start3A_1128 = arith.constant 0 : i32
    %dma_start3A_1129 = tpu.memref_slice %arg8[%dma_start3A_1118, %dma_start3A_1127, %dma_start3A_1128] : memref<3x32x1024xf32, #tpu.memory_space<vmem>> -> memref<1x32x1024xf32, #tpu.memory_space<vmem>>
    %dma_start3A_1130 = tpu.memref_squeeze %dma_start3A_1129 : memref<1x32x1024xf32, #tpu.memory_space<vmem>> -> memref<32x1024xf32, #tpu.memory_space<vmem>>
    tpu.enqueue_dma source(%dma_start3A_1130 : memref<32x1024xf32, #tpu.memory_space<vmem>>) target(%dma_start3A_1126 : memref<32x1024xf32, #tpu.memory_space<hbm>>) target_semaphore(%arg14 : memref<!tpu.dma_semaphore, #tpu.memory_space<semaphore_mem>>)
    %add3A_1131 = arith.constant 16384 : i32
    %add3A_1132 = arith.addi %add3A_1131, %mul3A_2 : i32
    %add3A_1133 = arith.constant 224 : i32
    %add3A_1134 = arith.addi %add3A_1132, %add3A_1133 : i32
    %dma_start3A_1135 = arith.constant 1 : i32
    %dma_start3A_1136 = arith.constant 0 : i32
    %dma_start3A_1137 = arith.constant 0 : i32
    %dma_start3A_1138 = tpu.memref_slice %arg8[%dma_start3A_1135, %dma_start3A_1136, %dma_start3A_1137] : memref<3x32x1024xf32, #tpu.memory_space<vmem>> -> memref<1x32x1024xf32, #tpu.memory_space<vmem>>
    %dma_start3A_1139 = tpu.memref_squeeze %dma_start3A_1138 : memref<1x32x1024xf32, #tpu.memory_space<vmem>> -> memref<32x1024xf32, #tpu.memory_space<vmem>>
    %dma_start3A_1140 = arith.constant 0 : i32
    %dma_start3A_1141 = tpu.memref_slice %arg4[%add3A_1134, %dma_start3A_1140] : memref<32768x1024xf32, #tpu.memory_space<hbm>> -> memref<32x1024xf32, #tpu.memory_space<hbm>>
    %dma_start3A_1142 = arith.constant 0 : i32
    %dma_start3A_1143 = tpu.memref_slice %arg4[%add3A_1134, %dma_start3A_1142] : memref<32768x1024xf32, #tpu.memory_space<hbm>> -> memref<32x1024xf32, #tpu.memory_space<hbm>>
    %dma_start3A_1144 = arith.constant 0 : i32
    %dma_start3A_1145 = arith.constant 0 : i32
    %dma_start3A_1146 = tpu.memref_slice %arg8[%dma_start3A_1135, %dma_start3A_1144, %dma_start3A_1145] : memref<3x32x1024xf32, #tpu.memory_space<vmem>> -> memref<1x32x1024xf32, #tpu.memory_space<vmem>>
    %dma_start3A_1147 = tpu.memref_squeeze %dma_start3A_1146 : memref<1x32x1024xf32, #tpu.memory_space<vmem>> -> memref<32x1024xf32, #tpu.memory_space<vmem>>
    tpu.enqueue_dma source(%dma_start3A_1147 : memref<32x1024xf32, #tpu.memory_space<vmem>>) target(%dma_start3A_1143 : memref<32x1024xf32, #tpu.memory_space<hbm>>) target_semaphore(%arg14 : memref<!tpu.dma_semaphore, #tpu.memory_space<semaphore_mem>>)
    %add3A_1148 = arith.constant 24576 : i32
    %add3A_1149 = arith.addi %add3A_1148, %mul3A_2 : i32
    %add3A_1150 = arith.constant 224 : i32
    %add3A_1151 = arith.addi %add3A_1149, %add3A_1150 : i32
    %dma_start3A_1152 = arith.constant 1 : i32
    %dma_start3A_1153 = arith.constant 0 : i32
    %dma_start3A_1154 = arith.constant 0 : i32
    %dma_start3A_1155 = tpu.memref_slice %arg8[%dma_start3A_1152, %dma_start3A_1153, %dma_start3A_1154] : memref<3x32x1024xf32, #tpu.memory_space<vmem>> -> memref<1x32x1024xf32, #tpu.memory_space<vmem>>
    %dma_start3A_1156 = tpu.memref_squeeze %dma_start3A_1155 : memref<1x32x1024xf32, #tpu.memory_space<vmem>> -> memref<32x1024xf32, #tpu.memory_space<vmem>>
    %dma_start3A_1157 = arith.constant 0 : i32
    %dma_start3A_1158 = tpu.memref_slice %arg4[%add3A_1151, %dma_start3A_1157] : memref<32768x1024xf32, #tpu.memory_space<hbm>> -> memref<32x1024xf32, #tpu.memory_space<hbm>>
    %dma_start3A_1159 = arith.constant 0 : i32
    %dma_start3A_1160 = tpu.memref_slice %arg4[%add3A_1151, %dma_start3A_1159] : memref<32768x1024xf32, #tpu.memory_space<hbm>> -> memref<32x1024xf32, #tpu.memory_space<hbm>>
    %dma_start3A_1161 = arith.constant 0 : i32
    %dma_start3A_1162 = arith.constant 0 : i32
    %dma_start3A_1163 = tpu.memref_slice %arg8[%dma_start3A_1152, %dma_start3A_1161, %dma_start3A_1162] : memref<3x32x1024xf32, #tpu.memory_space<vmem>> -> memref<1x32x1024xf32, #tpu.memory_space<vmem>>
    %dma_start3A_1164 = tpu.memref_squeeze %dma_start3A_1163 : memref<1x32x1024xf32, #tpu.memory_space<vmem>> -> memref<32x1024xf32, #tpu.memory_space<vmem>>
    tpu.enqueue_dma source(%dma_start3A_1164 : memref<32x1024xf32, #tpu.memory_space<vmem>>) target(%dma_start3A_1160 : memref<32x1024xf32, #tpu.memory_space<hbm>>) target_semaphore(%arg14 : memref<!tpu.dma_semaphore, #tpu.memory_space<semaphore_mem>>)
    %dma_wait3A_1165 = arith.constant 2 : i32
    %dma_wait3A_1166 = arith.constant 0 : i32
    %dma_wait3A_1167 = arith.constant 0 : i32
    %dma_wait3A_1168 = tpu.memref_slice %arg8[%dma_wait3A_1165, %dma_wait3A_1166, %dma_wait3A_1167] : memref<3x32x1024xf32, #tpu.memory_space<vmem>> -> memref<1x32x1024xf32, #tpu.memory_space<vmem>>
    %dma_wait3A_1169 = tpu.memref_squeeze %dma_wait3A_1168 : memref<1x32x1024xf32, #tpu.memory_space<vmem>> -> memref<32x1024xf32, #tpu.memory_space<vmem>>
    %dma_wait3A_1170 = arith.constant 0 : i32
    %dma_wait3A_1171 = tpu.memref_slice %arg4[%mul3A_2, %dma_wait3A_1170] : memref<32768x1024xf32, #tpu.memory_space<hbm>> -> memref<32x1024xf32, #tpu.memory_space<hbm>>
    %dma_wait3A_1172 = arith.constant 0 : i32
    %dma_wait3A_1173 = tpu.memref_slice %arg4[%mul3A_2, %dma_wait3A_1172] : memref<32768x1024xf32, #tpu.memory_space<hbm>> -> memref<32x1024xf32, #tpu.memory_space<hbm>>
    %dma_wait3A_1174 = arith.constant 0 : i32
    %dma_wait3A_1175 = arith.constant 0 : i32
    %dma_wait3A_1176 = tpu.memref_slice %arg8[%dma_wait3A_1165, %dma_wait3A_1174, %dma_wait3A_1175] : memref<3x32x1024xf32, #tpu.memory_space<vmem>> -> memref<1x32x1024xf32, #tpu.memory_space<vmem>>
    %dma_wait3A_1177 = tpu.memref_squeeze %dma_wait3A_1176 : memref<1x32x1024xf32, #tpu.memory_space<vmem>> -> memref<32x1024xf32, #tpu.memory_space<vmem>>
    tpu.wait_dma2 semaphore(%arg15 : memref<!tpu.dma_semaphore, #tpu.memory_space<semaphore_mem>>) src(%dma_wait3A_1177 : memref<32x1024xf32, #tpu.memory_space<vmem>>) dst(%dma_wait3A_1173 : memref<32x1024xf32, #tpu.memory_space<hbm>>)
    %dma_wait3A_1178 = arith.constant 2 : i32
    %dma_wait3A_1179 = arith.constant 0 : i32
    %dma_wait3A_1180 = arith.constant 0 : i32
    %dma_wait3A_1181 = tpu.memref_slice %arg8[%dma_wait3A_1178, %dma_wait3A_1179, %dma_wait3A_1180] : memref<3x32x1024xf32, #tpu.memory_space<vmem>> -> memref<1x32x1024xf32, #tpu.memory_space<vmem>>
    %dma_wait3A_1182 = tpu.memref_squeeze %dma_wait3A_1181 : memref<1x32x1024xf32, #tpu.memory_space<vmem>> -> memref<32x1024xf32, #tpu.memory_space<vmem>>
    %dma_wait3A_1183 = arith.constant 0 : i32
    %dma_wait3A_1184 = tpu.memref_slice %arg4[%mul3A_2, %dma_wait3A_1183] : memref<32768x1024xf32, #tpu.memory_space<hbm>> -> memref<32x1024xf32, #tpu.memory_space<hbm>>
    %dma_wait3A_1185 = arith.constant 0 : i32
    %dma_wait3A_1186 = tpu.memref_slice %arg4[%mul3A_2, %dma_wait3A_1185] : memref<32768x1024xf32, #tpu.memory_space<hbm>> -> memref<32x1024xf32, #tpu.memory_space<hbm>>
    %dma_wait3A_1187 = arith.constant 0 : i32
    %dma_wait3A_1188 = arith.constant 0 : i32
    %dma_wait3A_1189 = tpu.memref_slice %arg8[%dma_wait3A_1178, %dma_wait3A_1187, %dma_wait3A_1188] : memref<3x32x1024xf32, #tpu.memory_space<vmem>> -> memref<1x32x1024xf32, #tpu.memory_space<vmem>>
    %dma_wait3A_1190 = tpu.memref_squeeze %dma_wait3A_1189 : memref<1x32x1024xf32, #tpu.memory_space<vmem>> -> memref<32x1024xf32, #tpu.memory_space<vmem>>
    tpu.wait_dma2 semaphore(%arg15 : memref<!tpu.dma_semaphore, #tpu.memory_space<semaphore_mem>>) src(%dma_wait3A_1190 : memref<32x1024xf32, #tpu.memory_space<vmem>>) dst(%dma_wait3A_1186 : memref<32x1024xf32, #tpu.memory_space<hbm>>)
    %dma_wait3A_1191 = arith.constant 2 : i32
    %dma_wait3A_1192 = arith.constant 0 : i32
    %dma_wait3A_1193 = arith.constant 0 : i32
    %dma_wait3A_1194 = tpu.memref_slice %arg8[%dma_wait3A_1191, %dma_wait3A_1192, %dma_wait3A_1193] : memref<3x32x1024xf32, #tpu.memory_space<vmem>> -> memref<1x32x1024xf32, #tpu.memory_space<vmem>>
    %dma_wait3A_1195 = tpu.memref_squeeze %dma_wait3A_1194 : memref<1x32x1024xf32, #tpu.memory_space<vmem>> -> memref<32x1024xf32, #tpu.memory_space<vmem>>
    %dma_wait3A_1196 = arith.constant 0 : i32
    %dma_wait3A_1197 = tpu.memref_slice %arg4[%mul3A_2, %dma_wait3A_1196] : memref<32768x1024xf32, #tpu.memory_space<hbm>> -> memref<32x1024xf32, #tpu.memory_space<hbm>>
    %dma_wait3A_1198 = arith.constant 0 : i32
    %dma_wait3A_1199 = tpu.memref_slice %arg4[%mul3A_2, %dma_wait3A_1198] : memref<32768x1024xf32, #tpu.memory_space<hbm>> -> memref<32x1024xf32, #tpu.memory_space<hbm>>
    %dma_wait3A_1200 = arith.constant 0 : i32
    %dma_wait3A_1201 = arith.constant 0 : i32
    %dma_wait3A_1202 = tpu.memref_slice %arg8[%dma_wait3A_1191, %dma_wait3A_1200, %dma_wait3A_1201] : memref<3x32x1024xf32, #tpu.memory_space<vmem>> -> memref<1x32x1024xf32, #tpu.memory_space<vmem>>
    %dma_wait3A_1203 = tpu.memref_squeeze %dma_wait3A_1202 : memref<1x32x1024xf32, #tpu.memory_space<vmem>> -> memref<32x1024xf32, #tpu.memory_space<vmem>>
    tpu.wait_dma2 semaphore(%arg15 : memref<!tpu.dma_semaphore, #tpu.memory_space<semaphore_mem>>) src(%dma_wait3A_1203 : memref<32x1024xf32, #tpu.memory_space<vmem>>) dst(%dma_wait3A_1199 : memref<32x1024xf32, #tpu.memory_space<hbm>>)
    %dma_wait3A_1204 = arith.constant 2 : i32
    %dma_wait3A_1205 = arith.constant 0 : i32
    %dma_wait3A_1206 = arith.constant 0 : i32
    %dma_wait3A_1207 = tpu.memref_slice %arg8[%dma_wait3A_1204, %dma_wait3A_1205, %dma_wait3A_1206] : memref<3x32x1024xf32, #tpu.memory_space<vmem>> -> memref<1x32x1024xf32, #tpu.memory_space<vmem>>
    %dma_wait3A_1208 = tpu.memref_squeeze %dma_wait3A_1207 : memref<1x32x1024xf32, #tpu.memory_space<vmem>> -> memref<32x1024xf32, #tpu.memory_space<vmem>>
    %dma_wait3A_1209 = arith.constant 0 : i32
    %dma_wait3A_1210 = tpu.memref_slice %arg4[%mul3A_2, %dma_wait3A_1209] : memref<32768x1024xf32, #tpu.memory_space<hbm>> -> memref<32x1024xf32, #tpu.memory_space<hbm>>
    %dma_wait3A_1211 = arith.constant 0 : i32
    %dma_wait3A_1212 = tpu.memref_slice %arg4[%mul3A_2, %dma_wait3A_1211] : memref<32768x1024xf32, #tpu.memory_space<hbm>> -> memref<32x1024xf32, #tpu.memory_space<hbm>>
    %dma_wait3A_1213 = arith.constant 0 : i32
    %dma_wait3A_1214 = arith.constant 0 : i32
    %dma_wait3A_1215 = tpu.memref_slice %arg8[%dma_wait3A_1204, %dma_wait3A_1213, %dma_wait3A_1214] : memref<3x32x1024xf32, #tpu.memory_space<vmem>> -> memref<1x32x1024xf32, #tpu.memory_space<vmem>>
    %dma_wait3A_1216 = tpu.memref_squeeze %dma_wait3A_1215 : memref<1x32x1024xf32, #tpu.memory_space<vmem>> -> memref<32x1024xf32, #tpu.memory_space<vmem>>
    tpu.wait_dma2 semaphore(%arg15 : memref<!tpu.dma_semaphore, #tpu.memory_space<semaphore_mem>>) src(%dma_wait3A_1216 : memref<32x1024xf32, #tpu.memory_space<vmem>>) dst(%dma_wait3A_1212 : memref<32x1024xf32, #tpu.memory_space<hbm>>)
    %dma_wait3A_1217 = arith.constant 0 : i32
    %dma_wait3A_1218 = arith.constant 0 : i32
    %dma_wait3A_1219 = arith.constant 0 : i32
    %dma_wait3A_1220 = tpu.memref_slice %arg8[%dma_wait3A_1217, %dma_wait3A_1218, %dma_wait3A_1219] : memref<3x32x1024xf32, #tpu.memory_space<vmem>> -> memref<1x32x1024xf32, #tpu.memory_space<vmem>>
    %dma_wait3A_1221 = tpu.memref_squeeze %dma_wait3A_1220 : memref<1x32x1024xf32, #tpu.memory_space<vmem>> -> memref<32x1024xf32, #tpu.memory_space<vmem>>
    %dma_wait3A_1222 = arith.constant 0 : i32
    %dma_wait3A_1223 = tpu.memref_slice %arg4[%mul3A_2, %dma_wait3A_1222] : memref<32768x1024xf32, #tpu.memory_space<hbm>> -> memref<32x1024xf32, #tpu.memory_space<hbm>>
    %dma_wait3A_1224 = arith.constant 0 : i32
    %dma_wait3A_1225 = tpu.memref_slice %arg4[%mul3A_2, %dma_wait3A_1224] : memref<32768x1024xf32, #tpu.memory_space<hbm>> -> memref<32x1024xf32, #tpu.memory_space<hbm>>
    %dma_wait3A_1226 = arith.constant 0 : i32
    %dma_wait3A_1227 = arith.constant 0 : i32
    %dma_wait3A_1228 = tpu.memref_slice %arg8[%dma_wait3A_1217, %dma_wait3A_1226, %dma_wait3A_1227] : memref<3x32x1024xf32, #tpu.memory_space<vmem>> -> memref<1x32x1024xf32, #tpu.memory_space<vmem>>
    %dma_wait3A_1229 = tpu.memref_squeeze %dma_wait3A_1228 : memref<1x32x1024xf32, #tpu.memory_space<vmem>> -> memref<32x1024xf32, #tpu.memory_space<vmem>>
    tpu.wait_dma2 semaphore(%arg13 : memref<!tpu.dma_semaphore, #tpu.memory_space<semaphore_mem>>) src(%dma_wait3A_1229 : memref<32x1024xf32, #tpu.memory_space<vmem>>) dst(%dma_wait3A_1225 : memref<32x1024xf32, #tpu.memory_space<hbm>>)
    %dma_wait3A_1230 = arith.constant 0 : i32
    %dma_wait3A_1231 = arith.constant 0 : i32
    %dma_wait3A_1232 = arith.constant 0 : i32
    %dma_wait3A_1233 = tpu.memref_slice %arg8[%dma_wait3A_1230, %dma_wait3A_1231, %dma_wait3A_1232] : memref<3x32x1024xf32, #tpu.memory_space<vmem>> -> memref<1x32x1024xf32, #tpu.memory_space<vmem>>
    %dma_wait3A_1234 = tpu.memref_squeeze %dma_wait3A_1233 : memref<1x32x1024xf32, #tpu.memory_space<vmem>> -> memref<32x1024xf32, #tpu.memory_space<vmem>>
    %dma_wait3A_1235 = arith.constant 0 : i32
    %dma_wait3A_1236 = tpu.memref_slice %arg4[%mul3A_2, %dma_wait3A_1235] : memref<32768x1024xf32, #tpu.memory_space<hbm>> -> memref<32x1024xf32, #tpu.memory_space<hbm>>
    %dma_wait3A_1237 = arith.constant 0 : i32
    %dma_wait3A_1238 = tpu.memref_slice %arg4[%mul3A_2, %dma_wait3A_1237] : memref<32768x1024xf32, #tpu.memory_space<hbm>> -> memref<32x1024xf32, #tpu.memory_space<hbm>>
    %dma_wait3A_1239 = arith.constant 0 : i32
    %dma_wait3A_1240 = arith.constant 0 : i32
    %dma_wait3A_1241 = tpu.memref_slice %arg8[%dma_wait3A_1230, %dma_wait3A_1239, %dma_wait3A_1240] : memref<3x32x1024xf32, #tpu.memory_space<vmem>> -> memref<1x32x1024xf32, #tpu.memory_space<vmem>>
    %dma_wait3A_1242 = tpu.memref_squeeze %dma_wait3A_1241 : memref<1x32x1024xf32, #tpu.memory_space<vmem>> -> memref<32x1024xf32, #tpu.memory_space<vmem>>
    tpu.wait_dma2 semaphore(%arg13 : memref<!tpu.dma_semaphore, #tpu.memory_space<semaphore_mem>>) src(%dma_wait3A_1242 : memref<32x1024xf32, #tpu.memory_space<vmem>>) dst(%dma_wait3A_1238 : memref<32x1024xf32, #tpu.memory_space<hbm>>)
    %dma_wait3A_1243 = arith.constant 0 : i32
    %dma_wait3A_1244 = arith.constant 0 : i32
    %dma_wait3A_1245 = arith.constant 0 : i32
    %dma_wait3A_1246 = tpu.memref_slice %arg8[%dma_wait3A_1243, %dma_wait3A_1244, %dma_wait3A_1245] : memref<3x32x1024xf32, #tpu.memory_space<vmem>> -> memref<1x32x1024xf32, #tpu.memory_space<vmem>>
    %dma_wait3A_1247 = tpu.memref_squeeze %dma_wait3A_1246 : memref<1x32x1024xf32, #tpu.memory_space<vmem>> -> memref<32x1024xf32, #tpu.memory_space<vmem>>
    %dma_wait3A_1248 = arith.constant 0 : i32
    %dma_wait3A_1249 = tpu.memref_slice %arg4[%mul3A_2, %dma_wait3A_1248] : memref<32768x1024xf32, #tpu.memory_space<hbm>> -> memref<32x1024xf32, #tpu.memory_space<hbm>>
    %dma_wait3A_1250 = arith.constant 0 : i32
    %dma_wait3A_1251 = tpu.memref_slice %arg4[%mul3A_2, %dma_wait3A_1250] : memref<32768x1024xf32, #tpu.memory_space<hbm>> -> memref<32x1024xf32, #tpu.memory_space<hbm>>
    %dma_wait3A_1252 = arith.constant 0 : i32
    %dma_wait3A_1253 = arith.constant 0 : i32
    %dma_wait3A_1254 = tpu.memref_slice %arg8[%dma_wait3A_1243, %dma_wait3A_1252, %dma_wait3A_1253] : memref<3x32x1024xf32, #tpu.memory_space<vmem>> -> memref<1x32x1024xf32, #tpu.memory_space<vmem>>
    %dma_wait3A_1255 = tpu.memref_squeeze %dma_wait3A_1254 : memref<1x32x1024xf32, #tpu.memory_space<vmem>> -> memref<32x1024xf32, #tpu.memory_space<vmem>>
    tpu.wait_dma2 semaphore(%arg13 : memref<!tpu.dma_semaphore, #tpu.memory_space<semaphore_mem>>) src(%dma_wait3A_1255 : memref<32x1024xf32, #tpu.memory_space<vmem>>) dst(%dma_wait3A_1251 : memref<32x1024xf32, #tpu.memory_space<hbm>>)
    %dma_wait3A_1256 = arith.constant 0 : i32
    %dma_wait3A_1257 = arith.constant 0 : i32
    %dma_wait3A_1258 = arith.constant 0 : i32
    %dma_wait3A_1259 = tpu.memref_slice %arg8[%dma_wait3A_1256, %dma_wait3A_1257, %dma_wait3A_1258] : memref<3x32x1024xf32, #tpu.memory_space<vmem>> -> memref<1x32x1024xf32, #tpu.memory_space<vmem>>
    %dma_wait3A_1260 = tpu.memref_squeeze %dma_wait3A_1259 : memref<1x32x1024xf32, #tpu.memory_space<vmem>> -> memref<32x1024xf32, #tpu.memory_space<vmem>>
    %dma_wait3A_1261 = arith.constant 0 : i32
    %dma_wait3A_1262 = tpu.memref_slice %arg4[%mul3A_2, %dma_wait3A_1261] : memref<32768x1024xf32, #tpu.memory_space<hbm>> -> memref<32x1024xf32, #tpu.memory_space<hbm>>
    %dma_wait3A_1263 = arith.constant 0 : i32
    %dma_wait3A_1264 = tpu.memref_slice %arg4[%mul3A_2, %dma_wait3A_1263] : memref<32768x1024xf32, #tpu.memory_space<hbm>> -> memref<32x1024xf32, #tpu.memory_space<hbm>>
    %dma_wait3A_1265 = arith.constant 0 : i32
    %dma_wait3A_1266 = arith.constant 0 : i32
    %dma_wait3A_1267 = tpu.memref_slice %arg8[%dma_wait3A_1256, %dma_wait3A_1265, %dma_wait3A_1266] : memref<3x32x1024xf32, #tpu.memory_space<vmem>> -> memref<1x32x1024xf32, #tpu.memory_space<vmem>>
    %dma_wait3A_1268 = tpu.memref_squeeze %dma_wait3A_1267 : memref<1x32x1024xf32, #tpu.memory_space<vmem>> -> memref<32x1024xf32, #tpu.memory_space<vmem>>
    tpu.wait_dma2 semaphore(%arg13 : memref<!tpu.dma_semaphore, #tpu.memory_space<semaphore_mem>>) src(%dma_wait3A_1268 : memref<32x1024xf32, #tpu.memory_space<vmem>>) dst(%dma_wait3A_1264 : memref<32x1024xf32, #tpu.memory_space<hbm>>)
    %dma_wait3A_1269 = arith.constant 1 : i32
    %dma_wait3A_1270 = arith.constant 0 : i32
    %dma_wait3A_1271 = arith.constant 0 : i32
    %dma_wait3A_1272 = tpu.memref_slice %arg8[%dma_wait3A_1269, %dma_wait3A_1270, %dma_wait3A_1271] : memref<3x32x1024xf32, #tpu.memory_space<vmem>> -> memref<1x32x1024xf32, #tpu.memory_space<vmem>>
    %dma_wait3A_1273 = tpu.memref_squeeze %dma_wait3A_1272 : memref<1x32x1024xf32, #tpu.memory_space<vmem>> -> memref<32x1024xf32, #tpu.memory_space<vmem>>
    %dma_wait3A_1274 = arith.constant 0 : i32
    %dma_wait3A_1275 = tpu.memref_slice %arg4[%mul3A_2, %dma_wait3A_1274] : memref<32768x1024xf32, #tpu.memory_space<hbm>> -> memref<32x1024xf32, #tpu.memory_space<hbm>>
    %dma_wait3A_1276 = arith.constant 0 : i32
    %dma_wait3A_1277 = tpu.memref_slice %arg4[%mul3A_2, %dma_wait3A_1276] : memref<32768x1024xf32, #tpu.memory_space<hbm>> -> memref<32x1024xf32, #tpu.memory_space<hbm>>
    %dma_wait3A_1278 = arith.constant 0 : i32
    %dma_wait3A_1279 = arith.constant 0 : i32
    %dma_wait3A_1280 = tpu.memref_slice %arg8[%dma_wait3A_1269, %dma_wait3A_1278, %dma_wait3A_1279] : memref<3x32x1024xf32, #tpu.memory_space<vmem>> -> memref<1x32x1024xf32, #tpu.memory_space<vmem>>
    %dma_wait3A_1281 = tpu.memref_squeeze %dma_wait3A_1280 : memref<1x32x1024xf32, #tpu.memory_space<vmem>> -> memref<32x1024xf32, #tpu.memory_space<vmem>>
    tpu.wait_dma2 semaphore(%arg14 : memref<!tpu.dma_semaphore, #tpu.memory_space<semaphore_mem>>) src(%dma_wait3A_1281 : memref<32x1024xf32, #tpu.memory_space<vmem>>) dst(%dma_wait3A_1277 : memref<32x1024xf32, #tpu.memory_space<hbm>>)
    %dma_wait3A_1282 = arith.constant 1 : i32
    %dma_wait3A_1283 = arith.constant 0 : i32
    %dma_wait3A_1284 = arith.constant 0 : i32
    %dma_wait3A_1285 = tpu.memref_slice %arg8[%dma_wait3A_1282, %dma_wait3A_1283, %dma_wait3A_1284] : memref<3x32x1024xf32, #tpu.memory_space<vmem>> -> memref<1x32x1024xf32, #tpu.memory_space<vmem>>
    %dma_wait3A_1286 = tpu.memref_squeeze %dma_wait3A_1285 : memref<1x32x1024xf32, #tpu.memory_space<vmem>> -> memref<32x1024xf32, #tpu.memory_space<vmem>>
    %dma_wait3A_1287 = arith.constant 0 : i32
    %dma_wait3A_1288 = tpu.memref_slice %arg4[%mul3A_2, %dma_wait3A_1287] : memref<32768x1024xf32, #tpu.memory_space<hbm>> -> memref<32x1024xf32, #tpu.memory_space<hbm>>
    %dma_wait3A_1289 = arith.constant 0 : i32
    %dma_wait3A_1290 = tpu.memref_slice %arg4[%mul3A_2, %dma_wait3A_1289] : memref<32768x1024xf32, #tpu.memory_space<hbm>> -> memref<32x1024xf32, #tpu.memory_space<hbm>>
    %dma_wait3A_1291 = arith.constant 0 : i32
    %dma_wait3A_1292 = arith.constant 0 : i32
    %dma_wait3A_1293 = tpu.memref_slice %arg8[%dma_wait3A_1282, %dma_wait3A_1291, %dma_wait3A_1292] : memref<3x32x1024xf32, #tpu.memory_space<vmem>> -> memref<1x32x1024xf32, #tpu.memory_space<vmem>>
    %dma_wait3A_1294 = tpu.memref_squeeze %dma_wait3A_1293 : memref<1x32x1024xf32, #tpu.memory_space<vmem>> -> memref<32x1024xf32, #tpu.memory_space<vmem>>
    tpu.wait_dma2 semaphore(%arg14 : memref<!tpu.dma_semaphore, #tpu.memory_space<semaphore_mem>>) src(%dma_wait3A_1294 : memref<32x1024xf32, #tpu.memory_space<vmem>>) dst(%dma_wait3A_1290 : memref<32x1024xf32, #tpu.memory_space<hbm>>)
    %dma_wait3A_1295 = arith.constant 1 : i32
    %dma_wait3A_1296 = arith.constant 0 : i32
    %dma_wait3A_1297 = arith.constant 0 : i32
    %dma_wait3A_1298 = tpu.memref_slice %arg8[%dma_wait3A_1295, %dma_wait3A_1296, %dma_wait3A_1297] : memref<3x32x1024xf32, #tpu.memory_space<vmem>> -> memref<1x32x1024xf32, #tpu.memory_space<vmem>>
    %dma_wait3A_1299 = tpu.memref_squeeze %dma_wait3A_1298 : memref<1x32x1024xf32, #tpu.memory_space<vmem>> -> memref<32x1024xf32, #tpu.memory_space<vmem>>
    %dma_wait3A_1300 = arith.constant 0 : i32
    %dma_wait3A_1301 = tpu.memref_slice %arg4[%mul3A_2, %dma_wait3A_1300] : memref<32768x1024xf32, #tpu.memory_space<hbm>> -> memref<32x1024xf32, #tpu.memory_space<hbm>>
    %dma_wait3A_1302 = arith.constant 0 : i32
    %dma_wait3A_1303 = tpu.memref_slice %arg4[%mul3A_2, %dma_wait3A_1302] : memref<32768x1024xf32, #tpu.memory_space<hbm>> -> memref<32x1024xf32, #tpu.memory_space<hbm>>
    %dma_wait3A_1304 = arith.constant 0 : i32
    %dma_wait3A_1305 = arith.constant 0 : i32
    %dma_wait3A_1306 = tpu.memref_slice %arg8[%dma_wait3A_1295, %dma_wait3A_1304, %dma_wait3A_1305] : memref<3x32x1024xf32, #tpu.memory_space<vmem>> -> memref<1x32x1024xf32, #tpu.memory_space<vmem>>
    %dma_wait3A_1307 = tpu.memref_squeeze %dma_wait3A_1306 : memref<1x32x1024xf32, #tpu.memory_space<vmem>> -> memref<32x1024xf32, #tpu.memory_space<vmem>>
    tpu.wait_dma2 semaphore(%arg14 : memref<!tpu.dma_semaphore, #tpu.memory_space<semaphore_mem>>) src(%dma_wait3A_1307 : memref<32x1024xf32, #tpu.memory_space<vmem>>) dst(%dma_wait3A_1303 : memref<32x1024xf32, #tpu.memory_space<hbm>>)
    %dma_wait3A_1308 = arith.constant 1 : i32
    %dma_wait3A_1309 = arith.constant 0 : i32
    %dma_wait3A_1310 = arith.constant 0 : i32
    %dma_wait3A_1311 = tpu.memref_slice %arg8[%dma_wait3A_1308, %dma_wait3A_1309, %dma_wait3A_1310] : memref<3x32x1024xf32, #tpu.memory_space<vmem>> -> memref<1x32x1024xf32, #tpu.memory_space<vmem>>
    %dma_wait3A_1312 = tpu.memref_squeeze %dma_wait3A_1311 : memref<1x32x1024xf32, #tpu.memory_space<vmem>> -> memref<32x1024xf32, #tpu.memory_space<vmem>>
    %dma_wait3A_1313 = arith.constant 0 : i32
    %dma_wait3A_1314 = tpu.memref_slice %arg4[%mul3A_2, %dma_wait3A_1313] : memref<32768x1024xf32, #tpu.memory_space<hbm>> -> memref<32x1024xf32, #tpu.memory_space<hbm>>
    %dma_wait3A_1315 = arith.constant 0 : i32
    %dma_wait3A_1316 = tpu.memref_slice %arg4[%mul3A_2, %dma_wait3A_1315] : memref<32768x1024xf32, #tpu.memory_space<hbm>> -> memref<32x1024xf32, #tpu.memory_space<hbm>>
    %dma_wait3A_1317 = arith.constant 0 : i32
    %dma_wait3A_1318 = arith.constant 0 : i32
    %dma_wait3A_1319 = tpu.memref_slice %arg8[%dma_wait3A_1308, %dma_wait3A_1317, %dma_wait3A_1318] : memref<3x32x1024xf32, #tpu.memory_space<vmem>> -> memref<1x32x1024xf32, #tpu.memory_space<vmem>>
    %dma_wait3A_1320 = tpu.memref_squeeze %dma_wait3A_1319 : memref<1x32x1024xf32, #tpu.memory_space<vmem>> -> memref<32x1024xf32, #tpu.memory_space<vmem>>
    tpu.wait_dma2 semaphore(%arg14 : memref<!tpu.dma_semaphore, #tpu.memory_space<semaphore_mem>>) src(%dma_wait3A_1320 : memref<32x1024xf32, #tpu.memory_space<vmem>>) dst(%dma_wait3A_1316 : memref<32x1024xf32, #tpu.memory_space<hbm>>)
    %scan3A = arith.constant 0 : i32
    %scan3A_1321 = arith.constant 0 : i32
    %scan3A_1322 = arith.constant 64 : i32
    %scan3A_1323 = arith.addi %scan3A_1321, %scan3A_1322 : i32
    %scan3A_1324 = arith.constant 1 : i32
    scf.for %scan3A_1326 = %scan3A_1321 to %scan3A_1323 step %scan3A_1324  : i32 {
      %mul3A_1327 = arith.constant 16 : i32
      %mul3A_1328 = arith.muli %scan3A_1326, %mul3A_1327 : i32
      %get3A = arith.index_cast %mul3A_1328 : i32 to index
      %get3A_1329 = tpu.vector_load %arg5[%get3A] {strides = array<i32>} : memref<1024xi32, #tpu.memory_space<vmem>>, vector<16xi32>,
      %get3A_1330 = vector.shape_cast %get3A_1329 : vector<16xi32> to vector<16xi32>
      %eq3A = arith.constant 1 : i32
      %eq3A_1331 = vector.broadcast %eq3A : i32 to vector<16xi32>
      %eq3A_1332 = arith.cmpi eq, %get3A_1330, %eq3A_1331 : vector<16xi32>
      %jit3A = arith.constant 1 : i32
      %jit3A_1333 = arith.constant 0 : i32
      %broadcast_in_dim3A_1334 = vector.broadcast %jit3A : i32 to vector<16xi32>
      %broadcast_in_dim3A_1335 = vector.broadcast %jit3A_1333 : i32 to vector<16xi32>
      %select_n3A = arith.select %eq3A_1332, %broadcast_in_dim3A_1334, %broadcast_in_dim3A_1335 : vector<16xi1>, vector<16xi32>
      %xor3A = arith.constant 1 : i32
      %xor3A_1336 = vector.broadcast %xor3A : i32 to vector<16xi32>
      %xor3A_1337 = arith.xori %iota3A, %xor3A_1336 : vector<16xi32>
      %reshape3A = vector.shape_cast %xor3A_1337 : vector<16xi32> to vector<16x1xi32>
      %gather3A = vector.shape_cast %reshape3A : vector<16x1xi32> to vector<16xi32>
      %gather3A_1338 = tpu.dynamic_gather %select_n3A[%gather3A] in [0] : vector<16xi32>, vector<16xi32> -> vector<16xi32>
      %max3A = arith.maxsi %select_n3A, %gather3A_1338 : vector<16xi32>
      %xor3A_1339 = arith.constant 2 : i32
      %xor3A_1340 = vector.broadcast %xor3A_1339 : i32 to vector<16xi32>
      %xor3A_1341 = arith.xori %iota3A, %xor3A_1340 : vector<16xi32>
      %reshape3A_1342 = vector.shape_cast %xor3A_1341 : vector<16xi32> to vector<16x1xi32>
      %gather3A_1343 = vector.shape_cast %reshape3A_1342 : vector<16x1xi32> to vector<16xi32>
      %gather3A_1344 = tpu.dynamic_gather %max3A[%gather3A_1343] in [0] : vector<16xi32>, vector<16xi32> -> vector<16xi32>
      %max3A_1345 = arith.maxsi %max3A, %gather3A_1344 : vector<16xi32>
      %xor3A_1346 = arith.constant 4 : i32
      %xor3A_1347 = vector.broadcast %xor3A_1346 : i32 to vector<16xi32>
      %xor3A_1348 = arith.xori %iota3A, %xor3A_1347 : vector<16xi32>
      %reshape3A_1349 = vector.shape_cast %xor3A_1348 : vector<16xi32> to vector<16x1xi32>
      %gather3A_1350 = vector.shape_cast %reshape3A_1349 : vector<16x1xi32> to vector<16xi32>
      %gather3A_1351 = tpu.dynamic_gather %max3A_1345[%gather3A_1350] in [0] : vector<16xi32>, vector<16xi32> -> vector<16xi32>
      %max3A_1352 = arith.maxsi %max3A_1345, %gather3A_1351 : vector<16xi32>
      %xor3A_1353 = arith.constant 8 : i32
      %xor3A_1354 = vector.broadcast %xor3A_1353 : i32 to vector<16xi32>
      %xor3A_1355 = arith.xori %iota3A, %xor3A_1354 : vector<16xi32>
      %reshape3A_1356 = vector.shape_cast %xor3A_1355 : vector<16xi32> to vector<16x1xi32>
      %gather3A_1357 = vector.shape_cast %reshape3A_1356 : vector<16x1xi32> to vector<16xi32>
      %gather3A_1358 = tpu.dynamic_gather %max3A_1352[%gather3A_1357] in [0] : vector<16xi32>, vector<16xi32> -> vector<16xi32>
      %max3A_1359 = arith.maxsi %max3A_1352, %gather3A_1358 : vector<16xi32>
      %slice3A = vector.extract_strided_slice %max3A_1359 {offsets = [0], sizes = [1], strides = [1]} : vector<16xi32> to vector<1xi32>
      %squeeze3A = vector.extract %slice3A[0] : i32 from vector<1xi32>
      %gt3A = arith.constant 0 : i32
      %gt3A_1360 = arith.cmpi sgt, %squeeze3A, %gt3A : i32
      %convert_element_type3A = arith.extui %gt3A_1360 : i1 to i32
      %cond3A = arith.constant 0 : i32
      %cond3A_1361 = arith.cmpi ne, %convert_element_type3A, %cond3A : i32
      scf.if %cond3A_1361 {
        %mul3A_1362 = arith.constant 16 : i32
        %mul3A_1363 = arith.muli %scan3A_1326, %mul3A_1362 : i32
        %add3A_1364 = vector.broadcast %mul3A_1363 : i32 to vector<16xi32>
        %add3A_1365 = arith.addi %add3A_1364, %iota3A : vector<16xi32>
        %shift_right_logical3A = arith.constant 8 : i32
        %shift_right_logical3A_1366 = vector.broadcast %shift_right_logical3A : i32 to vector<16xi32>
        %shift_right_logical3A_1367 = arith.shrui %add3A_1365, %shift_right_logical3A_1366 : vector<16xi32>
        %and3A = arith.constant 255 : i32
        %and3A_1368 = vector.broadcast %and3A : i32 to vector<16xi32>
        %and3A_1369 = arith.andi %add3A_1365, %and3A_1368 : vector<16xi32>
        %mul3A_1370 = arith.constant 8192 : i32
        %mul3A_1371 = vector.broadcast %mul3A_1370 : i32 to vector<16xi32>
        %mul3A_1372 = arith.muli %shift_right_logical3A_1367, %mul3A_1371 : vector<16xi32>
        %add3A_1373 = vector.broadcast %mul3A_2 : i32 to vector<16xi32>
        %add3A_1374 = arith.addi %add3A_1373, %and3A_1369 : vector<16xi32>
        %add3A_1375 = arith.addi %mul3A_1372, %add3A_1374 : vector<16xi32>
        %jit3A_1376 = arith.constant -1 : i32
        %broadcast_in_dim3A_1377 = vector.broadcast %jit3A_1376 : i32 to vector<16xi32>
        %select_n3A_1378 = arith.select %eq3A_1332, %add3A_1375, %broadcast_in_dim3A_1377 : vector<16xi1>, vector<16xi32>
        %xor3A_1379 = arith.constant 1 : i32
        %xor3A_1380 = vector.broadcast %xor3A_1379 : i32 to vector<16xi32>
        %xor3A_1381 = arith.xori %iota3A, %xor3A_1380 : vector<16xi32>
        %reshape3A_1382 = vector.shape_cast %xor3A_1381 : vector<16xi32> to vector<16x1xi32>
        %gather3A_1383 = vector.shape_cast %reshape3A_1382 : vector<16x1xi32> to vector<16xi32>
        %gather3A_1384 = tpu.dynamic_gather %select_n3A_1378[%gather3A_1383] in [0] : vector<16xi32>, vector<16xi32> -> vector<16xi32>
        %max3A_1385 = arith.maxsi %select_n3A_1378, %gather3A_1384 : vector<16xi32>
        %xor3A_1386 = arith.constant 2 : i32
        %xor3A_1387 = vector.broadcast %xor3A_1386 : i32 to vector<16xi32>
        %xor3A_1388 = arith.xori %iota3A, %xor3A_1387 : vector<16xi32>
        %reshape3A_1389 = vector.shape_cast %xor3A_1388 : vector<16xi32> to vector<16x1xi32>
        %gather3A_1390 = vector.shape_cast %reshape3A_1389 : vector<16x1xi32> to vector<16xi32>
        %gather3A_1391 = tpu.dynamic_gather %max3A_1385[%gather3A_1390] in [0] : vector<16xi32>, vector<16xi32> -> vector<16xi32>
        %max3A_1392 = arith.maxsi %max3A_1385, %gather3A_1391 : vector<16xi32>
        %xor3A_1393 = arith.constant 4 : i32
        %xor3A_1394 = vector.broadcast %xor3A_1393 : i32 to vector<16xi32>
        %xor3A_1395 = arith.xori %iota3A, %xor3A_1394 : vector<16xi32>
        %reshape3A_1396 = vector.shape_cast %xor3A_1395 : vector<16xi32> to vector<16x1xi32>
        %gather3A_1397 = vector.shape_cast %reshape3A_1396 : vector<16x1xi32> to vector<16xi32>
        %gather3A_1398 = tpu.dynamic_gather %max3A_1392[%gather3A_1397] in [0] : vector<16xi32>, vector<16xi32> -> vector<16xi32>
        %max3A_1399 = arith.maxsi %max3A_1392, %gather3A_1398 : vector<16xi32>
        %xor3A_1400 = arith.constant 8 : i32
        %xor3A_1401 = vector.broadcast %xor3A_1400 : i32 to vector<16xi32>
        %xor3A_1402 = arith.xori %iota3A, %xor3A_1401 : vector<16xi32>
        %reshape3A_1403 = vector.shape_cast %xor3A_1402 : vector<16xi32> to vector<16x1xi32>
        %gather3A_1404 = vector.shape_cast %reshape3A_1403 : vector<16x1xi32> to vector<16xi32>
        %gather3A_1405 = tpu.dynamic_gather %max3A_1399[%gather3A_1404] in [0] : vector<16xi32>, vector<16xi32> -> vector<16xi32>
        %max3A_1406 = arith.maxsi %max3A_1399, %gather3A_1405 : vector<16xi32>
        %select_n3A_1407 = arith.select %eq3A_1332, %add3A_1375, %max3A_1406 : vector<16xi1>, vector<16xi32>
        %swap3A_1408 = arith.constant 0 : i32
        %swap3A_1409 = arith.index_cast %swap3A_1408 : i32 to index
        %swap3A_1410 = arith.constant 0 : index
        %swap3A_1411 = tpu.vector_load %arg7[%swap3A_1409, %swap3A_1410] {strides = array<i32>} : memref<1x16xi32, #tpu.memory_space<vmem>>, vector<1x16xi32>,
        %swap3A_1412 = vector.shape_cast %swap3A_1411 : vector<1x16xi32> to vector<16xi32>
        %swap3A_1413 = vector.shape_cast %select_n3A_1407 : vector<16xi32> to vector<1x16xi32>
        tpu.vector_store %arg7[%swap3A_1409, %swap3A_1410], %swap3A_1413 {strides = array<i32>} : memref<1x16xi32, #tpu.memory_space<vmem>>, vector<1x16xi32>,
        %dma_start3A_1414 = arith.constant 0 : i32
        %dma_start3A_1415 = arith.constant 0 : i32
        %dma_start3A_1416 = tpu.memref_slice %arg7[%dma_start3A_1414, %dma_start3A_1415] : memref<1x16xi32, #tpu.memory_space<vmem>> -> memref<1x16xi32, #tpu.memory_space<vmem>>
        %dma_start3A_1417 = tpu.memref_squeeze %dma_start3A_1416 : memref<1x16xi32, #tpu.memory_space<vmem>> -> memref<16xi32, #tpu.memory_space<vmem>>
        %dma_start3A_1418 = arith.constant 0 : i32
        %dma_start3A_1419 = arith.constant 0 : i32
        %dma_start3A_1420 = tpu.memref_slice %arg4[%dma_start3A_1418, %dma_start3A_1419] : memref<32768x1024xf32, #tpu.memory_space<hbm>> -> memref<32768x1024xf32, #tpu.memory_space<hbm>>
        tpu.enqueue_indirect_dma source(%arg9 : memref<16x1024xf32, #tpu.memory_space<vmem>>) target(%dma_start3A_1420 : memref<32768x1024xf32, #tpu.memory_space<hbm>>) offsets(%dma_start3A_1417 : memref<16xi32, #tpu.memory_space<vmem>>) semaphore(%arg10 : memref<!tpu.dma_semaphore, #tpu.memory_space<semaphore_mem>>)
        %dma_wait3A_1421 = arith.constant 0 : i32
        %dma_wait3A_1422 = arith.constant 0 : i32
        %dma_wait3A_1423 = tpu.memref_slice %arg7[%dma_wait3A_1421, %dma_wait3A_1422] : memref<1x16xi32, #tpu.memory_space<vmem>> -> memref<1x16xi32, #tpu.memory_space<vmem>>
        %dma_wait3A_1424 = tpu.memref_squeeze %dma_wait3A_1423 : memref<1x16xi32, #tpu.memory_space<vmem>> -> memref<16xi32, #tpu.memory_space<vmem>>
        %dma_wait3A_1425 = arith.constant 0 : i32
        %dma_wait3A_1426 = arith.constant 0 : i32
        %dma_wait3A_1427 = tpu.memref_slice %arg4[%dma_wait3A_1425, %dma_wait3A_1426] : memref<32768x1024xf32, #tpu.memory_space<hbm>> -> memref<32768x1024xf32, #tpu.memory_space<hbm>>
        tpu.wait_indirect_dma semaphore(%arg10 : memref<!tpu.dma_semaphore, #tpu.memory_space<semaphore_mem>>) src(%arg9 : memref<16x1024xf32, #tpu.memory_space<vmem>>) dst(%dma_wait3A_1427 : memref<32768x1024xf32, #tpu.memory_space<hbm>>)
      } else {
      }
    }
    %scan3A_1325 = arith.constant 64 : i32
    return
  }
}

</mosaic_0001>

<sc_bundles>
// kernel: kernel.3.cloned.1.call-start
scs
__scs_entry_jumppad:
0x0: {  	(pc) =	sbr.rel $0x88, $3  }
0x1: {  	(tag) =	ssettag $0x0;
	lr =	simm.s32 $0x1  }
0x2: {  	[smem:$0x3F9F] =	sst lr;
	_ =	strace $0xD0000000  }
0x3: {  	_ = 	snop  }
0x4: {  	_ = 	snop  }
0x5: {  	_ = 	snop  }
0x6: {  	_ = 	snop  }
0x7: {  	_ = 	snop  }
__scs_overlays_trampoline_lowered:
0x8: {  	[smem:$0x3FAE] =	sst s0  }
0x9: {  	[smem:$0x3FAF] =	sst s1  }
0xa: {  	[smem:$0x3FB0] =	sst s2  }
0xb: {  	[smem:$0x3FB1] =	sst s3  }
0xc: {  	[smem:$0x3FB2] =	sst s4  }
0xd: {  	[smem:$0x3FB3] =	sst s5  }
0xe: {  	[smem:$0x3FB4] =	sst s6  }
0xf: {  	[smem:$0x3FB5] =	sst s7  }
0x10: {  	[smem:$0x3FB6] =	sst s8  }
0x11: {  	[smem:$0x3FB7] =	sst s9;
	s0 =	simm.s32 @!p0 $0x0  }
0x12: {  	s1 =	sld [smem:$0x3F9D];
	s0 =	simm.s32 @p0 $0x1  }
0x13: {  	[smem:$0x3FB8] =	sst s0;
	s0 =	simm.s32 @!p1 $0x0  }
0x14: {  	s2 =	sld [smem:$0x3F9C];
	s0 =	simm.s32 @p1 $0x1  }
0x15: {  	[smem:$0x3FB9] =	sst s0;
	s0 =	simm.s32 @!p2 $0x0  }
0x16: {  	s3 =	sld [smem:$0x3FDB];
	s0 =	simm.s32 @p2 $0x1  }
0x17: {  	s4 =	simm.s32 $0x1BF5;
	[smem:$0x3FBB] =	sst s0  }
0x18: {  	s0 =	sld [smem:$0x3F9E];
	_ =	swait.ge [sflag:s4], $0x0  }
0x19: {  	s7 =	sld [smem:$0x3F9F]  }
0x1a: {  	s8 =	sadd.s32 $0xFFFFE003, lr  }
0x1b: {  	s9 =	sadd.s32 $0xFFFFFEF7, lr;
	s5 =	simm.s32 $0xFFFFFFFF;
	p2 =	slt.u32 s8, $0xFFFFF086  }
0x1c: {  	p1 =	slt.u32 s9, $0xF7A;
	s5 =	simm.s32 @!p2 $0x0  }
0x1d: {  	s5 =	simm.s32 @p1 $0x1;
	p0 =	seq.s32 s7, s2  }
0x1e: {  	s7 =	smul.u32 @!p0 $0xF7A, s2;
	p2 =	seq.s32 @!p0 s5, $0x0  }
0x1f: {  	s9 =	smul.u32 $0xF7A, s1;
	s8 =	simm.s32 @!p0 $0x1BF5;
	p2 =	por !p2, p0  }
0x20: {  	[sflag:s8] =	ssyncset.s32 @!p0 $0xFFFFF086;
	s6 =	sadd.s32 @!p0 s3, s7;
	s7 =	simm.s32 @!p0 $0x108  }
0x21: {  	s3 =	sadd.s32 s3, s9;
	s6 =	sadd.s32 @!p0 $0x88, s6;
	s7 =	simm.s32 @p2 $0x1082  }
0x22: {  	[simem:s7], [sflag:s8] =	dma.local @!p0 [hbm:s6], $0xF7A  }
0x23: {  	s9 =	sor.u32 $0xD0000000, s2;
	s6 =	simm.s32 $0x108;
	_ =	swait.ge @!p0 [sflag:s8], $0x0  }
0x24: {  	s3 =	sadd.s32 $0x88, s3;
	s6 =	simm.s32 @!p1 $0x1082;
	[sflag:s4] =	ssyncset.s32 $0xFFFFF086  }
0x25: {  	[simem:s6], [sflag:s4] =	dma.local [hbm:s3], $0xF7A  }
0x26: {  	[smem:$0x3F9F] =	sst s1;
	(tag) =	ssettag s2;
	_ =	strace s9  }
0x27: {  	s1 =	sld [smem:$0x3FAF]  }
0x28: {  	s2 =	sld [smem:$0x3FB0]  }
0x29: {  	s4 =	sld [smem:$0x3FB2]  }
0x2a: {  	p0 =	seq.s32 s5, $0x0;
	s5 =	sld [smem:$0x3FB3]  }
0x2b: {  	s6 =	sld [smem:$0x3FB4]  }
0x2c: {  	s7 =	sld [smem:$0x3FB5]  }
0x2d: {  	s3 =	simm.s32 $0x108;
	s8 =	sld [smem:$0x3FB6]  }
0x2e: {  	s3 =	simm.s32 @!p0 $0x1082;
	s9 =	sld [smem:$0x3FB7]  }
0x2f: {  	lr =	sadd.s32 s0, s3;
	s0 =	sld [smem:$0x3FAE]  }
0x30: {  	s3 =	sld [smem:$0x3FB1]  }
0x31: {  	[smem:$0x3FBA] =	sst s10  }
0x32: {  	s10 =	sld [smem:$0x3FB8];
	_ =	sdelay $0x3  }
0x33: {  	p0 =	seq.s32 s10, $0x1;
	s10 =	sld [smem:$0x3FBA];
	_ =	sdelay $0x3  }
0x34: {  	[smem:$0x3FBA] =	sst s10  }
0x35: {  	s10 =	sld [smem:$0x3FB9];
	_ =	sdelay $0x3  }
0x36: {  	p1 =	seq.s32 s10, $0x1;
	s10 =	sld [smem:$0x3FBA];
	_ =	sdelay $0x3  }
0x37: {  	[smem:$0x3FBA] =	sst s10  }
0x38: {  	s10 =	sld [smem:$0x3FBB]  }
0x39: {  	_ = 	snop;
	(pc) =	sbr.ind lr, $3  }
0x3a: {  	_ = 	snop  }
0x3b: {  	_ = 	snop  }
0x3c: {  	p2 =	seq.s32 s10, $0x1;
	s10 =	sld [smem:$0x3FBA]  }
0x3d: {  	_ =	shalt  }
0x3e: {  	_ =	shalt  }
0x3f: {  	_ =	shalt  }
0x40: {  	_ =	shalt  }
0x41: {  	_ =	shalt  }
0x42: {  	_ =	shalt  }
0x43: {  	_ =	shalt  }
0x44: {  	_ =	shalt  }
0x45: {  	_ =	shalt  }
0x46: {  	_ =	shalt  }
0x47: {  	_ =	shalt  }
0x48: {  	_ =	shalt  }
0x49: {  	_ =	shalt  }
0x4a: {  	_ =	shalt  }
0x4b: {  	_ =	shalt  }
0x4c: {  	_ =	shalt  }
0x4d: {  	_ =	shalt  }
0x4e: {  	_ =	shalt  }
0x4f: {  	_ =	shalt  }
0x50: {  	_ =	shalt  }
0x51: {  	_ =	shalt  }
0x52: {  	_ =	shalt  }
0x53: {  	_ =	shalt  }
0x54: {  	_ =	shalt  }
0x55: {  	_ =	shalt  }
0x56: {  	_ =	shalt  }
0x57: {  	_ =	shalt  }
0x58: {  	_ =	shalt  }
0x59: {  	_ =	shalt  }
0x5a: {  	_ =	shalt  }
0x5b: {  	_ =	shalt  }
0x5c: {  	_ =	shalt  }
0x5d: {  	_ =	shalt  }
0x5e: {  	_ =	shalt  }
0x5f: {  	_ =	shalt  }
0x60: {  	_ =	shalt  }
0x61: {  	_ =	shalt  }
0x62: {  	_ =	shalt  }
0x63: {  	_ =	shalt  }
0x64: {  	_ =	shalt  }
0x65: {  	_ =	shalt  }
0x66: {  	_ =	shalt  }
0x67: {  	_ =	shalt  }
0x68: {  	_ =	shalt  }
0x69: {  	_ =	shalt  }
0x6a: {  	_ =	shalt  }
0x6b: {  	_ =	shalt  }
0x6c: {  	_ =	shalt  }
0x6d: {  	_ =	shalt  }
0x6e: {  	_ =	shalt  }
0x6f: {  	_ =	shalt  }
0x70: {  	_ =	shalt  }
0x71: {  	_ =	shalt  }
0x72: {  	_ =	shalt  }
0x73: {  	_ =	shalt  }
0x74: {  	_ =	shalt  }
0x75: {  	_ =	shalt  }
0x76: {  	_ =	shalt  }
0x77: {  	_ =	shalt  }
0x78: {  	_ =	shalt  }
0x79: {  	_ =	shalt  }
0x7a: {  	_ =	shalt  }
0x7b: {  	_ =	shalt  }
0x7c: {  	_ =	shalt  }
0x7d: {  	_ =	shalt  }
0x7e: {  	_ =	shalt  }
0x7f: {  	_ =	shalt  }
0x80: {  	_ =	shalt  }
0x81: {  	_ =	shalt  }
0x82: {  	_ =	shalt  }
0x83: {  	_ =	shalt  }
0x84: {  	_ =	shalt  }
0x85: {  	_ =	shalt  }
0x86: {  	_ =	shalt  }
0x87: {  	_ =	shalt  }
.Lfunc_end0:
.L_simem_size_0:
called_computation_lowered:
.L_overlay_start_0:
0x88: {  	s2 =	sld [smem:$0x3FD9]  }
0x89: {  	s3 =	sld [smem:$0x3FFE];
	_ =	sdelay $0x1  }
0x8a: {  	s1 =	srdreg.scid  }
0x8b: {  	s0 =	sand.u32 $0x1, s1  }
0x8c: {  	s17 =	sshll.u32 s0, $0xA;
	s2 =	sadd.s32 s3, s2  }
0x8d: {  	s2 =	sadd.s32 s2, s17  }
0x8e: {  	[smem:$0x3FC6] =	sst s2  }
0x8f: {  	_ = 	snop  }
0x90: {  	s2 =	sld [smem:$0x3FC8]  }
0x91: {  	s18 =	sld [smem:$0x3FD0];
	(tm) =	ssettm $0x1  }
0x92: {  	s4 =	sld [smem:$0x3FFB];
	_ =	sdelay $0x3  }
0x93: {  	_ =	strace s4  }
0x94: {  	s4 =	sld [smem:$0x3FFC];
	_ =	sdelay $0x3  }
0x95: {  	_ =	strace s4  }
0x96: {  	s4 =	sld [smem:$0x3FFD];
	_ =	sdelay $0x3  }
0x97: {  	_ =	strace s4  }
0x98: {  	_ =	strace $0x8FFFFFFF  }
0x99: {  	s19 =	sld [smem:$0x3FDB];
	_ =	sdelay $0x1  }
0x9a: {  	s5 =	simm.s32 $_scs_section_size  }
0x9b: {  	s6 =	simm.s32 $_size__tile_overlayer_lowered;
	s7 =	simm.s32 $_tile_overlayer_lowered  }
0x9c: {  	s22 =	simm.s32 $0x1BFF;
	s21 =	sshll.u32 s7, $0x1;
	s4 =	sadd.s32 s5, s19  }
0x9d: {  	s8 =	simm.s32 $0x0;
	s20 =	sshll.u32 s6, $0x1;
	s6 =	sadd.s32 s21, s4  }
0x9e: {  	[timem:s8], [sflag:s22] =	dma.local [hbm:s6], s20  }
0x9f: {  	_ =	swait.ge [sflag:s22], s20  }
0xa0: {  	s5 =	ssub.s32 $0x0, s20;
	[sflag:s22] =	ssyncset.done $0x0  }
0xa1: {  	[sflag:s22] =	ssyncadd.s32 s5;
	_ =	sdelay $0x1  }
0xa2: {  	s23 =	simm.s32 $0x1B8B  }
0xa3: {  	_ =	swait.ge [sflag:s23], $0x1  }
0xa4: {  	[sflag:s23] =	ssyncset.done $0x0  }
0xa5: {  	s25 =	simm.s32 $0x1B8E;
	s24 =	sld [smem:$0x3FFE];
	[sflag:s23] =	ssyncadd.s32 $0xFFFFFFFF  }
0xa6: {  	s26 =	simm.s32 $execute0_lowered;
	[smem:$0x3FD2] =	sst s25  }
0xa7: {  	s6 =	sshll.u32 s26, $0x1;
	_ =	strace $0x80000046;
	[dreg:$0x1] =	wrdreg $0xFFFFFFFF  }
0xa8: {  	s28 =	simm.s32 $_size_execute0_lowered;
	s4 =	sadd.s32 s4, s6;
	[dreg:$0x0] =	wrdreg $0x0  }
0xa9: {  	s6 =	sshll.u32 s28, $0x1;
	[dreg:$0x2] =	wrdreg s4  }
0xaa: {  	[dreg:$0x3] =	wrdreg s6  }
0xab: {  	[dreg:$0x4] =	wrdreg $0xC0  }
0xac: {  	_ =	task [dreg:s8], $0x5FFFF  }
0xad: {  	[dreg:$0x1] =	wrdreg $0xFFFFFFFF  }
0xae: {  	[dreg:$0x0] =	wrdreg $0x60  }
0xaf: {  	[dreg:$0x2] =	wrdreg s24  }
0xb0: {  	[dreg:$0x3] =	wrdreg s2  }
0xb1: {  	[dreg:$0x4] =	wrdreg s18  }
0xb2: {  	[dreg:$0x5] =	wrdreg $0x9  }
0xb3: {  	_ =	task.clear_ibuf [dreg:s8], $0x6FFFF;
	_ =	strace $0x90000046  }
0xb4: {  	s29 =	simm.s32 $0x9;
	_ =	strace $0x80000048  }
0xb5: {  	_ =	swait.ge [sflag:s29], $0x1  }
0xb6: {  	[sflag:s29] =	ssyncadd.s32 $0xFFFFFFFF  }
0xb7: {  	_ =	strace $0x90000048  }
0xb8: {  	_ =	sfence  }
0xb9: {  	s30 =	sld [smem:$0x0];
	_ =	sdelay $0x2  }
0xba: {  	s31 =	sshll.u32 s1, $0xD;
	s1 =	sshrl.u32 s1, $0x2  }
0xbb: {  	s3 =	sand.u32 $0x4000, s31;
	s1 =	sadd.s32 s1, s30  }
0xbc: {  	s0 =	sor.u32 s3, s0;
	s1 =	sshll.u32 s1, $0x11  }
0xbd: {  	s0 =	sor.u32 s1, s0  }
0xbe: {  	s0 =	sadd.s32 $0x8F2B, s0  }
0xbf: {  	[sflag:s0] =	ssyncadd.remote.s32 $0x1  }
0xc0: {  	_ =	sfence.sel $0xFFFF  }
0xc1: {  	[dreg:$0x0] =	wrdreg $0xFFFFFFFF;
	(pc) =	sbr.abs _section_cstart, $3  }
0xc2: {  	[dreg:$0x1] =	wrdreg $0xFFFFFFFF  }
0xc3: {  	_ =	task.clear_ibuf [dreg:s8], $0x2FFFF;
	_ =	strace $0x9FFFFFFF  }
0xc4: {  	(tm) =	ssettm $0x7FFFFFFF  }
0xc5: {  	_ =	shalt  }
tec
execute0_lowered:
.L_overlay_start_1:
0x0: {  	(tag) =	ssettag $0x1  }
0x1: {  	s0 =	rddreg [dreg:$0x0]  }
0x2: {  	s1 =	rddreg [dreg:$0x1]  }
0x3: {  	s2 =	rddreg [dreg:$0x2];
	s3 =	srdreg.scid  }
0x4: {  	s4 =	simm.s32 $0x0;
	s6 =	stileid.u32;
	s3 =	sand.u32 $0x1, s3  }
0x5: {  	s6 =	sshll.u32 s6, $0x9;
	s5 =	ssub.s32 $0x2, s3;
	s3 =	sshll.u32 s3, $0x8  }
0x6: {  	[smem:$0x7FF] =	sst s4;
	s8 =	sadd.s32 $0x400, s0;
	s7 =	sor.u32 s3, s6  }
0x7: {  	_ =	strace $0x80000047;
	s26 =	sshrl.u32 s5, $0x1;
	s13 =	sor.u32 $0x62, s7  }
0x8: {  	s10 =	ssub.s32 s5, s26;
	s16 =	sor.u32 $0x92, s7;
	[smem:$0x7FB] =	sst s13  }
0x9: {  	s3 =	sshrl.u32 s7, $0x3;
	s17 =	sor.u32 $0xA2, s7;
	[smem:$0x7FC] =	sst s16  }
0xa: {  	s11 =	sor.u32 $0x2000, s7;
	s3 =	sadd.s32 s8, s3;
	[smem:$0x7FD] =	sst s17  }
0xb: {  	s14 =	sor.u32 $0x4000, s7;
	s25 =	smax.u32 s10, $0x1;
	[dreg:$0x4] =	wrdreg s3  }
0xc: {  	v0 =	vlaneseq.u32;
	s15 =	sor.u32 $0x6000, s7;
	s19 =	sor.u32 $0x52, s7;
	[dreg:$0xc] =	wrdreg s25  }
0xd: {  	s18 =	sor.u32 $0x42, s7;
	s5 =	sshrl.u32 s11, $0x3;
	v6 =	vadd.s32 s19, v0;
	s19 =	sld [smem:$0x7FB]  }
0xe: {  	s6 =	sshrl.u32 s14, $0x3;
	v5 =	vadd.s32 s18, v0;
	s3 =	sadd.s32 s8, s5;
	s18 =	sld [smem:$0x7FC]  }
0xf: {  	s22 =	sshll.u32 s14, $0x7;
	s9 =	sadd.s32 s8, s6;
	[dreg:$0x5] =	wrdreg s3  }
0x10: {  	s12 =	sshrl.u32 s15, $0x3;
	s23 =	sadd.s32 s2, s22;
	[dreg:$0x6] =	wrdreg s9  }
0x11: {  	s21 =	sshll.u32 s11, $0x7;
	s3 =	sadd.s32 s8, s12;
	[dreg:$0xa] =	wrdreg s23  }
0x12: {  	s20 =	sshll.u32 s7, $0x7;
	s8 =	sadd.s32 s2, s21;
	[dreg:$0x7] =	wrdreg s3  }
0x13: {  	s24 =	sshll.u32 s15, $0x7;
	s9 =	sadd.s32 s2, s20;
	[dreg:$0x9] =	wrdreg s8  }
0x14: {  	s28 =	simm.s32 $0x19580;
	s8 =	sadd.s32 s2, s24;
	[dreg:$0x8] =	wrdreg s9  }
0x15: {  	s29 =	simm.s32 $0x19D80;
	s21 =	sadd.s32 $0x1000, s9;
	[dreg:$0xb] =	wrdreg s8  }
0x16: {  	s30 =	simm.s32 $0x1A580;
	s26 =	sadd.s32 $0x101000, s9;
	[dreg:$0xd] =	wrdreg s21  }
0x17: {  	s31 =	simm.s32 $0x1AD80;
	s22 =	sadd.s32 $0x201000, s9;
	[dreg:$0xe] =	wrdreg s26  }
0x18: {  	s0 =	sor.u32 $0x2, s7;
	s23 =	sadd.s32 $0x301000, s9;
	[dreg:$0xf] =	wrdreg s22  }
0x19: {  	s13 =	sor.u32 $0x82, s7;
	s24 =	sadd.s32 $0x2000, s9;
	[dreg:$0x10] =	wrdreg s23  }
0x1a: {  	s11 =	sor.u32 $0xD2, s7;
	s25 =	sadd.s32 $0x102000, s9;
	[dreg:$0x11] =	wrdreg s24  }
0x1b: {  	s10 =	sor.u32 $0xE2, s7;
	s17 =	sor.u32 $0xF2, s7;
	[dreg:$0x12] =	wrdreg s25  }
0x1c: {  	s14 =	sadd.s32 $0x100, s1;
	s26 =	sadd.s32 $0x202000, s9;
	v7 =	vadd.s32 s19, v0;
	s19 =	sld [smem:$0x7FD]  }
0x1d: {  	s15 =	sadd.s32 $0x200, s1;
	s22 =	sadd.s32 $0x302000, s9;
	[dreg:$0x13] =	wrdreg s26  }
0x1e: {  	s16 =	sadd.s32 $0x300, s1;
	s23 =	sadd.s32 $0x3000, s9;
	[dreg:$0x14] =	wrdreg s22  }
0x1f: {  	v1 =	vadd.s32 s0, v0;
	s0 =	simm.s32 $0x1B580;
	s24 =	sadd.s32 $0x103000, s9;
	[dreg:$0x15] =	wrdreg s23  }
0x20: {  	s5 =	sor.u32 $0x22, s7;
	s25 =	sadd.s32 $0x203000, s9;
	[dreg:$0x16] =	wrdreg s24  }
0x21: {  	s6 =	sor.u32 $0x32, s7;
	[dreg:$0x17] =	wrdreg s25;
	s26 =	sadd.s32 $0x303000, s9  }
0x22: {  	v17 =	vimm.s32 $0x1;
	v9 =	vadd.s32 s13, v0;
	s13 =	simm.s32 $0x8580;
	s22 =	sadd.s32 $0x4000, s9;
	[dreg:$0x18] =	wrdreg s26  }
0x23: {  	v20 =	vimm.s32 $0xEFCDAB89;
	v23 =	vimm.s32 $0x67452301;
	v15 =	vadd.s32 s10, v0;
	s10 =	simm.s32 $0x10580;
	s23 =	sadd.s32 $0x104000, s9;
	[dreg:$0x19] =	wrdreg s22  }
0x24: {  	v24 =	vimm.s32 $0xDCFE98BA;
	v26 =	vimm.s32 $0x54761032;
	v16 =	vadd.s32 s17, v0;
	s17 =	simm.s32 $0x4;
	s24 =	sadd.s32 $0x204000, s9;
	[dreg:$0x1a] =	wrdreg s23  }
0x25: {  	v27 =	vimm.s32 $0xBA98FEDC;
	v28 =	vimm.s32 $0x32107654;
	v14 =	vadd.s32 s11, v0;
	s11 =	simm.s32 $0x3;
	s25 =	sadd.s32 $0x304000, s9;
	[dreg:$0x1b] =	wrdreg s24  }
0x26: {  	v29 =	vimm.s32 $0x76543210;
	vm0 =	vmmov $0xffff;
	v18 =	vand.u32 $0x7, v0;
	s12 =	sor.u32 $0x72, s7;
	[dreg:$0x1c] =	wrdreg s25;
	s26 =	sadd.s32 $0x5000, s9  }
0x27: {  	v19 =	vshrl.u32 v0, $0x3;
	v22 =	vunpack.c.l.s4.s8 v20;
	v23 =	vunpack.c.l.s4.s8 v23;
	s20 =	sor.u32 $0xC2, s7;
	s22 =	sadd.s32 $0x105000, s9;
	[dreg:$0x1d] =	wrdreg s26  }
0x28: {  	v24 =	vunpack.c.l.s4.s8 v24;
	v26 =	vunpack.c.l.s4.s8 v26;
	v3 =	vadd.s32 s5, v0;
	s5 =	simm.s32 $0x1;
	s23 =	sadd.s32 $0x205000, s9;
	[dreg:$0x1e] =	wrdreg s22  }
0x29: {  	v27 =	vunpack.c.l.s4.s8 v27;
	v28 =	vunpack.c.l.s4.s8 v28;
	v4 =	vadd.s32 s6, v0;
	s6 =	simm.s32 $0x580;
	s24 =	sadd.s32 $0x305000, s9;
	[dreg:$0x1f] =	wrdreg s23  }
0x2a: {  	v29 =	vunpack.c.l.s4.s8 v29;
	v21 =	vperm.xlane v17, v18;
	v19 =	vmul.u32 $0x8, v19;
	s3 =	sor.u32 $0x12, s7;
	s25 =	sadd.s32 $0x6000, s9;
	[smem:$0x7F2] =	sst s24  }
0x2b: {  	v25 =	vunpack.c.0.s8.s32 v22;
	v23 =	vunpack.c.0.s8.s32 v23;
	v8 =	vadd.s32 s12, v0;
	s12 =	simm.s32 $0x2;
	[smem:$0x7F3] =	sst s25;
	s26 =	sadd.s32 $0x106000, s9  }
0x2c: {  	v22 =	vor.u32 $0x8, v0;
	v24 =	vunpack.c.0.s8.s32 v24;
	v13 =	vadd.s32 s20, v0;
	s20 =	simm.s32 $0x0;
	s22 =	sadd.s32 $0x206000, s9;
	[smem:$0x7F4] =	sst s26  }
0x2d: {  	v26 =	vunpack.c.0.s8.s32 v26;
	v23 =	vcombine.low v23, v25;
	v25 =	vimm.s32 $0xFEDCBA98;
	s8 =	sor.u32 $0xB2, s7;
	s23 =	sadd.s32 $0x306000, s9;
	[smem:$0x7F5] =	sst s22  }
0x2e: {  	v27 =	vunpack.c.0.s8.s32 v27;
	v28 =	vunpack.c.0.s8.s32 v28;
	v25 =	vunpack.c.l.s4.s8 v25;
	s21 =	sadd.s32 $0x100, s2;
	s24 =	sadd.s32 $0x7000, s9;
	[smem:$0x7F6] =	sst s23  }
0x2f: {  	v24 =	vcombine.low v26, v24;
	v26 =	vperm.xlane v17, v22;
	v2 =	vadd.s32 s3, v0;
	s3 =	simm.s32 $0x1BD80;
	s25 =	sadd.s32 $0x107000, s9;
	[smem:$0x7F7] =	sst s24  }
0x30: {  	v30 =	vunpack.c.0.s8.s32 v25;
	v10 =	vadd.s32 s18, v0;
	s18 =	simm.s32 $0x5;
	v11 =	vadd.s32 s19, v0;
	s19 =	simm.s32 $0x6;
	[smem:$0x7F8] =	sst s25  }
0x31: {  	v29 =	vunpack.c.0.s8.s32 v29;
	v20 =	vmov s7;
	v21 =	vadd.s32 v19, v21;
	s26 =	sadd.s32 $0x207000, s9;
	s9 =	sadd.s32 $0x307000, s9;
	s22 =	sadd.s32 $0x200, s2  }
0x32: {  	v25 =	vadd.s32 v19, v26;
	v26 =	vcombine.low v28, v27;
	v30 =	vand.u32 $0xF, v30;
	s23 =	sadd.s32 $0x300, s2;
	s24 =	simm.s32 $0x7;
	[smem:$0x7F9] =	sst s26  }
0x33: {  	v27 =	vimm.s32 $0x0;
	v12 =	vadd.s32 s8, v0;
	v28 =	vcombine.low v30, v29;
	s25 =	simm.s32 $0x18580;
	[smem:$0x7FA] =	sst s9;
	s26 =	simm.s32 $0x18D80  }
.LBB2_1:
0x34: {  	s7 =	rddreg [dreg:$0x4]  }
0x35: {  	[tilespmem:s4], [sflag:$0x7] =	stream.linear.gather [hbm4b:s7+s4], $0x100, $0x38;
	[tilespmem:$0x1C580] =	vst v63  }
0x36: {  	_ =	swait.ge [sflag:s24], $0x100  }
0x37: {  	[sflag:s24] =	ssyncset.done $0x0  }
0x38: {  	s8 =	simm.s32 $0x100;
	s9 =	rddreg [dreg:$0x5];
	[sflag:s24] =	ssyncadd.s32 $0xFFFFFF00  }
0x39: {  	[tilespmem:s8], [sflag:$0x7] =	stream.linear.gather [hbm4b:s9+s4], $0x100, $0x38;
	[tilespmem:$0x1C580] =	vst v63  }
0x3a: {  	_ =	swait.ge [sflag:s24], $0x100  }
0x3b: {  	[sflag:s24] =	ssyncset.done $0x0  }
0x3c: {  	s9 =	simm.s32 $0x200;
	s8 =	rddreg [dreg:$0x6];
	[sflag:s24] =	ssyncadd.s32 $0xFFFFFF00  }
0x3d: {  	[tilespmem:s9], [sflag:$0x7] =	stream.linear.gather [hbm4b:s8+s4], $0x100, $0x38;
	[tilespmem:$0x1C580] =	vst v63  }
0x3e: {  	_ =	swait.ge [sflag:s24], $0x100  }
0x3f: {  	[sflag:s24] =	ssyncset.done $0x0  }
0x40: {  	s9 =	simm.s32 $0x300;
	s8 =	rddreg [dreg:$0x7];
	[sflag:s24] =	ssyncadd.s32 $0xFFFFFF00  }
0x41: {  	[tilespmem:s9], [sflag:$0x7] =	stream.linear.gather [hbm4b:s8+s4], $0x100, $0x38;
	[tilespmem:$0x1C580] =	vst v63  }
0x42: {  	_ =	swait.ge [sflag:s24], $0x100  }
0x43: {  	[sflag:s24] =	ssyncset.done $0x0  }
0x44: {  	[sflag:s24] =	ssyncadd.s32 $0xFFFFFF00  }
0x45: {  	[tilespmem:$0x400] =	vst v1  }
0x46: {  	[tilespmem:$0x410] =	vst v2  }
0x47: {  	[tilespmem:$0x420] =	vst v3  }
0x48: {  	[tilespmem:$0x430] =	vst v4  }
0x49: {  	[tilespmem:$0x440] =	vst v5  }
0x4a: {  	[tilespmem:$0x450] =	vst v6  }
0x4b: {  	[tilespmem:$0x460] =	vst v7  }
0x4c: {  	[tilespmem:$0x470] =	vst v8  }
0x4d: {  	[tilespmem:$0x480] =	vst v9  }
0x4e: {  	[tilespmem:$0x490] =	vst v10  }
0x4f: {  	[tilespmem:$0x4A0] =	vst v11  }
0x50: {  	[tilespmem:$0x4B0] =	vst v12  }
0x51: {  	[tilespmem:$0x4C0] =	vst v13  }
0x52: {  	[tilespmem:$0x4D0] =	vst v14  }
0x53: {  	[tilespmem:$0x4E0] =	vst v15  }
0x54: {  	[tilespmem:$0x4F0] =	vst v16  }
0x55: {  	[tilespmem:$0x500] =	vst v17  }
0x56: {  	[tilespmem:s25], [sflag:$0x1] =	stream.indirect_vreg.gather [hbm4b:s1+s4], $0x80, v21, vm0, $0xb8;
	[tilespmem:$0x1C580] =	vst v63  }
0x57: {  	_ = 	snop  }
0x58: {  	[tilespmem:s26], [sflag:$0x1] =	stream.indirect_vreg.gather [hbm4b:s14+s4], $0x80, v21, vm0, $0xb8;
	[tilespmem:$0x1C580] =	vst v63  }
0x59: {  	_ = 	snop  }
0x5a: {  	[tilespmem:s28], [sflag:$0x1] =	stream.indirect_vreg.gather [hbm4b:s15+s4], $0x80, v21, vm0, $0xb8;
	[tilespmem:$0x1C580] =	vst v63  }
0x5b: {  	_ = 	snop  }
0x5c: {  	[tilespmem:s29], [sflag:$0x1] =	stream.indirect_vreg.gather [hbm4b:s16+s4], $0x80, v21, vm0, $0xb8;
	[tilespmem:$0x1C580] =	vst v63  }
0x5d: {  	_ = 	snop  }
0x5e: {  	[tilespmem:s30], [sflag:$0x1] =	stream.indirect_vreg.gather [hbm4b:s1+s4], $0x80, v25, vm0, $0xb8;
	[tilespmem:$0x1C580] =	vst v63  }
0x5f: {  	_ = 	snop  }
0x60: {  	[tilespmem:s31], [sflag:$0x1] =	stream.indirect_vreg.gather [hbm4b:s14+s4], $0x80, v25, vm0, $0xb8;
	[tilespmem:$0x1C580] =	vst v63  }
0x61: {  	_ = 	snop  }
0x62: {  	[tilespmem:s0], [sflag:$0x1] =	stream.indirect_vreg.gather [hbm4b:s15+s4], $0x80, v25, vm0, $0xb8;
	[tilespmem:$0x1C580] =	vst v63  }
0x63: {  	_ = 	snop  }
0x64: {  	[tilespmem:s3], [sflag:$0x1] =	stream.indirect_vreg.gather [hbm4b:s16+s4], $0x80, v25, vm0, $0xb8;
	[tilespmem:$0x1C580] =	vst v63  }
0x65: {  	_ =	swait.ge [sflag:s5], $0x4000  }
0x66: {  	[sflag:s5] =	ssyncset.done $0x0  }
0x67: {  	[sflag:s5] =	ssyncadd.s32 $0xFFFFC000  }
0x68: {  	v29 =	vld [tilespmem:$0x400];
	_ =	sdelay $0x4  }
0x69: {  	v30 =	vshll.u32 v29, $0x3  }
0x6a: {  	v29 =	vand.u32 $0x7, v29;
	v30 =	vand.u32 $0xFFFFFFC0, v30  }
0x6b: {  	v29 =	vor.u32 v29, v30  }
0x6c: {  	v30 =	vperm.xlane v29, v18;
	_ =	sdelay $0x1  }
0x6d: {  	v30 =	vadd.s32 v19, v30;
	_ =	sdelay $0x4  }
0x6e: {  	[tilespmem:s6], [sflag:$0x1] =	stream.indirect_vreg.gather [hbm4b:s1+s4], $0x80, v30, vm0, $0xb8;
	[tilespmem:$0x1C580] =	vst v63  }
0x6f: {  	s9 =	simm.s32 $0xD80;
	v29 =	vperm.xlane v29, v22  }
0x70: {  	[tilespmem:s9], [sflag:$0x1] =	stream.indirect_vreg.gather [hbm4b:s14+s4], $0x80, v30, vm0, $0xb8;
	[tilespmem:$0x1C580] =	vst v63  }
0x71: {  	s8 =	simm.s32 $0x1580;
	v29 =	vadd.s32 v19, v29  }
0x72: {  	[tilespmem:s8], [sflag:$0x1] =	stream.indirect_vreg.gather [hbm4b:s15+s4], $0x80, v30, vm0, $0xb8;
	[tilespmem:$0x1C580] =	vst v63  }
0x73: {  	s9 =	simm.s32 $0x1D80  }
0x74: {  	[tilespmem:s9], [sflag:$0x1] =	stream.indirect_vreg.gather [hbm4b:s16+s4], $0x80, v30, vm0, $0xb8;
	[tilespmem:$0x1C580] =	vst v63  }
0x75: {  	s8 =	simm.s32 $0x2580  }
0x76: {  	[tilespmem:s8], [sflag:$0x1] =	stream.indirect_vreg.gather [hbm4b:s1+s4], $0x80, v29, vm0, $0xb8;
	[tilespmem:$0x1C580] =	vst v63  }
0x77: {  	s9 =	simm.s32 $0x2D80  }
0x78: {  	[tilespmem:s9], [sflag:$0x1] =	stream.indirect_vreg.gather [hbm4b:s14+s4], $0x80, v29, vm0, $0xb8;
	[tilespmem:$0x1C580] =	vst v63  }
0x79: {  	s8 =	simm.s32 $0x3580  }
0x7a: {  	[tilespmem:s8], [sflag:$0x1] =	stream.indirect_vreg.gather [hbm4b:s15+s4], $0x80, v29, vm0, $0xb8;
	[tilespmem:$0x1C580] =	vst v63  }
0x7b: {  	s9 =	simm.s32 $0x3D80  }
0x7c: {  	[tilespmem:s9], [sflag:$0x1] =	stream.indirect_vreg.gather [hbm4b:s16+s4], $0x80, v29, vm0, $0xb8;
	[tilespmem:$0x1C580] =	vst v63  }
0x7d: {  	v29 =	vld [tilespmem:$0x410];
	_ =	sdelay $0x4  }
0x7e: {  	v30 =	vshll.u32 v29, $0x3  }
0x7f: {  	v29 =	vand.u32 $0x7, v29;
	v30 =	vand.u32 $0xFFFFFFC0, v30  }
0x80: {  	v29 =	vor.u32 v29, v30  }
0x81: {  	v30 =	vperm.xlane v29, v18;
	_ =	sdelay $0x1  }
0x82: {  	v30 =	vadd.s32 v19, v30;
	_ =	sdelay $0x3  }
0x83: {  	s8 =	simm.s32 $0x4580  }
0x84: {  	[tilespmem:s8], [sflag:$0x1] =	stream.indirect_vreg.gather [hbm4b:s1+s4], $0x80, v30, vm0, $0xb8;
	[tilespmem:$0x1C580] =	vst v63  }
0x85: {  	s9 =	simm.s32 $0x4D80;
	v29 =	vperm.xlane v29, v22  }
0x86: {  	[tilespmem:s9], [sflag:$0x1] =	stream.indirect_vreg.gather [hbm4b:s14+s4], $0x80, v30, vm0, $0xb8;
	[tilespmem:$0x1C580] =	vst v63  }
0x87: {  	v29 =	vadd.s32 v19, v29;
	s8 =	simm.s32 $0x5580  }
0x88: {  	[tilespmem:s8], [sflag:$0x1] =	stream.indirect_vreg.gather [hbm4b:s15+s4], $0x80, v30, vm0, $0xb8;
	[tilespmem:$0x1C580] =	vst v63  }
0x89: {  	s9 =	simm.s32 $0x5D80  }
0x8a: {  	[tilespmem:s9], [sflag:$0x1] =	stream.indirect_vreg.gather [hbm4b:s16+s4], $0x80, v30, vm0, $0xb8;
	[tilespmem:$0x1C580] =	vst v63  }
0x8b: {  	s8 =	simm.s32 $0x6580  }
0x8c: {  	[tilespmem:s8], [sflag:$0x1] =	stream.indirect_vreg.gather [hbm4b:s1+s4], $0x80, v29, vm0, $0xb8;
	[tilespmem:$0x1C580] =	vst v63  }
0x8d: {  	s9 =	simm.s32 $0x6D80  }
0x8e: {  	[tilespmem:s9], [sflag:$0x1] =	stream.indirect_vreg.gather [hbm4b:s14+s4], $0x80, v29, vm0, $0xb8;
	[tilespmem:$0x1C580] =	vst v63  }
0x8f: {  	s8 =	simm.s32 $0x7580  }
0x90: {  	[tilespmem:s8], [sflag:$0x1] =	stream.indirect_vreg.gather [hbm4b:s15+s4], $0x80, v29, vm0, $0xb8;
	[tilespmem:$0x1C580] =	vst v63  }
0x91: {  	s9 =	simm.s32 $0x7D80  }
0x92: {  	[tilespmem:s9], [sflag:$0x1] =	stream.indirect_vreg.gather [hbm4b:s16+s4], $0x80, v29, vm0, $0xb8;
	[tilespmem:$0x1C580] =	vst v63  }
0x93: {  	v29 =	vld [tilespmem:$0x420];
	_ =	sdelay $0x4  }
0x94: {  	v30 =	vshll.u32 v29, $0x3  }
0x95: {  	v29 =	vand.u32 $0x7, v29;
	v30 =	vand.u32 $0xFFFFFFC0, v30  }
0x96: {  	v29 =	vor.u32 v29, v30  }
0x97: {  	v30 =	vperm.xlane v29, v18;
	_ =	sdelay $0x1  }
0x98: {  	v30 =	vadd.s32 v19, v30;
	_ =	sdelay $0x4  }
0x99: {  	[tilespmem:s13], [sflag:$0x2] =	stream.indirect_vreg.gather [hbm4b:s1+s4], $0x80, v30, vm0, $0xb8;
	[tilespmem:$0x1C580] =	vst v63  }
0x9a: {  	s8 =	simm.s32 $0x8D80;
	v29 =	vperm.xlane v29, v22  }
0x9b: {  	[tilespmem:s8], [sflag:$0x2] =	stream.indirect_vreg.gather [hbm4b:s14+s4], $0x80, v30, vm0, $0xb8;
	[tilespmem:$0x1C580] =	vst v63  }
0x9c: {  	s9 =	simm.s32 $0x9580;
	v29 =	vadd.s32 v19, v29  }
0x9d: {  	[tilespmem:s9], [sflag:$0x2] =	stream.indirect_vreg.gather [hbm4b:s15+s4], $0x80, v30, vm0, $0xb8;
	[tilespmem:$0x1C580] =	vst v63  }
0x9e: {  	s8 =	simm.s32 $0x9D80  }
0x9f: {  	[tilespmem:s8], [sflag:$0x2] =	stream.indirect_vreg.gather [hbm4b:s16+s4], $0x80, v30, vm0, $0xb8;
	[tilespmem:$0x1C580] =	vst v63  }
0xa0: {  	s9 =	simm.s32 $0xA580  }
0xa1: {  	[tilespmem:s9], [sflag:$0x2] =	stream.indirect_vreg.gather [hbm4b:s1+s4], $0x80, v29, vm0, $0xb8;
	[tilespmem:$0x1C580] =	vst v63  }
0xa2: {  	s8 =	simm.s32 $0xAD80  }
0xa3: {  	[tilespmem:s8], [sflag:$0x2] =	stream.indirect_vreg.gather [hbm4b:s14+s4], $0x80, v29, vm0, $0xb8;
	[tilespmem:$0x1C580] =	vst v63  }
0xa4: {  	s9 =	simm.s32 $0xB580  }
0xa5: {  	[tilespmem:s9], [sflag:$0x2] =	stream.indirect_vreg.gather [hbm4b:s15+s4], $0x80, v29, vm0, $0xb8;
	[tilespmem:$0x1C580] =	vst v63  }
0xa6: {  	s8 =	simm.s32 $0xBD80  }
0xa7: {  	[tilespmem:s8], [sflag:$0x2] =	stream.indirect_vreg.gather [hbm4b:s16+s4], $0x80, v29, vm0, $0xb8;
	[tilespmem:$0x1C580] =	vst v63  }
0xa8: {  	v29 =	vld [tilespmem:$0x430];
	_ =	sdelay $0x4  }
0xa9: {  	v30 =	vshll.u32 v29, $0x3  }
0xaa: {  	v29 =	vand.u32 $0x7, v29;
	v30 =	vand.u32 $0xFFFFFFC0, v30  }
0xab: {  	v29 =	vor.u32 v29, v30  }
0xac: {  	v30 =	vperm.xlane v29, v18;
	_ =	sdelay $0x1  }
0xad: {  	v30 =	vadd.s32 v19, v30;
	_ =	sdelay $0x3  }
0xae: {  	s9 =	simm.s32 $0xC580  }
0xaf: {  	[tilespmem:s9], [sflag:$0x2] =	stream.indirect_vreg.gather [hbm4b:s1+s4], $0x80, v30, vm0, $0xb8;
	[tilespmem:$0x1C580] =	vst v63  }
0xb0: {  	s8 =	simm.s32 $0xCD80;
	v29 =	vperm.xlane v29, v22  }
0xb1: {  	[tilespmem:s8], [sflag:$0x2] =	stream.indirect_vreg.gather [hbm4b:s14+s4], $0x80, v30, vm0, $0xb8;
	[tilespmem:$0x1C580] =	vst v63  }
0xb2: {  	v29 =	vadd.s32 v19, v29;
	s9 =	simm.s32 $0xD580  }
0xb3: {  	[tilespmem:s9], [sflag:$0x2] =	stream.indirect_vreg.gather [hbm4b:s15+s4], $0x80, v30, vm0, $0xb8;
	[tilespmem:$0x1C580] =	vst v63  }
0xb4: {  	s8 =	simm.s32 $0xDD80  }
0xb5: {  	[tilespmem:s8], [sflag:$0x2] =	stream.indirect_vreg.gather [hbm4b:s16+s4], $0x80, v30, vm0, $0xb8;
	[tilespmem:$0x1C580] =	vst v63  }
0xb6: {  	s9 =	simm.s32 $0xE580  }
0xb7: {  	[tilespmem:s9], [sflag:$0x2] =	stream.indirect_vreg.gather [hbm4b:s1+s4], $0x80, v29, vm0, $0xb8;
	[tilespmem:$0x1C580] =	vst v63  }
0xb8: {  	s8 =	simm.s32 $0xED80  }
0xb9: {  	[tilespmem:s8], [sflag:$0x2] =	stream.indirect_vreg.gather [hbm4b:s14+s4], $0x80, v29, vm0, $0xb8;
	[tilespmem:$0x1C580] =	vst v63  }
0xba: {  	s9 =	simm.s32 $0xF580  }
0xbb: {  	[tilespmem:s9], [sflag:$0x2] =	stream.indirect_vreg.gather [hbm4b:s15+s4], $0x80, v29, vm0, $0xb8;
	[tilespmem:$0x1C580] =	vst v63  }
0xbc: {  	s8 =	simm.s32 $0xFD80  }
0xbd: {  	[tilespmem:s8], [sflag:$0x2] =	stream.indirect_vreg.gather [hbm4b:s16+s4], $0x80, v29, vm0, $0xb8;
	[tilespmem:$0x1C580] =	vst v63  }
0xbe: {  	v29 =	vld [tilespmem:$0x440];
	_ =	sdelay $0x4  }
0xbf: {  	v30 =	vshll.u32 v29, $0x3  }
0xc0: {  	v29 =	vand.u32 $0x7, v29;
	v30 =	vand.u32 $0xFFFFFFC0, v30  }
0xc1: {  	v29 =	vor.u32 v29, v30  }
0xc2: {  	v30 =	vperm.xlane v29, v18;
	_ =	sdelay $0x1  }
0xc3: {  	v30 =	vadd.s32 v19, v30;
	_ =	sdelay $0x4  }
0xc4: {  	[tilespmem:s10], [sflag:$0x3] =	stream.indirect_vreg.gather [hbm4b:s1+s4], $0x80, v30, vm0, $0xb8;
	[tilespmem:$0x1C580] =	vst v63  }
0xc5: {  	s8 =	simm.s32 $0x10D80;
	v29 =	vperm.xlane v29, v22  }
0xc6: {  	[tilespmem:s8], [sflag:$0x3] =	stream.indirect_vreg.gather [hbm4b:s14+s4], $0x80, v30, vm0, $0xb8;
	[tilespmem:$0x1C580] =	vst v63  }
0xc7: {  	s9 =	simm.s32 $0x11580;
	v29 =	vadd.s32 v19, v29  }
0xc8: {  	[tilespmem:s9], [sflag:$0x3] =	stream.indirect_vreg.gather [hbm4b:s15+s4], $0x80, v30, vm0, $0xb8;
	[tilespmem:$0x1C580] =	vst v63  }
0xc9: {  	s7 =	simm.s32 $0x11D80  }
0xca: {  	[tilespmem:s7], [sflag:$0x3] =	stream.indirect_vreg.gather [hbm4b:s16+s4], $0x80, v30, vm0, $0xb8;
	[tilespmem:$0x1C580] =	vst v63  }
0xcb: {  	s7 =	simm.s32 $0x12580  }
0xcc: {  	[tilespmem:s7], [sflag:$0x3] =	stream.indirect_vreg.gather [hbm4b:s1+s4], $0x80, v29, vm0, $0xb8;
	[tilespmem:$0x1C580] =	vst v63  }
0xcd: {  	s7 =	simm.s32 $0x12D80  }
0xce: {  	[tilespmem:s7], [sflag:$0x3] =	stream.indirect_vreg.gather [hbm4b:s14+s4], $0x80, v29, vm0, $0xb8;
	[tilespmem:$0x1C580] =	vst v63  }
0xcf: {  	s7 =	simm.s32 $0x13580  }
0xd0: {  	[tilespmem:s7], [sflag:$0x3] =	stream.indirect_vreg.gather [hbm4b:s15+s4], $0x80, v29, vm0, $0xb8;
	[tilespmem:$0x1C580] =	vst v63  }
0xd1: {  	s7 =	simm.s32 $0x13D80  }
0xd2: {  	[tilespmem:s7], [sflag:$0x3] =	stream.indirect_vreg.gather [hbm4b:s16+s4], $0x80, v29, vm0, $0xb8;
	[tilespmem:$0x1C580] =	vst v63  }
0xd3: {  	v29 =	vld [tilespmem:$0x450];
	_ =	sdelay $0x4  }
0xd4: {  	v30 =	vshll.u32 v29, $0x3  }
0xd5: {  	v29 =	vand.u32 $0x7, v29;
	v30 =	vand.u32 $0xFFFFFFC0, v30  }
0xd6: {  	v29 =	vor.u32 v29, v30  }
0xd7: {  	v30 =	vperm.xlane v29, v18;
	_ =	sdelay $0x1  }
0xd8: {  	v30 =	vadd.s32 v19, v30;
	_ =	sdelay $0x3  }
0xd9: {  	s7 =	simm.s32 $0x14580  }
0xda: {  	[tilespmem:s7], [sflag:$0x3] =	stream.indirect_vreg.gather [hbm4b:s1+s4], $0x80, v30, vm0, $0xb8;
	[tilespmem:$0x1C580] =	vst v63  }
0xdb: {  	v29 =	vperm.xlane v29, v22;
	s7 =	simm.s32 $0x14D80  }
0xdc: {  	[tilespmem:s7], [sflag:$0x3] =	stream.indirect_vreg.gather [hbm4b:s14+s4], $0x80, v30, vm0, $0xb8;
	[tilespmem:$0x1C580] =	vst v63  }
0xdd: {  	v29 =	vadd.s32 v19, v29;
	s7 =	simm.s32 $0x15580  }
0xde: {  	[tilespmem:s7], [sflag:$0x3] =	stream.indirect_vreg.gather [hbm4b:s15+s4], $0x80, v30, vm0, $0xb8;
	[tilespmem:$0x1C580] =	vst v63  }
0xdf: {  	s7 =	simm.s32 $0x15D80  }
0xe0: {  	[tilespmem:s7], [sflag:$0x3] =	stream.indirect_vreg.gather [hbm4b:s16+s4], $0x80, v30, vm0, $0xb8;
	[tilespmem:$0x1C580] =	vst v63  }
0xe1: {  	s7 =	simm.s32 $0x16580  }
0xe2: {  	[tilespmem:s7], [sflag:$0x3] =	stream.indirect_vreg.gather [hbm4b:s1+s4], $0x80, v29, vm0, $0xb8;
	[tilespmem:$0x1C580] =	vst v63  }
0xe3: {  	s7 =	simm.s32 $0x16D80  }
0xe4: {  	[tilespmem:s7], [sflag:$0x3] =	stream.indirect_vreg.gather [hbm4b:s14+s4], $0x80, v29, vm0, $0xb8;
	[tilespmem:$0x1C580] =	vst v63  }
0xe5: {  	s7 =	simm.s32 $0x17580  }
0xe6: {  	[tilespmem:s7], [sflag:$0x3] =	stream.indirect_vreg.gather [hbm4b:s15+s4], $0x80, v29, vm0, $0xb8;
	[tilespmem:$0x1C580] =	vst v63  }
0xe7: {  	s7 =	simm.s32 $0x17D80  }
0xe8: {  	[tilespmem:s7], [sflag:$0x3] =	stream.indirect_vreg.gather [hbm4b:s16+s4], $0x80, v29, vm0, $0xb8;
	[tilespmem:$0x1C580] =	vst v63  }
0xe9: {  	_ =	swait.ge [sflag:s5], $0x8000  }
0xea: {  	[sflag:s5] =	ssyncset.done $0x0  }
0xeb: {  	s7 =	rddreg [dreg:$0x8];
	[sflag:s5] =	ssyncadd.s32 $0xFFFF8000  }
0xec: {  	[hbm4b:s7+s4] =	stream.linear.scatter [tilespmem:s6], [sflag:$0x4], $0x8000, $0x38;
	[tilespmem:$0x1C580] =	vst v63  }
0xed: {  	s7 =	rddreg [dreg:$0x9]  }
0xee: {  	[hbm4b:s7+s4] =	stream.linear.scatter [tilespmem:s6], [sflag:$0x4], $0x8000, $0x38;
	[tilespmem:$0x1C580] =	vst v63  }
0xef: {  	s7 =	rddreg [dreg:$0xa]  }
0xf0: {  	[hbm4b:s7+s4] =	stream.linear.scatter [tilespmem:s6], [sflag:$0x4], $0x8000, $0x38;
	[tilespmem:$0x1C580] =	vst v63  }
0xf1: {  	s7 =	rddreg [dreg:$0xb]  }
0xf2: {  	[hbm4b:s7+s4] =	stream.linear.scatter [tilespmem:s6], [sflag:$0x4], $0x8000, $0x38;
	[tilespmem:$0x1C580] =	vst v63  }
0xf3: {  	_ =	swait.ge [sflag:s12], $0x8000  }
0xf4: {  	[sflag:s12] =	ssyncset.done $0x0  }
0xf5: {  	s7 =	rddreg [dreg:$0xd];
	[sflag:s12] =	ssyncadd.s32 $0xFFFF8000  }
0xf6: {  	[hbm4b:s7+s4] =	stream.linear.scatter [tilespmem:s13], [sflag:$0x5], $0x8000, $0x38;
	[tilespmem:$0x1C580] =	vst v63  }
0xf7: {  	s7 =	rddreg [dreg:$0xe]  }
0xf8: {  	[hbm4b:s7+s4] =	stream.linear.scatter [tilespmem:s13], [sflag:$0x5], $0x8000, $0x38;
	[tilespmem:$0x1C580] =	vst v63  }
0xf9: {  	s7 =	rddreg [dreg:$0xf]  }
0xfa: {  	[hbm4b:s7+s4] =	stream.linear.scatter [tilespmem:s13], [sflag:$0x5], $0x8000, $0x38;
	[tilespmem:$0x1C580] =	vst v63  }
0xfb: {  	s7 =	rddreg [dreg:$0x10]  }
0xfc: {  	[hbm4b:s7+s4] =	stream.linear.scatter [tilespmem:s13], [sflag:$0x5], $0x8000, $0x38;
	[tilespmem:$0x1C580] =	vst v63  }
0xfd: {  	_ =	swait.ge [sflag:s11], $0x8000  }
0xfe: {  	[sflag:s11] =	ssyncset.done $0x0  }
0xff: {  	s7 =	rddreg [dreg:$0x11];
	[sflag:s11] =	ssyncadd.s32 $0xFFFF8000  }
0x100: {  	[hbm4b:s7+s4] =	stream.linear.scatter [tilespmem:s10], [sflag:$0x6], $0x8000, $0x38;
	[tilespmem:$0x1C580] =	vst v63  }
0x101: {  	s7 =	rddreg [dreg:$0x12]  }
0x102: {  	[hbm4b:s7+s4] =	stream.linear.scatter [tilespmem:s10], [sflag:$0x6], $0x8000, $0x38;
	[tilespmem:$0x1C580] =	vst v63  }
0x103: {  	s7 =	rddreg [dreg:$0x13]  }
0x104: {  	[hbm4b:s7+s4] =	stream.linear.scatter [tilespmem:s10], [sflag:$0x6], $0x8000, $0x38;
	[tilespmem:$0x1C580] =	vst v63  }
0x105: {  	s7 =	rddreg [dreg:$0x14]  }
0x106: {  	[hbm4b:s7+s4] =	stream.linear.scatter [tilespmem:s10], [sflag:$0x6], $0x8000, $0x38;
	[tilespmem:$0x1C580] =	vst v63  }
0x107: {  	_ =	swait.ge [sflag:s17], $0x8000  }
0x108: {  	[sflag:s17] =	ssyncset.done $0x0  }
0x109: {  	[sflag:s17] =	ssyncadd.s32 $0xFFFF8000  }
0x10a: {  	_ =	swait.ge [sflag:s17], $0x8000  }
0x10b: {  	[sflag:s17] =	ssyncset.done $0x0  }
0x10c: {  	[sflag:s17] =	ssyncadd.s32 $0xFFFF8000  }
0x10d: {  	_ =	swait.ge [sflag:s17], $0x8000  }
0x10e: {  	[sflag:s17] =	ssyncset.done $0x0  }
0x10f: {  	[sflag:s17] =	ssyncadd.s32 $0xFFFF8000  }
0x110: {  	_ =	swait.ge [sflag:s17], $0x8000  }
0x111: {  	[sflag:s17] =	ssyncset.done $0x0  }
0x112: {  	[sflag:s17] =	ssyncadd.s32 $0xFFFF8000  }
0x113: {  	v29 =	vld [tilespmem:$0x460];
	_ =	sdelay $0x4  }
0x114: {  	v30 =	vshll.u32 v29, $0x3  }
0x115: {  	v29 =	vand.u32 $0x7, v29;
	v30 =	vand.u32 $0xFFFFFFC0, v30  }
0x116: {  	v29 =	vor.u32 v29, v30  }
0x117: {  	v30 =	vperm.xlane v29, v18;
	_ =	sdelay $0x1  }
0x118: {  	v30 =	vadd.s32 v19, v30;
	_ =	sdelay $0x4  }
0x119: {  	[tilespmem:s6], [sflag:$0x1] =	stream.indirect_vreg.gather [hbm4b:s1+s4], $0x80, v30, vm0, $0xb8;
	[tilespmem:$0x1C580] =	vst v63  }
0x11a: {  	s7 =	simm.s32 $0xD80;
	v29 =	vperm.xlane v29, v22  }
0x11b: {  	[tilespmem:s7], [sflag:$0x1] =	stream.indirect_vreg.gather [hbm4b:s14+s4], $0x80, v30, vm0, $0xb8;
	[tilespmem:$0x1C580] =	vst v63  }
0x11c: {  	v29 =	vadd.s32 v19, v29;
	s7 =	simm.s32 $0x1580  }
0x11d: {  	[tilespmem:s7], [sflag:$0x1] =	stream.indirect_vreg.gather [hbm4b:s15+s4], $0x80, v30, vm0, $0xb8;
	[tilespmem:$0x1C580] =	vst v63  }
0x11e: {  	s7 =	simm.s32 $0x1D80  }
0x11f: {  	[tilespmem:s7], [sflag:$0x1] =	stream.indirect_vreg.gather [hbm4b:s16+s4], $0x80, v30, vm0, $0xb8;
	[tilespmem:$0x1C580] =	vst v63  }
0x120: {  	s7 =	simm.s32 $0x2580  }
0x121: {  	[tilespmem:s7], [sflag:$0x1] =	stream.indirect_vreg.gather [hbm4b:s1+s4], $0x80, v29, vm0, $0xb8;
	[tilespmem:$0x1C580] =	vst v63  }
0x122: {  	s7 =	simm.s32 $0x2D80  }
0x123: {  	[tilespmem:s7], [sflag:$0x1] =	stream.indirect_vreg.gather [hbm4b:s14+s4], $0x80, v29, vm0, $0xb8;
	[tilespmem:$0x1C580] =	vst v63  }
0x124: {  	s7 =	simm.s32 $0x3580  }
0x125: {  	[tilespmem:s7], [sflag:$0x1] =	stream.indirect_vreg.gather [hbm4b:s15+s4], $0x80, v29, vm0, $0xb8;
	[tilespmem:$0x1C580] =	vst v63  }
0x126: {  	s7 =	simm.s32 $0x3D80  }
0x127: {  	[tilespmem:s7], [sflag:$0x1] =	stream.indirect_vreg.gather [hbm4b:s16+s4], $0x80, v29, vm0, $0xb8;
	[tilespmem:$0x1C580] =	vst v63  }
0x128: {  	v29 =	vld [tilespmem:$0x470];
	_ =	sdelay $0x4  }
0x129: {  	v30 =	vshll.u32 v29, $0x3  }
0x12a: {  	v29 =	vand.u32 $0x7, v29;
	v30 =	vand.u32 $0xFFFFFFC0, v30  }
0x12b: {  	v29 =	vor.u32 v29, v30  }
0x12c: {  	v30 =	vperm.xlane v29, v18;
	_ =	sdelay $0x1  }
0x12d: {  	v30 =	vadd.s32 v19, v30;
	_ =	sdelay $0x3  }
0x12e: {  	s7 =	simm.s32 $0x4580  }
0x12f: {  	[tilespmem:s7], [sflag:$0x1] =	stream.indirect_vreg.gather [hbm4b:s1+s4], $0x80, v30, vm0, $0xb8;
	[tilespmem:$0x1C580] =	vst v63  }
0x130: {  	v29 =	vperm.xlane v29, v22;
	s7 =	simm.s32 $0x4D80  }
0x131: {  	[tilespmem:s7], [sflag:$0x1] =	stream.indirect_vreg.gather [hbm4b:s14+s4], $0x80, v30, vm0, $0xb8;
	[tilespmem:$0x1C580] =	vst v63  }
0x132: {  	v29 =	vadd.s32 v19, v29;
	s7 =	simm.s32 $0x5580  }
0x133: {  	[tilespmem:s7], [sflag:$0x1] =	stream.indirect_vreg.gather [hbm4b:s15+s4], $0x80, v30, vm0, $0xb8;
	[tilespmem:$0x1C580] =	vst v63  }
0x134: {  	s7 =	simm.s32 $0x5D80  }
0x135: {  	[tilespmem:s7], [sflag:$0x1] =	stream.indirect_vreg.gather [hbm4b:s16+s4], $0x80, v30, vm0, $0xb8;
	[tilespmem:$0x1C580] =	vst v63  }
0x136: {  	s7 =	simm.s32 $0x6580  }
0x137: {  	[tilespmem:s7], [sflag:$0x1] =	stream.indirect_vreg.gather [hbm4b:s1+s4], $0x80, v29, vm0, $0xb8;
	[tilespmem:$0x1C580] =	vst v63  }
0x138: {  	s7 =	simm.s32 $0x6D80  }
0x139: {  	[tilespmem:s7], [sflag:$0x1] =	stream.indirect_vreg.gather [hbm4b:s14+s4], $0x80, v29, vm0, $0xb8;
	[tilespmem:$0x1C580] =	vst v63  }
0x13a: {  	s7 =	simm.s32 $0x7580  }
0x13b: {  	[tilespmem:s7], [sflag:$0x1] =	stream.indirect_vreg.gather [hbm4b:s15+s4], $0x80, v29, vm0, $0xb8;
	[tilespmem:$0x1C580] =	vst v63  }
0x13c: {  	s7 =	simm.s32 $0x7D80  }
0x13d: {  	[tilespmem:s7], [sflag:$0x1] =	stream.indirect_vreg.gather [hbm4b:s16+s4], $0x80, v29, vm0, $0xb8;
	[tilespmem:$0x1C580] =	vst v63  }
0x13e: {  	_ =	swait.ge [sflag:s5], $0x8000  }
0x13f: {  	[sflag:s5] =	ssyncset.done $0x0  }
0x140: {  	s7 =	rddreg [dreg:$0x15];
	[sflag:s5] =	ssyncadd.s32 $0xFFFF8000  }
0x141: {  	[hbm4b:s7+s4] =	stream.linear.scatter [tilespmem:s6], [sflag:$0x4], $0x8000, $0x38;
	[tilespmem:$0x1C580] =	vst v63  }
0x142: {  	s7 =	rddreg [dreg:$0x16]  }
0x143: {  	[hbm4b:s7+s4] =	stream.linear.scatter [tilespmem:s6], [sflag:$0x4], $0x8000, $0x38;
	[tilespmem:$0x1C580] =	vst v63  }
0x144: {  	s7 =	rddreg [dreg:$0x17]  }
0x145: {  	[hbm4b:s7+s4] =	stream.linear.scatter [tilespmem:s6], [sflag:$0x4], $0x8000, $0x38;
	[tilespmem:$0x1C580] =	vst v63  }
0x146: {  	s7 =	rddreg [dreg:$0x18]  }
0x147: {  	[hbm4b:s7+s4] =	stream.linear.scatter [tilespmem:s6], [sflag:$0x4], $0x8000, $0x38;
	[tilespmem:$0x1C580] =	vst v63  }
0x148: {  	_ =	swait.ge [sflag:s18], $0x8000  }
0x149: {  	[sflag:s18] =	ssyncset.done $0x0  }
0x14a: {  	[sflag:s18] =	ssyncadd.s32 $0xFFFF8000  }
0x14b: {  	_ =	swait.ge [sflag:s18], $0x8000  }
0x14c: {  	[sflag:s18] =	ssyncset.done $0x0  }
0x14d: {  	[sflag:s18] =	ssyncadd.s32 $0xFFFF8000  }
0x14e: {  	_ =	swait.ge [sflag:s18], $0x8000  }
0x14f: {  	[sflag:s18] =	ssyncset.done $0x0  }
0x150: {  	[sflag:s18] =	ssyncadd.s32 $0xFFFF8000  }
0x151: {  	_ =	swait.ge [sflag:s18], $0x8000  }
0x152: {  	[sflag:s18] =	ssyncset.done $0x0  }
0x153: {  	[sflag:s18] =	ssyncadd.s32 $0xFFFF8000  }
0x154: {  	v29 =	vld [tilespmem:$0x480];
	_ =	sdelay $0x4  }
0x155: {  	v30 =	vshll.u32 v29, $0x3  }
0x156: {  	v29 =	vand.u32 $0x7, v29;
	v30 =	vand.u32 $0xFFFFFFC0, v30  }
0x157: {  	v29 =	vor.u32 v29, v30  }
0x158: {  	v30 =	vperm.xlane v29, v18;
	_ =	sdelay $0x1  }
0x159: {  	v30 =	vadd.s32 v19, v30;
	_ =	sdelay $0x4  }
0x15a: {  	[tilespmem:s13], [sflag:$0x2] =	stream.indirect_vreg.gather [hbm4b:s1+s4], $0x80, v30, vm0, $0xb8;
	[tilespmem:$0x1C580] =	vst v63  }
0x15b: {  	s7 =	simm.s32 $0x8D80;
	v29 =	vperm.xlane v29, v22  }
0x15c: {  	[tilespmem:s7], [sflag:$0x2] =	stream.indirect_vreg.gather [hbm4b:s14+s4], $0x80, v30, vm0, $0xb8;
	[tilespmem:$0x1C580] =	vst v63  }
0x15d: {  	v29 =	vadd.s32 v19, v29;
	s7 =	simm.s32 $0x9580  }
0x15e: {  	[tilespmem:s7], [sflag:$0x2] =	stream.indirect_vreg.gather [hbm4b:s15+s4], $0x80, v30, vm0, $0xb8;
	[tilespmem:$0x1C580] =	vst v63  }
0x15f: {  	s7 =	simm.s32 $0x9D80  }
0x160: {  	[tilespmem:s7], [sflag:$0x2] =	stream.indirect_vreg.gather [hbm4b:s16+s4], $0x80, v30, vm0, $0xb8;
	[tilespmem:$0x1C580] =	vst v63  }
0x161: {  	s7 =	simm.s32 $0xA580  }
0x162: {  	[tilespmem:s7], [sflag:$0x2] =	stream.indirect_vreg.gather [hbm4b:s1+s4], $0x80, v29, vm0, $0xb8;
	[tilespmem:$0x1C580] =	vst v63  }
0x163: {  	s7 =	simm.s32 $0xAD80  }
0x164: {  	[tilespmem:s7], [sflag:$0x2] =	stream.indirect_vreg.gather [hbm4b:s14+s4], $0x80, v29, vm0, $0xb8;
	[tilespmem:$0x1C580] =	vst v63  }
0x165: {  	s7 =	simm.s32 $0xB580  }
0x166: {  	[tilespmem:s7], [sflag:$0x2] =	stream.indirect_vreg.gather [hbm4b:s15+s4], $0x80, v29, vm0, $0xb8;
	[tilespmem:$0x1C580] =	vst v63  }
0x167: {  	s7 =	simm.s32 $0xBD80  }
0x168: {  	[tilespmem:s7], [sflag:$0x2] =	stream.indirect_vreg.gather [hbm4b:s16+s4], $0x80, v29, vm0, $0xb8;
	[tilespmem:$0x1C580] =	vst v63  }
0x169: {  	v29 =	vld [tilespmem:$0x490];
	_ =	sdelay $0x4  }
0x16a: {  	v30 =	vshll.u32 v29, $0x3  }
0x16b: {  	v29 =	vand.u32 $0x7, v29;
	v30 =	vand.u32 $0xFFFFFFC0, v30  }
0x16c: {  	v29 =	vor.u32 v29, v30  }
0x16d: {  	v30 =	vperm.xlane v29, v18;
	_ =	sdelay $0x1  }
0x16e: {  	v30 =	vadd.s32 v19, v30;
	_ =	sdelay $0x3  }
0x16f: {  	s7 =	simm.s32 $0xC580  }
0x170: {  	[tilespmem:s7], [sflag:$0x2] =	stream.indirect_vreg.gather [hbm4b:s1+s4], $0x80, v30, vm0, $0xb8;
	[tilespmem:$0x1C580] =	vst v63  }
0x171: {  	v29 =	vperm.xlane v29, v22;
	s7 =	simm.s32 $0xCD80  }
0x172: {  	[tilespmem:s7], [sflag:$0x2] =	stream.indirect_vreg.gather [hbm4b:s14+s4], $0x80, v30, vm0, $0xb8;
	[tilespmem:$0x1C580] =	vst v63  }
0x173: {  	v29 =	vadd.s32 v19, v29;
	s7 =	simm.s32 $0xD580  }
0x174: {  	[tilespmem:s7], [sflag:$0x2] =	stream.indirect_vreg.gather [hbm4b:s15+s4], $0x80, v30, vm0, $0xb8;
	[tilespmem:$0x1C580] =	vst v63  }
0x175: {  	s7 =	simm.s32 $0xDD80  }
0x176: {  	[tilespmem:s7], [sflag:$0x2] =	stream.indirect_vreg.gather [hbm4b:s16+s4], $0x80, v30, vm0, $0xb8;
	[tilespmem:$0x1C580] =	vst v63  }
0x177: {  	s7 =	simm.s32 $0xE580  }
0x178: {  	[tilespmem:s7], [sflag:$0x2] =	stream.indirect_vreg.gather [hbm4b:s1+s4], $0x80, v29, vm0, $0xb8;
	[tilespmem:$0x1C580] =	vst v63  }
0x179: {  	s7 =	simm.s32 $0xED80  }
0x17a: {  	[tilespmem:s7], [sflag:$0x2] =	stream.indirect_vreg.gather [hbm4b:s14+s4], $0x80, v29, vm0, $0xb8;
	[tilespmem:$0x1C580] =	vst v63  }
0x17b: {  	s7 =	simm.s32 $0xF580  }
0x17c: {  	[tilespmem:s7], [sflag:$0x2] =	stream.indirect_vreg.gather [hbm4b:s15+s4], $0x80, v29, vm0, $0xb8;
	[tilespmem:$0x1C580] =	vst v63  }
0x17d: {  	s7 =	simm.s32 $0xFD80  }
0x17e: {  	[tilespmem:s7], [sflag:$0x2] =	stream.indirect_vreg.gather [hbm4b:s16+s4], $0x80, v29, vm0, $0xb8;
	[tilespmem:$0x1C580] =	vst v63  }
0x17f: {  	_ =	swait.ge [sflag:s12], $0x8000  }
0x180: {  	[sflag:s12] =	ssyncset.done $0x0  }
0x181: {  	s7 =	rddreg [dreg:$0x19];
	[sflag:s12] =	ssyncadd.s32 $0xFFFF8000  }
0x182: {  	[hbm4b:s7+s4] =	stream.linear.scatter [tilespmem:s13], [sflag:$0x5], $0x8000, $0x38;
	[tilespmem:$0x1C580] =	vst v63  }
0x183: {  	s7 =	rddreg [dreg:$0x1a]  }
0x184: {  	[hbm4b:s7+s4] =	stream.linear.scatter [tilespmem:s13], [sflag:$0x5], $0x8000, $0x38;
	[tilespmem:$0x1C580] =	vst v63  }
0x185: {  	s7 =	rddreg [dreg:$0x1b]  }
0x186: {  	[hbm4b:s7+s4] =	stream.linear.scatter [tilespmem:s13], [sflag:$0x5], $0x8000, $0x38;
	[tilespmem:$0x1C580] =	vst v63  }
0x187: {  	s7 =	rddreg [dreg:$0x1c]  }
0x188: {  	[hbm4b:s7+s4] =	stream.linear.scatter [tilespmem:s13], [sflag:$0x5], $0x8000, $0x38;
	[tilespmem:$0x1C580] =	vst v63  }
0x189: {  	_ =	swait.ge [sflag:s19], $0x8000  }
0x18a: {  	[sflag:s19] =	ssyncset.done $0x0  }
0x18b: {  	[sflag:s19] =	ssyncadd.s32 $0xFFFF8000  }
0x18c: {  	_ =	swait.ge [sflag:s19], $0x8000  }
0x18d: {  	[sflag:s19] =	ssyncset.done $0x0  }
0x18e: {  	[sflag:s19] =	ssyncadd.s32 $0xFFFF8000  }
0x18f: {  	_ =	swait.ge [sflag:s19], $0x8000  }
0x190: {  	[sflag:s19] =	ssyncset.done $0x0  }
0x191: {  	[sflag:s19] =	ssyncadd.s32 $0xFFFF8000  }
0x192: {  	_ =	swait.ge [sflag:s19], $0x8000  }
0x193: {  	[sflag:s19] =	ssyncset.done $0x0  }
0x194: {  	[sflag:s19] =	ssyncadd.s32 $0xFFFF8000  }
0x195: {  	v29 =	vld [tilespmem:$0x4A0];
	_ =	sdelay $0x4  }
0x196: {  	v30 =	vshll.u32 v29, $0x3  }
0x197: {  	v29 =	vand.u32 $0x7, v29;
	v30 =	vand.u32 $0xFFFFFFC0, v30  }
0x198: {  	v29 =	vor.u32 v29, v30  }
0x199: {  	v30 =	vperm.xlane v29, v18;
	_ =	sdelay $0x1  }
0x19a: {  	v30 =	vadd.s32 v19, v30;
	_ =	sdelay $0x4  }
0x19b: {  	[tilespmem:s10], [sflag:$0x3] =	stream.indirect_vreg.gather [hbm4b:s1+s4], $0x80, v30, vm0, $0xb8;
	[tilespmem:$0x1C580] =	vst v63  }
0x19c: {  	v29 =	vperm.xlane v29, v22  }
0x19d: {  	[tilespmem:s8], [sflag:$0x3] =	stream.indirect_vreg.gather [hbm4b:s14+s4], $0x80, v30, vm0, $0xb8;
	[tilespmem:$0x1C580] =	vst v63  }
0x19e: {  	v29 =	vadd.s32 v19, v29  }
0x19f: {  	[tilespmem:s9], [sflag:$0x3] =	stream.indirect_vreg.gather [hbm4b:s15+s4], $0x80, v30, vm0, $0xb8;
	[tilespmem:$0x1C580] =	vst v63  }
0x1a0: {  	s9 =	simm.s32 $0x11D80  }
0x1a1: {  	[tilespmem:s9], [sflag:$0x3] =	stream.indirect_vreg.gather [hbm4b:s16+s4], $0x80, v30, vm0, $0xb8;
	[tilespmem:$0x1C580] =	vst v63  }
0x1a2: {  	s8 =	simm.s32 $0x12580  }
0x1a3: {  	[tilespmem:s8], [sflag:$0x3] =	stream.indirect_vreg.gather [hbm4b:s1+s4], $0x80, v29, vm0, $0xb8;
	[tilespmem:$0x1C580] =	vst v63  }
0x1a4: {  	s9 =	simm.s32 $0x12D80  }
0x1a5: {  	[tilespmem:s9], [sflag:$0x3] =	stream.indirect_vreg.gather [hbm4b:s14+s4], $0x80, v29, vm0, $0xb8;
	[tilespmem:$0x1C580] =	vst v63  }
0x1a6: {  	s8 =	simm.s32 $0x13580  }
0x1a7: {  	[tilespmem:s8], [sflag:$0x3] =	stream.indirect_vreg.gather [hbm4b:s15+s4], $0x80, v29, vm0, $0xb8;
	[tilespmem:$0x1C580] =	vst v63  }
0x1a8: {  	s9 =	simm.s32 $0x13D80  }
0x1a9: {  	[tilespmem:s9], [sflag:$0x3] =	stream.indirect_vreg.gather [hbm4b:s16+s4], $0x80, v29, vm0, $0xb8;
	[tilespmem:$0x1C580] =	vst v63  }
0x1aa: {  	v29 =	vld [tilespmem:$0x4B0];
	_ =	sdelay $0x4  }
0x1ab: {  	v30 =	vshll.u32 v29, $0x3  }
0x1ac: {  	v29 =	vand.u32 $0x7, v29;
	v30 =	vand.u32 $0xFFFFFFC0, v30  }
0x1ad: {  	v29 =	vor.u32 v29, v30  }
0x1ae: {  	v30 =	vperm.xlane v29, v18;
	_ =	sdelay $0x1  }
0x1af: {  	v30 =	vadd.s32 v19, v30;
	_ =	sdelay $0x3  }
0x1b0: {  	s8 =	simm.s32 $0x14580  }
0x1b1: {  	[tilespmem:s8], [sflag:$0x3] =	stream.indirect_vreg.gather [hbm4b:s1+s4], $0x80, v30, vm0, $0xb8;
	[tilespmem:$0x1C580] =	vst v63  }
0x1b2: {  	s9 =	simm.s32 $0x14D80;
	v29 =	vperm.xlane v29, v22  }
0x1b3: {  	[tilespmem:s9], [sflag:$0x3] =	stream.indirect_vreg.gather [hbm4b:s14+s4], $0x80, v30, vm0, $0xb8;
	[tilespmem:$0x1C580] =	vst v63  }
0x1b4: {  	v29 =	vadd.s32 v19, v29;
	s8 =	simm.s32 $0x15580  }
0x1b5: {  	[tilespmem:s8], [sflag:$0x3] =	stream.indirect_vreg.gather [hbm4b:s15+s4], $0x80, v30, vm0, $0xb8;
	[tilespmem:$0x1C580] =	vst v63  }
0x1b6: {  	s9 =	simm.s32 $0x15D80  }
0x1b7: {  	[tilespmem:s9], [sflag:$0x3] =	stream.indirect_vreg.gather [hbm4b:s16+s4], $0x80, v30, vm0, $0xb8;
	[tilespmem:$0x1C580] =	vst v63  }
0x1b8: {  	s8 =	simm.s32 $0x16580  }
0x1b9: {  	[tilespmem:s8], [sflag:$0x3] =	stream.indirect_vreg.gather [hbm4b:s1+s4], $0x80, v29, vm0, $0xb8;
	[tilespmem:$0x1C580] =	vst v63  }
0x1ba: {  	s9 =	simm.s32 $0x16D80  }
0x1bb: {  	[tilespmem:s9], [sflag:$0x3] =	stream.indirect_vreg.gather [hbm4b:s14+s4], $0x80, v29, vm0, $0xb8;
	[tilespmem:$0x1C580] =	vst v63  }
0x1bc: {  	s8 =	simm.s32 $0x17580  }
0x1bd: {  	[tilespmem:s8], [sflag:$0x3] =	stream.indirect_vreg.gather [hbm4b:s15+s4], $0x80, v29, vm0, $0xb8;
	[tilespmem:$0x1C580] =	vst v63  }
0x1be: {  	s9 =	simm.s32 $0x17D80  }
0x1bf: {  	[tilespmem:s9], [sflag:$0x3] =	stream.indirect_vreg.gather [hbm4b:s16+s4], $0x80, v29, vm0, $0xb8;
	[tilespmem:$0x1C580] =	vst v63  }
0x1c0: {  	_ =	swait.ge [sflag:s11], $0x8000  }
0x1c1: {  	[sflag:s11] =	ssyncset.done $0x0;
	s8 =	rddreg [dreg:$0x1d]  }
0x1c2: {  	s9 =	rddreg [dreg:$0x1e];
	[sflag:s11] =	ssyncadd.s32 $0xFFFF8000  }
0x1c3: {  	[hbm4b:s8+s4] =	stream.linear.scatter [tilespmem:s10], [sflag:$0x6], $0x8000, $0x38;
	[tilespmem:$0x1C580] =	vst v63  }
0x1c4: {  	s8 =	rddreg [dreg:$0x1f]  }
0x1c5: {  	[hbm4b:s9+s4] =	stream.linear.scatter [tilespmem:s10], [sflag:$0x6], $0x8000, $0x38;
	[tilespmem:$0x1C580] =	vst v63  }
0x1c6: {  	s9 =	sld [smem:$0x7F2]  }
0x1c7: {  	[hbm4b:s8+s4] =	stream.linear.scatter [tilespmem:s10], [sflag:$0x6], $0x8000, $0x38;
	[tilespmem:$0x1C580] =	vst v63  }
0x1c8: {  	_ = 	snop  }
0x1c9: {  	[hbm4b:s9+s4] =	stream.linear.scatter [tilespmem:s10], [sflag:$0x6], $0x8000, $0x38;
	[tilespmem:$0x1C580] =	vst v63  }
0x1ca: {  	_ =	swait.ge [sflag:s17], $0x8000  }
0x1cb: {  	[sflag:s17] =	ssyncset.done $0x0  }
0x1cc: {  	[sflag:s17] =	ssyncadd.s32 $0xFFFF8000  }
0x1cd: {  	_ =	swait.ge [sflag:s17], $0x8000  }
0x1ce: {  	[sflag:s17] =	ssyncset.done $0x0  }
0x1cf: {  	[sflag:s17] =	ssyncadd.s32 $0xFFFF8000  }
0x1d0: {  	_ =	swait.ge [sflag:s17], $0x8000  }
0x1d1: {  	[sflag:s17] =	ssyncset.done $0x0  }
0x1d2: {  	[sflag:s17] =	ssyncadd.s32 $0xFFFF8000  }
0x1d3: {  	_ =	swait.ge [sflag:s17], $0x8000  }
0x1d4: {  	[sflag:s17] =	ssyncset.done $0x0  }
0x1d5: {  	[sflag:s17] =	ssyncadd.s32 $0xFFFF8000  }
0x1d6: {  	v29 =	vld [tilespmem:$0x4C0];
	_ =	sdelay $0x4  }
0x1d7: {  	v30 =	vshll.u32 v29, $0x3  }
0x1d8: {  	v29 =	vand.u32 $0x7, v29;
	v30 =	vand.u32 $0xFFFFFFC0, v30  }
0x1d9: {  	v29 =	vor.u32 v29, v30  }
0x1da: {  	v30 =	vperm.xlane v29, v18;
	_ =	sdelay $0x1  }
0x1db: {  	v30 =	vadd.s32 v19, v30;
	_ =	sdelay $0x4  }
0x1dc: {  	[tilespmem:s6], [sflag:$0x1] =	stream.indirect_vreg.gather [hbm4b:s1+s4], $0x80, v30, vm0, $0xb8;
	[tilespmem:$0x1C580] =	vst v63  }
0x1dd: {  	s8 =	simm.s32 $0xD80;
	v29 =	vperm.xlane v29, v22  }
0x1de: {  	[tilespmem:s8], [sflag:$0x1] =	stream.indirect_vreg.gather [hbm4b:s14+s4], $0x80, v30, vm0, $0xb8;
	[tilespmem:$0x1C580] =	vst v63  }
0x1df: {  	s9 =	simm.s32 $0x1580;
	v29 =	vadd.s32 v19, v29  }
0x1e0: {  	[tilespmem:s9], [sflag:$0x1] =	stream.indirect_vreg.gather [hbm4b:s15+s4], $0x80, v30, vm0, $0xb8;
	[tilespmem:$0x1C580] =	vst v63  }
0x1e1: {  	s8 =	simm.s32 $0x1D80  }
0x1e2: {  	[tilespmem:s8], [sflag:$0x1] =	stream.indirect_vreg.gather [hbm4b:s16+s4], $0x80, v30, vm0, $0xb8;
	[tilespmem:$0x1C580] =	vst v63  }
0x1e3: {  	s9 =	simm.s32 $0x2580  }
0x1e4: {  	[tilespmem:s9], [sflag:$0x1] =	stream.indirect_vreg.gather [hbm4b:s1+s4], $0x80, v29, vm0, $0xb8;
	[tilespmem:$0x1C580] =	vst v63  }
0x1e5: {  	s8 =	simm.s32 $0x2D80  }
0x1e6: {  	[tilespmem:s8], [sflag:$0x1] =	stream.indirect_vreg.gather [hbm4b:s14+s4], $0x80, v29, vm0, $0xb8;
	[tilespmem:$0x1C580] =	vst v63  }
0x1e7: {  	s9 =	simm.s32 $0x3580  }
0x1e8: {  	[tilespmem:s9], [sflag:$0x1] =	stream.indirect_vreg.gather [hbm4b:s15+s4], $0x80, v29, vm0, $0xb8;
	[tilespmem:$0x1C580] =	vst v63  }
0x1e9: {  	s8 =	simm.s32 $0x3D80  }
0x1ea: {  	[tilespmem:s8], [sflag:$0x1] =	stream.indirect_vreg.gather [hbm4b:s16+s4], $0x80, v29, vm0, $0xb8;
	[tilespmem:$0x1C580] =	vst v63  }
0x1eb: {  	v29 =	vld [tilespmem:$0x4D0];
	_ =	sdelay $0x4  }
0x1ec: {  	v30 =	vshll.u32 v29, $0x3  }
0x1ed: {  	v29 =	vand.u32 $0x7, v29;
	v30 =	vand.u32 $0xFFFFFFC0, v30  }
0x1ee: {  	v29 =	vor.u32 v29, v30  }
0x1ef: {  	v30 =	vperm.xlane v29, v18;
	_ =	sdelay $0x1  }
0x1f0: {  	v30 =	vadd.s32 v19, v30;
	_ =	sdelay $0x3  }
0x1f1: {  	s9 =	simm.s32 $0x4580  }
0x1f2: {  	[tilespmem:s9], [sflag:$0x1] =	stream.indirect_vreg.gather [hbm4b:s1+s4], $0x80, v30, vm0, $0xb8;
	[tilespmem:$0x1C580] =	vst v63  }
0x1f3: {  	s8 =	simm.s32 $0x4D80;
	v29 =	vperm.xlane v29, v22  }
0x1f4: {  	[tilespmem:s8], [sflag:$0x1] =	stream.indirect_vreg.gather [hbm4b:s14+s4], $0x80, v30, vm0, $0xb8;
	[tilespmem:$0x1C580] =	vst v63  }
0x1f5: {  	v29 =	vadd.s32 v19, v29;
	s9 =	simm.s32 $0x5580  }
0x1f6: {  	[tilespmem:s9], [sflag:$0x1] =	stream.indirect_vreg.gather [hbm4b:s15+s4], $0x80, v30, vm0, $0xb8;
	[tilespmem:$0x1C580] =	vst v63  }
0x1f7: {  	s8 =	simm.s32 $0x5D80  }
0x1f8: {  	[tilespmem:s8], [sflag:$0x1] =	stream.indirect_vreg.gather [hbm4b:s16+s4], $0x80, v30, vm0, $0xb8;
	[tilespmem:$0x1C580] =	vst v63  }
0x1f9: {  	s9 =	simm.s32 $0x6580  }
0x1fa: {  	[tilespmem:s9], [sflag:$0x1] =	stream.indirect_vreg.gather [hbm4b:s1+s4], $0x80, v29, vm0, $0xb8;
	[tilespmem:$0x1C580] =	vst v63  }
0x1fb: {  	s8 =	simm.s32 $0x6D80  }
0x1fc: {  	[tilespmem:s8], [sflag:$0x1] =	stream.indirect_vreg.gather [hbm4b:s14+s4], $0x80, v29, vm0, $0xb8;
	[tilespmem:$0x1C580] =	vst v63  }
0x1fd: {  	s9 =	simm.s32 $0x7580  }
0x1fe: {  	[tilespmem:s9], [sflag:$0x1] =	stream.indirect_vreg.gather [hbm4b:s15+s4], $0x80, v29, vm0, $0xb8;
	[tilespmem:$0x1C580] =	vst v63  }
0x1ff: {  	s8 =	simm.s32 $0x7D80  }
0x200: {  	[tilespmem:s8], [sflag:$0x1] =	stream.indirect_vreg.gather [hbm4b:s16+s4], $0x80, v29, vm0, $0xb8;
	[tilespmem:$0x1C580] =	vst v63  }
0x201: {  	_ =	swait.ge [sflag:s5], $0x8000  }
0x202: {  	s9 =	sld [smem:$0x7F3]  }
0x203: {  	[sflag:s5] =	ssyncset.done $0x0  }
0x204: {  	s8 =	sld [smem:$0x7F4];
	[sflag:s5] =	ssyncadd.s32 $0xFFFF8000  }
0x205: {  	[hbm4b:s9+s4] =	stream.linear.scatter [tilespmem:s6], [sflag:$0x4], $0x8000, $0x38;
	[tilespmem:$0x1C580] =	vst v63  }
0x206: {  	s9 =	sld [smem:$0x7F5]  }
0x207: {  	[hbm4b:s8+s4] =	stream.linear.scatter [tilespmem:s6], [sflag:$0x4], $0x8000, $0x38;
	[tilespmem:$0x1C580] =	vst v63  }
0x208: {  	s8 =	sld [smem:$0x7F6]  }
0x209: {  	[hbm4b:s9+s4] =	stream.linear.scatter [tilespmem:s6], [sflag:$0x4], $0x8000, $0x38;
	[tilespmem:$0x1C580] =	vst v63  }
0x20a: {  	_ = 	snop  }
0x20b: {  	[hbm4b:s8+s4] =	stream.linear.scatter [tilespmem:s6], [sflag:$0x4], $0x8000, $0x38;
	[tilespmem:$0x1C580] =	vst v63  }
0x20c: {  	_ =	swait.ge [sflag:s18], $0x8000  }
0x20d: {  	[sflag:s18] =	ssyncset.done $0x0  }
0x20e: {  	[sflag:s18] =	ssyncadd.s32 $0xFFFF8000  }
0x20f: {  	_ =	swait.ge [sflag:s18], $0x8000  }
0x210: {  	[sflag:s18] =	ssyncset.done $0x0  }
0x211: {  	[sflag:s18] =	ssyncadd.s32 $0xFFFF8000  }
0x212: {  	_ =	swait.ge [sflag:s18], $0x8000  }
0x213: {  	[sflag:s18] =	ssyncset.done $0x0  }
0x214: {  	[sflag:s18] =	ssyncadd.s32 $0xFFFF8000  }
0x215: {  	_ =	swait.ge [sflag:s18], $0x8000  }
0x216: {  	[sflag:s18] =	ssyncset.done $0x0  }
0x217: {  	[sflag:s18] =	ssyncadd.s32 $0xFFFF8000  }
0x218: {  	v29 =	vld [tilespmem:$0x4E0];
	_ =	sdelay $0x4  }
0x219: {  	v30 =	vshll.u32 v29, $0x3  }
0x21a: {  	v29 =	vand.u32 $0x7, v29;
	v30 =	vand.u32 $0xFFFFFFC0, v30  }
0x21b: {  	v29 =	vor.u32 v29, v30  }
0x21c: {  	v30 =	vperm.xlane v29, v18;
	_ =	sdelay $0x1  }
0x21d: {  	v30 =	vadd.s32 v19, v30;
	_ =	sdelay $0x4  }
0x21e: {  	[tilespmem:s13], [sflag:$0x2] =	stream.indirect_vreg.gather [hbm4b:s1+s4], $0x80, v30, vm0, $0xb8;
	[tilespmem:$0x1C580] =	vst v63  }
0x21f: {  	s9 =	simm.s32 $0x8D80;
	v29 =	vperm.xlane v29, v22  }
0x220: {  	[tilespmem:s9], [sflag:$0x2] =	stream.indirect_vreg.gather [hbm4b:s14+s4], $0x80, v30, vm0, $0xb8;
	[tilespmem:$0x1C580] =	vst v63  }
0x221: {  	s8 =	simm.s32 $0x9580;
	v29 =	vadd.s32 v19, v29  }
0x222: {  	[tilespmem:s8], [sflag:$0x2] =	stream.indirect_vreg.gather [hbm4b:s15+s4], $0x80, v30, vm0, $0xb8;
	[tilespmem:$0x1C580] =	vst v63  }
0x223: {  	s9 =	simm.s32 $0x9D80  }
0x224: {  	[tilespmem:s9], [sflag:$0x2] =	stream.indirect_vreg.gather [hbm4b:s16+s4], $0x80, v30, vm0, $0xb8;
	[tilespmem:$0x1C580] =	vst v63  }
0x225: {  	s8 =	simm.s32 $0xA580  }
0x226: {  	[tilespmem:s8], [sflag:$0x2] =	stream.indirect_vreg.gather [hbm4b:s1+s4], $0x80, v29, vm0, $0xb8;
	[tilespmem:$0x1C580] =	vst v63  }
0x227: {  	s9 =	simm.s32 $0xAD80  }
0x228: {  	[tilespmem:s9], [sflag:$0x2] =	stream.indirect_vreg.gather [hbm4b:s14+s4], $0x80, v29, vm0, $0xb8;
	[tilespmem:$0x1C580] =	vst v63  }
0x229: {  	s8 =	simm.s32 $0xB580  }
0x22a: {  	[tilespmem:s8], [sflag:$0x2] =	stream.indirect_vreg.gather [hbm4b:s15+s4], $0x80, v29, vm0, $0xb8;
	[tilespmem:$0x1C580] =	vst v63  }
0x22b: {  	s9 =	simm.s32 $0xBD80  }
0x22c: {  	[tilespmem:s9], [sflag:$0x2] =	stream.indirect_vreg.gather [hbm4b:s16+s4], $0x80, v29, vm0, $0xb8;
	[tilespmem:$0x1C580] =	vst v63  }
0x22d: {  	v29 =	vld [tilespmem:$0x4F0];
	_ =	sdelay $0x4  }
0x22e: {  	v30 =	vshll.u32 v29, $0x3  }
0x22f: {  	v29 =	vand.u32 $0x7, v29;
	v30 =	vand.u32 $0xFFFFFFC0, v30  }
0x230: {  	v29 =	vor.u32 v29, v30  }
0x231: {  	v30 =	vperm.xlane v29, v18;
	_ =	sdelay $0x1  }
0x232: {  	v30 =	vadd.s32 v19, v30;
	_ =	sdelay $0x3  }
0x233: {  	s8 =	simm.s32 $0xC580  }
0x234: {  	[tilespmem:s8], [sflag:$0x2] =	stream.indirect_vreg.gather [hbm4b:s1+s4], $0x80, v30, vm0, $0xb8;
	[tilespmem:$0x1C580] =	vst v63  }
0x235: {  	s9 =	simm.s32 $0xCD80;
	v29 =	vperm.xlane v29, v22  }
0x236: {  	[tilespmem:s9], [sflag:$0x2] =	stream.indirect_vreg.gather [hbm4b:s14+s4], $0x80, v30, vm0, $0xb8;
	[tilespmem:$0x1C580] =	vst v63  }
0x237: {  	v29 =	vadd.s32 v19, v29;
	s8 =	simm.s32 $0xD580  }
0x238: {  	[tilespmem:s8], [sflag:$0x2] =	stream.indirect_vreg.gather [hbm4b:s15+s4], $0x80, v30, vm0, $0xb8;
	[tilespmem:$0x1C580] =	vst v63  }
0x239: {  	s9 =	simm.s32 $0xDD80  }
0x23a: {  	[tilespmem:s9], [sflag:$0x2] =	stream.indirect_vreg.gather [hbm4b:s16+s4], $0x80, v30, vm0, $0xb8;
	[tilespmem:$0x1C580] =	vst v63  }
0x23b: {  	s8 =	simm.s32 $0xE580  }
0x23c: {  	[tilespmem:s8], [sflag:$0x2] =	stream.indirect_vreg.gather [hbm4b:s1+s4], $0x80, v29, vm0, $0xb8;
	[tilespmem:$0x1C580] =	vst v63  }
0x23d: {  	s9 =	simm.s32 $0xED80  }
0x23e: {  	[tilespmem:s9], [sflag:$0x2] =	stream.indirect_vreg.gather [hbm4b:s14+s4], $0x80, v29, vm0, $0xb8;
	[tilespmem:$0x1C580] =	vst v63  }
0x23f: {  	s8 =	simm.s32 $0xF580  }
0x240: {  	[tilespmem:s8], [sflag:$0x2] =	stream.indirect_vreg.gather [hbm4b:s15+s4], $0x80, v29, vm0, $0xb8;
	[tilespmem:$0x1C580] =	vst v63  }
0x241: {  	s9 =	simm.s32 $0xFD80  }
0x242: {  	[tilespmem:s9], [sflag:$0x2] =	stream.indirect_vreg.gather [hbm4b:s16+s4], $0x80, v29, vm0, $0xb8;
	[tilespmem:$0x1C580] =	vst v63  }
0x243: {  	_ =	swait.ge [sflag:s12], $0x8000  }
0x244: {  	s8 =	sld [smem:$0x7F7]  }
0x245: {  	[sflag:s12] =	ssyncset.done $0x0  }
0x246: {  	s9 =	sld [smem:$0x7F8];
	[sflag:s12] =	ssyncadd.s32 $0xFFFF8000  }
0x247: {  	[hbm4b:s8+s4] =	stream.linear.scatter [tilespmem:s13], [sflag:$0x5], $0x8000, $0x38;
	[tilespmem:$0x1C580] =	vst v63  }
0x248: {  	s8 =	sld [smem:$0x7F9]  }
0x249: {  	[hbm4b:s9+s4] =	stream.linear.scatter [tilespmem:s13], [sflag:$0x5], $0x8000, $0x38;
	[tilespmem:$0x1C580] =	vst v63  }
0x24a: {  	s9 =	sld [smem:$0x7FA]  }
0x24b: {  	[hbm4b:s8+s4] =	stream.linear.scatter [tilespmem:s13], [sflag:$0x5], $0x8000, $0x38;
	[tilespmem:$0x1C580] =	vst v63  }
0x24c: {  	_ = 	snop  }
0x24d: {  	[hbm4b:s9+s4] =	stream.linear.scatter [tilespmem:s13], [sflag:$0x5], $0x8000, $0x38;
	[tilespmem:$0x1C580] =	vst v63  }
0x24e: {  	_ =	swait.ge [sflag:s19], $0x8000  }
0x24f: {  	[sflag:s19] =	ssyncset.done $0x0  }
0x250: {  	[sflag:s19] =	ssyncadd.s32 $0xFFFF8000  }
0x251: {  	_ =	swait.ge [sflag:s19], $0x8000  }
0x252: {  	[sflag:s19] =	ssyncset.done $0x0  }
0x253: {  	[sflag:s19] =	ssyncadd.s32 $0xFFFF8000  }
0x254: {  	_ =	swait.ge [sflag:s19], $0x8000  }
0x255: {  	[sflag:s19] =	ssyncset.done $0x0  }
0x256: {  	[sflag:s19] =	ssyncadd.s32 $0xFFFF8000  }
0x257: {  	_ =	swait.ge [sflag:s19], $0x8000  }
0x258: {  	[sflag:s19] =	ssyncset.done $0x0  }
0x259: {  	[sflag:s19] =	ssyncadd.s32 $0xFFFF8000  }
0x25a: {  	_ =	swait.ge [sflag:s17], $0x8000  }
0x25b: {  	[sflag:s17] =	ssyncset.done $0x0  }
0x25c: {  	[sflag:s17] =	ssyncadd.s32 $0xFFFF8000  }
0x25d: {  	_ =	swait.ge [sflag:s17], $0x8000  }
0x25e: {  	[sflag:s17] =	ssyncset.done $0x0  }
0x25f: {  	[sflag:s17] =	ssyncadd.s32 $0xFFFF8000  }
0x260: {  	_ =	swait.ge [sflag:s17], $0x8000  }
0x261: {  	[sflag:s17] =	ssyncset.done $0x0  }
0x262: {  	[sflag:s17] =	ssyncadd.s32 $0xFFFF8000  }
0x263: {  	_ =	swait.ge [sflag:s17], $0x8000  }
0x264: {  	[sflag:s17] =	ssyncset.done $0x0  }
0x265: {  	[sflag:s17] =	ssyncadd.s32 $0xFFFF8000  }
0x266: {  	_ =	swait.ge [sflag:s18], $0x8000  }
0x267: {  	[sflag:s18] =	ssyncset.done $0x0  }
0x268: {  	[sflag:s18] =	ssyncadd.s32 $0xFFFF8000  }
0x269: {  	_ =	swait.ge [sflag:s18], $0x8000  }
0x26a: {  	[sflag:s18] =	ssyncset.done $0x0  }
0x26b: {  	[sflag:s18] =	ssyncadd.s32 $0xFFFF8000  }
0x26c: {  	_ =	swait.ge [sflag:s18], $0x8000  }
0x26d: {  	[sflag:s18] =	ssyncset.done $0x0  }
0x26e: {  	[sflag:s18] =	ssyncadd.s32 $0xFFFF8000  }
0x26f: {  	_ =	swait.ge [sflag:s18], $0x8000  }
0x270: {  	[sflag:s18] =	ssyncset.done $0x0  }
0x271: {  	s7 =	simm.s32 $0x0;
	s8 =	simm.s32 $0x0;
	[sflag:s18] =	ssyncadd.s32 $0xFFFF8000  }
.LBB2_2:
0x272: {  	v29 =	vld [tilespmem:s7+$0x0];
	_ =	sdelay $0x4  }
0x273: {  	vm1 =	veq.s32 v29, $0x1  }
0x274: {  	v29 =	vsel vm1, $0x1, v27  }
0x275: {  	v30 =	vperm.xlane v29, v23;
	_ =	sdelay $0x1  }
0x276: {  	vm2 =	vgt.s32 v29, v30  }
0x277: {  	v29 =	vsel vm2, v29, v30  }
0x278: {  	v30 =	vperm.xlane v29, v24;
	_ =	sdelay $0x1  }
0x279: {  	vm2 =	vgt.s32 v29, v30  }
0x27a: {  	v29 =	vsel vm2, v29, v30  }
0x27b: {  	v30 =	vperm.xlane v29, v26;
	_ =	sdelay $0x1  }
0x27c: {  	vm2 =	vgt.s32 v29, v30  }
0x27d: {  	v29 =	vsel vm2, v29, v30  }
0x27e: {  	v30 =	vperm.xlane v29, v28;
	_ =	sdelay $0x1  }
0x27f: {  	vm2 =	vgt.s32 v29, v30  }
0x280: {  	v29 =	vsel vm2, v29, v30  }
0x281: {  	(v2sf) =	vpush v29, $0x0;
	_ =	sdelay $0xe  }
0x282: {  	s9 =	spop (v2sf)  }
0x283: {  	p0 =	seq.s32 s9, $0x0  }
0x284: {  	v29 =	vmov @!p0 s8;
	v30 =	vor.u32 @!p0 s8, v0  }
0x285: {  	v30 =	vand.u32 @!p0 $0xFF, v30;
	v29 =	vshll.u32 @!p0 v29, $0x5  }
0x286: {  	v29 =	vand.u32 @!p0 $0x6000, v29;
	v30 =	vor.u32 @!p0 v20, v30  }
0x287: {  	v29 =	vor.u32 @!p0 v29, v30  }
0x288: {  	v30 =	vnsel @!p0 vm1, $0xFFFFFFFF, v29  }
0x289: {  	v31 =	vperm.xlane @!p0 v30, v23;
	_ =	sdelay $0x1  }
0x28a: {  	vm2 =	vgt.s32 @!p0 v30, v31  }
0x28b: {  	v30 =	vsel @!p0 vm2, v30, v31  }
0x28c: {  	v31 =	vperm.xlane @!p0 v30, v24;
	_ =	sdelay $0x1  }
0x28d: {  	vm2 =	vgt.s32 @!p0 v30, v31  }
0x28e: {  	v30 =	vsel @!p0 vm2, v30, v31  }
0x28f: {  	v31 =	vperm.xlane @!p0 v30, v26;
	_ =	sdelay $0x1  }
0x290: {  	vm2 =	vgt.s32 @!p0 v30, v31  }
0x291: {  	v30 =	vsel @!p0 vm2, v30, v31  }
0x292: {  	v31 =	vperm.xlane @!p0 v30, v28;
	_ =	sdelay $0x1  }
0x293: {  	vm2 =	vgt.s32 @!p0 v30, v31  }
0x294: {  	v30 =	vsel @!p0 vm2, v30, v31  }
0x295: {  	v29 =	vsel @!p0 vm1, v29, v30  }
0x296: {  	v30 =	vshll.u32 @!p0 v29, $0x3  }
0x297: {  	v31 =	vand.u32 @!p0 $0x7, v29;
	v30 =	vand.u32 @!p0 $0xFFFFFFC0, v30  }
0x298: {  	v30 =	vor.u32 @!p0 v31, v30  }
0x299: {  	v31 =	vperm.xlane @!p0 v30, v18;
	_ =	sdelay $0x1  }
0x29a: {  	v31 =	vadd.s32 @!p0 v19, v31;
	_ =	sdelay $0x3  }
0x29b: {  	[tilespmem:$0x500] =	vst @!p0 v29  }
0x29c: {  	[hbm4b:s2+s4] =	stream.indirect_vreg.scatter @!p0 [tilespmem:s25], [sflag:$0x1], $0x80, v31, vm0, $0xb8;
	[tilespmem:$0x1C580] =	vst v63  }
0x29d: {  	v29 =	vperm.xlane @!p0 v30, v22  }
0x29e: {  	[hbm4b:s21+s4] =	stream.indirect_vreg.scatter @!p0 [tilespmem:s26], [sflag:$0x1], $0x80, v31, vm0, $0xb8;
	[tilespmem:$0x1C580] =	vst v63  }
0x29f: {  	v29 =	vadd.s32 @!p0 v19, v29  }
0x2a0: {  	[hbm4b:s22+s4] =	stream.indirect_vreg.scatter @!p0 [tilespmem:s28], [sflag:$0x1], $0x80, v31, vm0, $0xb8;
	[tilespmem:$0x1C580] =	vst v63  }
0x2a1: {  	_ = 	snop  }
0x2a2: {  	[hbm4b:s23+s4] =	stream.indirect_vreg.scatter @!p0 [tilespmem:s29], [sflag:$0x1], $0x80, v31, vm0, $0xb8;
	[tilespmem:$0x1C580] =	vst v63  }
0x2a3: {  	_ = 	snop  }
0x2a4: {  	[hbm4b:s2+s4] =	stream.indirect_vreg.scatter @!p0 [tilespmem:s30], [sflag:$0x1], $0x80, v29, vm0, $0xb8;
	[tilespmem:$0x1C580] =	vst v63  }
0x2a5: {  	_ = 	snop  }
0x2a6: {  	[hbm4b:s21+s4] =	stream.indirect_vreg.scatter @!p0 [tilespmem:s31], [sflag:$0x1], $0x80, v29, vm0, $0xb8;
	[tilespmem:$0x1C580] =	vst v63  }
0x2a7: {  	_ = 	snop  }
0x2a8: {  	[hbm4b:s22+s4] =	stream.indirect_vreg.scatter @!p0 [tilespmem:s0], [sflag:$0x1], $0x80, v29, vm0, $0xb8;
	[tilespmem:$0x1C580] =	vst v63  }
0x2a9: {  	_ = 	snop  }
0x2aa: {  	[hbm4b:s23+s4] =	stream.indirect_vreg.scatter @!p0 [tilespmem:s3], [sflag:$0x1], $0x80, v29, vm0, $0xb8;
	[tilespmem:$0x1C580] =	vst v63  }
0x2ab: {  	_ =	swait.ge @!p0 [sflag:s5], $0x4000  }
0x2ac: {  	s8 =	sadd.s32 $0x10, s8;
	[sflag:s5] =	ssyncset.done @!p0 $0x0  }
0x2ad: {  	[sflag:s5] =	ssyncadd.s32 @!p0 $0xFFFFC000;
	p0 =	sne.s32 s8, $0x400  }
.Ltmp0:
0x2ae: {  	_ = 	snop;
	(pc) =	sbr.rel @p0 .LBB2_2-.Ltmp0, $2  }
0x2af: {  	_ =	sdelay $0x2  }
0x2b0: {  	s7 =	sadd.s32 $0x10, s7  }
0x2b1: {  	s20 =	sadd.s32 $0x1, s20;
	s7 =	rddreg [dreg:$0xc]  }
0x2b2: {  	p0 =	sne.s32 s20, s7  }
.Ltmp1:
0x2b3: {  	_ = 	snop;
	(pc) =	sbr.rel @p0 .LBB2_1-.Ltmp1, $1  }
0x2b4: {  	_ =	sdelay $0x3  }
0x2b5: {  	_ =	sfence.sel $0x180000  }
0x2b6: {  	[bflag:$0x0] =	sbarrier.arrive $0xFFFF  }
0x2b7: {  	_ =	strace $0x90000047  }
0x2b8: {  	s0 =	stileid.u32;
	[bflag:$0x2] =	sbarrier.arrive $0xFFFF  }
0x2b9: {  	p0 =	sne.s32 s0, $0x0;
	s0 =	rddreg [dreg:$0x3]  }
0x2ba: {  	s0 =	sadd.s32 @!p0 $0x100000, s0  }
0x2bb: {  	[sflag:s0] =	ssyncadd.tile.s32 @!p0 $0x1;
	_ =	shalt  }
.Lfunc_end2:
_tile_overlayer_lowered:
.L_overlay_start_2:
0x2bc: {  	(tag) =	ssettag $0x2  }
0x2bd: {  	s0 =	rddreg [dreg:$0x0];
	s2 =	stileid.u32  }
0x2be: {  	s1 =	rddreg [dreg:$0x1];
	p0 =	sne.s32 s2, $0x0  }
0x2bf: {  	s3 =	rddreg [dreg:$0x2];
	[bflag:$0x3] =	sbarrier.arrive $0xFFFF;
	s2 =	simm.s32 @!p0 $0x1C07  }
0x2c0: {  	[timem:s3], [sflag:s2] =	dma.local @!p0 [hbm:s0], s1  }
0x2c1: {  	s0 =	simm.s32 @!p0 $0x7  }
0x2c2: {  	_ =	swait.ge @!p0 [sflag:s0], s1  }
0x2c3: {  	s1 =	ssub.s32 @!p0 $0x0, s1;
	[sflag:s0] =	ssyncset.done @!p0 $0x0  }
0x2c4: {  	[sflag:s0] =	ssyncadd.s32 @!p0 s1  }
0x2c5: {  	[bflag:$0x3] =	sbarrier.arrive $0xFFFF  }
0x2c6: {  	_ =	shalt  }

</sc_bundles>
